<compile_context>
chip_gen: v7x
topology: tpu7x:2x2x1
jax: 0.10.2.dev20260603
libtpu: 0.0.44.dev20260713+nightly
codegen_flags: <defaults>
</compile_context>

<pallas_src>
import jax
import jax.numpy as jnp
from jax import lax
from jax.experimental import pallas as pl
from jax.experimental.pallas import tpu as pltpu
from jax.experimental.pallas import tpu_sc as plsc

NC = 2
NS = 16
L = 16

N = 32768
DM = 768
R = 4096
J = 28672

DEFAULT_SLOT = R
TOK_PER_SUB = N // NS
R_PER_TILE = R // (NC * NS)
J_PER_TILE = J // (NC * NS)
CHA = 32
J_PER_W = J // (NC * NS)
CH = 64
CHB = 32
FIX_CAP = J_PER_W + CH


def _iota16():
  return lax.iota(jnp.int32, L)


def _gather_pos_body(x_ref, idr_ref, ids_ref,
                     red_ref, xt1_ref, cntr_ref, slots_ref,
                     tbuf, posslice, cntslice, pos_local, cnt_local,
                     idx0, idx1, rowbuf0, rowbuf1, lkpbuf, cntf,
                     shared_pos, shared_cnt,
                     gsem0, gsem1, wsem0, wsem1):
  c = lax.axis_index("c")
  s = lax.axis_index("s")
  wid = s * NC + c
  rowbufs = (rowbuf0, rowbuf1)
  idxs = (idx0, idx1)
  gsems = (gsem0, gsem1)
  wsems = (wsem0, wsem1)

  pltpu.sync_copy(idr_ref, tbuf)
  base0 = wid * R_PER_TILE

  def load_idx(q, b):
    off = 1 if q >= 4 else 0
    for k in range(CHA // L):
      pos = base0 + (q % 4) * CHA + k * L
      idxs[b][pl.ds(k * L, L)] = tbuf[pl.ds(pos, L)] + off

  def dst_slice(q):
    ref = red_ref if q < 4 else xt1_ref
    return ref.at[pl.ds(base0 + (q % 4) * CHA, CHA)]

  def build_pos_cnt():
    lo = s * TOK_PER_SUB

    def init_body(k, _):
      posslice[pl.ds(k * L, L)] = jnp.full((L,), DEFAULT_SLOT, jnp.int32)
      cntslice[pl.ds(k * L, L)] = jnp.zeros((L,), jnp.int32)
      return 0
    lax.fori_loop(0, TOK_PER_SUB // L, init_body, 0)

    def scat_body(k, _):
      tv = tbuf[pl.ds(k * L, L)] + 1
      sl = _iota16() + k * L
      m = (tv >= lo) & (tv < lo + TOK_PER_SUB)
      idx = jnp.where(m, tv - lo, 0)
      plsc.store_scatter(posslice, [idx], sl, mask=m)
      plsc.addupdate_scatter(cntslice, [idx], jnp.ones((L,), jnp.int32),
                             mask=m)
      return 0
    lax.fori_loop(0, R // L, scat_body, 0)

  load_idx(0, 0)
  pltpu.async_copy(x_ref.at[idx0], rowbuf0, gsem0)
  for q in range(8):
    b = q & 1
    if q < 7:
      load_idx(q + 1, 1 - b)
      if q >= 1:
        pltpu.make_async_copy(rowbufs[1 - b], dst_slice(q - 1),
                              wsems[1 - b]).wait()
      pltpu.async_copy(x_ref.at[idxs[1 - b]], rowbufs[1 - b], gsems[1 - b])
    if q == 0:
      build_pos_cnt()
    pltpu.make_async_copy(x_ref.at[idxs[b]], rowbufs[b], gsems[b]).wait()
    pltpu.async_copy(rowbufs[b], dst_slice(q), wsems[b])
  pltpu.make_async_copy(rowbuf0, dst_slice(6), wsem0).wait()
  pltpu.make_async_copy(rowbuf1, dst_slice(7), wsem1).wait()

  lo = s * TOK_PER_SUB
  pltpu.sync_copy(posslice, shared_pos.at[pl.ds(lo, TOK_PER_SUB)])
  pltpu.sync_copy(cntslice, shared_cnt.at[pl.ds(lo, TOK_PER_SUB)])
  plsc.subcore_barrier()
  pltpu.sync_copy(shared_pos, pos_local)
  pltpu.sync_copy(shared_cnt, cnt_local)

  def lkr(k, _):
    tv = tbuf[pl.ds(base0 + k * L, L)] + 1
    cv = plsc.load_gather(cnt_local, [tv])
    cntf[pl.ds(k * L, L)] = cv.astype(jnp.float32)
    return 0
  lax.fori_loop(0, R_PER_TILE // L, lkr, 0)
  pltpu.sync_copy(cntf, cntr_ref.at[pl.ds(base0, R_PER_TILE)])

  pltpu.sync_copy(ids_ref.at[pl.ds(wid * J_PER_TILE, J_PER_TILE)], lkpbuf)

  def lks(k, _):
    sv = lkpbuf[pl.ds(k * L, L)]
    lkpbuf[pl.ds(k * L, L)] = plsc.load_gather(pos_local, [sv])
    return 0
  lax.fori_loop(0, J_PER_TILE // L, lks, 0)
  pltpu.sync_copy(lkpbuf, slots_ref.at[pl.ds(wid * J_PER_TILE, J_PER_TILE)])


def _sc_gather_pos(x_flat, ids_to_reduce, ids_to_save):
  mesh = plsc.VectorSubcoreMesh(core_axis_name="c", subcore_axis_name="s")
  return pl.kernel(
      _gather_pos_body,
      out_type=[
          jax.ShapeDtypeStruct((R, DM), jnp.float32),
          jax.ShapeDtypeStruct((R, DM), jnp.float32),
          jax.ShapeDtypeStruct((R,), jnp.float32),
          jax.ShapeDtypeStruct((J,), jnp.int32),
      ],
      mesh=mesh,
      compiler_params=pltpu.CompilerParams(needs_layout_passes=False),
      scratch_types=[
          pltpu.VMEM((R,), jnp.int32),
          pltpu.VMEM((TOK_PER_SUB,), jnp.int32),
          pltpu.VMEM((TOK_PER_SUB,), jnp.int32),
          pltpu.VMEM((N,), jnp.int32),
          pltpu.VMEM((N,), jnp.int32),
          pltpu.VMEM((CHA,), jnp.int32),
          pltpu.VMEM((CHA,), jnp.int32),
          pltpu.VMEM((CHA, DM), jnp.float32),
          pltpu.VMEM((CHA, DM), jnp.float32),
          pltpu.VMEM((J_PER_TILE,), jnp.int32),
          pltpu.VMEM((R_PER_TILE,), jnp.float32),
          pltpu.VMEM_SHARED((N,), jnp.int32),
          pltpu.VMEM_SHARED((N,), jnp.int32),
          pltpu.SemaphoreType.DMA,
          pltpu.SemaphoreType.DMA,
          pltpu.SemaphoreType.DMA,
          pltpu.SemaphoreType.DMA,
      ],
  )(x_flat, ids_to_reduce, ids_to_save)


def _mm_body(a_ref, w_ref, xt1_ref, cnt_ref, o_ref):
  prod = lax.dot_general(
      a_ref[...], w_ref[...], (((1,), (1,)), ((), ())),
      preferred_element_type=jnp.float32)
  o_ref[...] = prod * cnt_ref[0, 0, :][:, None] + xt1_ref[...]


def _tc_matmul(reduced, w, xt1, cnt_r):
  return pl.pallas_call(
      _mm_body,
      grid=(16,),
      in_specs=[
          pl.BlockSpec((R // 16, DM), lambda i: (i, 0)),
          pl.BlockSpec((DM, DM), lambda i: (0, 0)),
          pl.BlockSpec((R // 16, DM), lambda i: (i, 0)),
          pl.BlockSpec((1, 1, R // 16), lambda i: (i, 0, 0)),
      ],
      out_specs=pl.BlockSpec((R // 16, DM), lambda i: (i, 0)),
      out_shape=jax.ShapeDtypeStruct((R, DM), jnp.float32),
  )(reduced, w, xt1, cnt_r.reshape(16, 1, R // 16))


def _bulk_body(x_ref, ids_ref, out_ref,
               buf0, buf1, buf2, buf3, idsbuf, idx0, idx1, idx2, idx3,
               g0, g1, g2, g3, w0, w1, w2, w3):
  c = lax.axis_index("c")
  s = lax.axis_index("s")
  wid = s * NC + c
  jbase = wid * J_PER_W
  bufs = (buf0, buf1, buf2, buf3)
  idxs = (idx0, idx1, idx2, idx3)
  gsems = (g0, g1, g2, g3)
  wsems = (w0, w1, w2, w3)
  nchunks = J_PER_W // CHB

  pltpu.sync_copy(ids_ref.at[pl.ds(jbase, J_PER_W)], idsbuf)

  def load_idx(q, b):
    def cp(k, _):
      idxs[b][pl.ds(k * L, L)] = idsbuf[pl.ds(q * CHB + k * L, L)]
      return 0
    lax.fori_loop(0, CHB // L, cp, 0)

  for p in range(3):
    load_idx(p, p)
    pltpu.async_copy(x_ref.at[idxs[p]], bufs[p], gsems[p])

  def chunk_step(q2, qq):
    q = 4 * q2 + qq
    b = qq
    bn = (qq + 3) % 4
    base = jbase + q * CHB

    def feed():
      load_idx(q + 3, bn)

      def wait_prev_write():
        pltpu.make_async_copy(bufs[bn], out_ref.at[pl.ds(0, CHB)],
                              wsems[bn]).wait()
      if qq == 0:
        pl.when(q2 > 0)(wait_prev_write)
      else:
        wait_prev_write()
      pltpu.async_copy(x_ref.at[idxs[bn]], bufs[bn], gsems[bn])

    if qq == 0:
      feed()
    else:
      pl.when(q2 < 6)(feed)

    pltpu.make_async_copy(x_ref.at[idxs[b]], bufs[b], gsems[b]).wait()
    pltpu.async_copy(bufs[b], out_ref.at[pl.ds(base, CHB)], wsems[b])

  def outer(q2, carry):
    for qq in range(4):
      chunk_step(q2, qq)
    return carry
  lax.fori_loop(0, nchunks // 4, outer, 0)
  for p in range(4):
    q = 24 + p
    pltpu.make_async_copy(bufs[q % 4], out_ref.at[pl.ds(0, CHB)],
                          wsems[q % 4]).wait()


def _sc_bulk(x_flat, ids_to_save):
  mesh = plsc.VectorSubcoreMesh(core_axis_name="c", subcore_axis_name="s")
  return pl.kernel(
      _bulk_body,
      out_type=jax.ShapeDtypeStruct((J, DM), jnp.float32),
      mesh=mesh,
      compiler_params=pltpu.CompilerParams(needs_layout_passes=False),
      scratch_types=(
          [pltpu.VMEM((CHB, DM), jnp.float32)] * 4
          + [pltpu.VMEM((J_PER_W,), jnp.int32)]
          + [pltpu.VMEM((CHB,), jnp.int32)] * 4
          + [pltpu.SemaphoreType.DMA] * 8
      ),
  )(x_flat, ids_to_save)


def _fixup_body(nv_ref, slots_ref, out_ref,
                rowbuf0, rowbuf1, ssbuf,
                tidx0, tidx1, tslot0, tslot1, fixslot, fixoidx,
                gsem0, gsem1, wsem0, wsem1):
  c = lax.axis_index("c")
  s = lax.axis_index("s")
  wid = s * NC + c
  jbase = wid * J_PER_W
  rowbufs = (rowbuf0, rowbuf1)
  tidxs = (tidx0, tidx1)
  tslots = (tslot0, tslot1)
  gsems = (gsem0, gsem1)
  wsems = (wsem0, wsem1)

  pltpu.sync_copy(slots_ref.at[pl.ds(jbase, J_PER_W)], ssbuf)

  def mkidx(k, cnt):
    pv = ssbuf[pl.ds(k * L, L)]
    m = pv != DEFAULT_SLOT
    jt = jbase + k * L + _iota16()
    plsc.store_compressed(fixslot.at[pl.ds(cnt, L)], pv, mask=m)
    plsc.store_compressed(fixoidx.at[pl.ds(cnt, L)], jt, mask=m)
    return cnt + jnp.sum(m.astype(jnp.int32))
  cnt = lax.fori_loop(0, J_PER_W // L, mkidx, 0)

  @pl.when(cnt > 0)
  def _():
    z = jnp.zeros((L,), jnp.int32)
    b_slot = plsc.load_gather(fixslot, [z])
    b_oidx = plsc.load_gather(fixoidx, [z])

    def pf(k, _):
      fixslot[pl.ds(cnt + k * L, L)] = b_slot
      fixoidx[pl.ds(cnt + k * L, L)] = b_oidx
      return 0
    lax.fori_loop(0, CH // L, pf, 0)

  trips = lax.div(cnt + (CH - 1), CH)

  def prep(q, b):
    def cp(k, _):
      tslots[b][pl.ds(k * L, L)] = fixslot[pl.ds(q * CH + k * L, L)]
      tidxs[b][pl.ds(k * L, L)] = fixoidx[pl.ds(q * CH + k * L, L)]
      return 0
    lax.fori_loop(0, CH // L, cp, 0)

  @pl.when(trips > 0)
  def _():
    prep(0, 0)
    pltpu.async_copy(nv_ref.at[tslot0], rowbuf0, gsem0)

  def fix_outer(q2, carry):
    for b in (0, 1):
      q = 2 * q2 + b

      @pl.when(q < trips)
      def _():
        @pl.when(q + 1 < trips)
        def _():
          prep(q + 1, 1 - b)

        @pl.when(q >= 1)
        def _():
          pltpu.make_async_copy(rowbufs[1 - b], out_ref.at[pl.ds(0, CH)],
                                wsems[1 - b]).wait()

        @pl.when(q + 1 < trips)
        def _():
          pltpu.async_copy(nv_ref.at[tslots[1 - b]], rowbufs[1 - b],
                           gsems[1 - b])

        pltpu.make_async_copy(nv_ref.at[tslots[b]], rowbufs[b],
                              gsems[b]).wait()
        pltpu.async_copy(rowbufs[b], out_ref.at[tidxs[b]], wsems[b])
    return carry
  lax.fori_loop(0, (J_PER_W // CH + 1) // 2, fix_outer, 0)

  @pl.when((trips > 0) & (lax.rem(trips - 1, 2) == 0))
  def _():
    pltpu.make_async_copy(rowbuf0, out_ref.at[pl.ds(0, CH)], wsem0).wait()

  @pl.when((trips > 0) & (lax.rem(trips - 1, 2) == 1))
  def _():
    pltpu.make_async_copy(rowbuf1, out_ref.at[pl.ds(0, CH)], wsem1).wait()


def _sc_fixup(newvals, slot_s, out_ref):
  mesh = plsc.VectorSubcoreMesh(core_axis_name="c", subcore_axis_name="s")
  return pl.kernel(
      _fixup_body,
      out_type=(),
      mesh=mesh,
      compiler_params=pltpu.CompilerParams(needs_layout_passes=False),
      scratch_types=[
          pltpu.VMEM((CH, DM), jnp.float32),
          pltpu.VMEM((CH, DM), jnp.float32),
          pltpu.VMEM((J_PER_W,), jnp.int32),
          pltpu.VMEM((CH,), jnp.int32),
          pltpu.VMEM((CH,), jnp.int32),
          pltpu.VMEM((CH,), jnp.int32),
          pltpu.VMEM((CH,), jnp.int32),
          pltpu.VMEM((FIX_CAP,), jnp.int32),
          pltpu.VMEM((FIX_CAP,), jnp.int32),
          pltpu.SemaphoreType.DMA,
          pltpu.SemaphoreType.DMA,
          pltpu.SemaphoreType.DMA,
          pltpu.SemaphoreType.DMA,
      ],
  )(newvals, slot_s, out_ref)


@jax.jit
def kernel(x, ids_to_save, ids_to_reduce, W):
  B, S, dm = x.shape
  x_flat = x.reshape(-1, dm)
  reduced, xt1, cnt_r, slot_s = _sc_gather_pos(
      x_flat, ids_to_reduce, ids_to_save)
  newvals = _tc_matmul(reduced, W, xt1, cnt_r)
  bulk = _sc_bulk(x_flat, ids_to_save)
  out_ref = jax.new_ref(bulk)
  _sc_fixup(newvals, slot_s, out_ref)
  return out_ref[...].reshape(B, -1, dm)

# --- scband reference (transcript-rebuilt; emitter-appended) ---
"""Pipeline reference for scband-token-merging-layer-73529840107771 (READ-ONLY COPY).

The authoritative reference and input builder live on the scoring server;
editing this copy changes nothing except your own understanding.
"""

import jax, jax.numpy as jnp
import numpy as np


def setup_inputs(seed: int = 0) -> dict:
    key = jax.random.key(seed)
    k1, k2, k3, k4 = jax.random.split(key, 4)
    B, S, dm = 4, 8192, 768
    N = B * S
    x = jax.random.normal(k1, (B, S, dm), dtype=jnp.float32)
    # ids_to_reduce values must be < N-1 so that ids_to_reduce + 1 stays in range
    ids_to_reduce = jax.random.randint(k2, (4096,), 0, N - 1, dtype=jnp.int32)
    ids_to_save = jax.random.randint(k3, (28672,), 0, N, dtype=jnp.int32)
    # Linear(dm, dm, bias=False) weight, torch layout [out_features, in_features]
    bound = float(np.sqrt(6.0 / dm))  # kaiming_uniform-like
    W = jax.random.uniform(k4, (dm, dm), dtype=jnp.float32, minval=-bound, maxval=bound)
    return {"x": x, "ids_to_save": ids_to_save, "ids_to_reduce": ids_to_reduce, "W": W}


def reference(x, ids_to_save, ids_to_reduce, W):
    B, S, dm = x.shape
    x_flat = x.reshape(-1, dm)
    # gather tokens to be merged
    reduced_tokens = jnp.take(x_flat, ids_to_reduce, axis=0)
    # linear projection (no bias), y = x @ W^T
    transformed = (reduced_tokens @ W.T).astype(jnp.float32)
    # scatter-add merged tokens into their right neighbor
    x_flat = x_flat.at[ids_to_reduce + 1].add(transformed)
    # gather surviving tokens
    reduced_batch = jnp.take(x_flat, ids_to_save, axis=0)
    return reduced_batch.reshape(B, -1, dm)

if __name__ == "__main__":
    import jax
    _d = setup_inputs()
    print(jax.jit(kernel)(*tuple(_d.values())))

</pallas_src>

<mosaic_0001>
#map = affine_map<(d0, d1) -> (0, 0)>
#map1 = affine_map<(d0, d1) -> (0)>
module attributes {stable_mosaic.version = 14 : i64} {
  func.func @new_body(%arg0: i32, %arg1: i32, %arg2: memref<4096x768xf32, #tpu.memory_space<hbm>>, %arg3: memref<28672xi32, #tpu.memory_space<hbm>>, %arg4: memref<28672x768xf32, #tpu.memory_space<hbm>>, %arg5: memref<28672x768xf32, #tpu.memory_space<hbm>>, %arg6: memref<64x768xf32, #tpu.memory_space<vmem>>, %arg7: memref<64x768xf32, #tpu.memory_space<vmem>>, %arg8: memref<896xi32, #tpu.memory_space<vmem>>, %arg9: memref<64xi32, #tpu.memory_space<vmem>>, %arg10: memref<64xi32, #tpu.memory_space<vmem>>, %arg11: memref<64xi32, #tpu.memory_space<vmem>>, %arg12: memref<64xi32, #tpu.memory_space<vmem>>, %arg13: memref<960xi32, #tpu.memory_space<vmem>>, %arg14: memref<960xi32, #tpu.memory_space<vmem>>, %arg15: memref<!tpu.dma_semaphore, #tpu.memory_space<semaphore_mem>>, %arg16: memref<!tpu.dma_semaphore, #tpu.memory_space<semaphore_mem>>, %arg17: memref<!tpu.dma_semaphore, #tpu.memory_space<semaphore_mem>>, %arg18: memref<!tpu.dma_semaphore, #tpu.memory_space<semaphore_mem>>) attributes {dimension_semantics = [#tpu.dimension_semantics<core_parallel>, #tpu.dimension_semantics<subcore_parallel>], iteration_bounds = array<i64: 2, 16>, scalar_prefetch = 0 : i64, scratch_operands = 13 : i64, tpu.core_type = #tpu.core_type<sc_vector_subcore>, window_params = [{transform_indices = #map}, {transform_indices = #map1}, {transform_indices = #map}, {transform_indices = #map}]} {
    %mul3A = arith.constant 2 : i32
    %mul3A_0 = arith.muli %arg1, %mul3A : i32
    %add3A = arith.addi %mul3A_0, %arg0 : i32
    %mul3A_1 = arith.constant 896 : i32
    %mul3A_2 = arith.muli %add3A, %mul3A_1 : i32
    "tpu.region"() ({
      %run_scoped3A = tpu.sem_alloc : memref<!tpu.dma_semaphore, #tpu.memory_space<semaphore_mem>>
      %dma_start3A = tpu.memref_slice %arg3[%mul3A_2] : memref<28672xi32, #tpu.memory_space<hbm>> -> memref<896xi32, #tpu.memory_space<hbm>>
      %dma_start3A_45 = tpu.memref_slice %arg3[%mul3A_2] : memref<28672xi32, #tpu.memory_space<hbm>> -> memref<896xi32, #tpu.memory_space<hbm>>
      tpu.enqueue_dma source(%dma_start3A_45 : memref<896xi32, #tpu.memory_space<hbm>>) target(%arg8 : memref<896xi32, #tpu.memory_space<vmem>>) target_semaphore(%run_scoped3A : memref<!tpu.dma_semaphore, #tpu.memory_space<semaphore_mem>>)
      %dma_wait3A = tpu.memref_slice %arg3[%mul3A_2] : memref<28672xi32, #tpu.memory_space<hbm>> -> memref<896xi32, #tpu.memory_space<hbm>>
      %dma_wait3A_46 = tpu.memref_slice %arg3[%mul3A_2] : memref<28672xi32, #tpu.memory_space<hbm>> -> memref<896xi32, #tpu.memory_space<hbm>>
      tpu.wait_dma2 semaphore(%run_scoped3A : memref<!tpu.dma_semaphore, #tpu.memory_space<semaphore_mem>>) src(%dma_wait3A_46 : memref<896xi32, #tpu.memory_space<hbm>>) dst(%arg8 : memref<896xi32, #tpu.memory_space<vmem>>)
      tpu.yield
    }) : () -> ()
    %scan3A = arith.constant 0 : i32
    %scan3A_3 = arith.constant 0 : i32
    %scan3A_4 = arith.constant 56 : i32
    %scan3A_5 = arith.addi %scan3A_3, %scan3A_4 : i32
    %scan3A_6 = arith.constant 1 : i32
    %scan3A_7 = scf.for %scan3A_45 = %scan3A_3 to %scan3A_5 step %scan3A_6 iter_args(%scan3A_46 = %scan3A) -> (i32)  : i32 {
      %mul3A_47 = arith.constant 16 : i32
      %mul3A_48 = arith.muli %scan3A_45, %mul3A_47 : i32
      %get3A = arith.index_cast %mul3A_48 : i32 to index
      %get3A_49 = tpu.vector_load %arg8[%get3A] {strides = array<i32>} : memref<896xi32, #tpu.memory_space<vmem>>, vector<16xi32>,
      %ne3A = arith.constant 4096 : i32
      %ne3A_50 = vector.broadcast %ne3A : i32 to vector<16xi32>
      %ne3A_51 = arith.cmpi ne, %get3A_49, %ne3A_50 : vector<16xi32>
      %mul3A_52 = arith.constant 16 : i32
      %mul3A_53 = arith.muli %scan3A_45, %mul3A_52 : i32
      %add3A_54 = arith.addi %mul3A_2, %mul3A_53 : i32
      %iota3A = tpu.iota {dimensions = array<i32: 0>} : vector<16xi32>
      %add3A_55 = vector.broadcast %add3A_54 : i32 to vector<16xi32>
      %add3A_56 = arith.addi %add3A_55, %iota3A : vector<16xi32>
      %swap3A = arith.index_cast %scan3A_46 : i32 to index
      %swap3A_57 = tpu.vector_load %arg13[%swap3A] masked %ne3A_51 {strides = array<i32>} : memref<960xi32, #tpu.memory_space<vmem>>, vector<16xi32>, vector<16xi1>
      tpu.vector_store %arg13[%swap3A], %get3A_49 masked %ne3A_51 {strides = array<i32>} : memref<960xi32, #tpu.memory_space<vmem>>, vector<16xi32>, vector<16xi1>
      %swap3A_58 = arith.index_cast %scan3A_46 : i32 to index
      %swap3A_59 = tpu.vector_load %arg14[%swap3A_58] masked %ne3A_51 {strides = array<i32>} : memref<960xi32, #tpu.memory_space<vmem>>, vector<16xi32>, vector<16xi1>
      tpu.vector_store %arg14[%swap3A_58], %add3A_56 masked %ne3A_51 {strides = array<i32>} : memref<960xi32, #tpu.memory_space<vmem>>, vector<16xi32>, vector<16xi1>
      %convert_element_type3A_60 = arith.extui %ne3A_51 : vector<16xi1> to vector<16xi32>
      %reduce_sum3A = arith.constant true
      %reduce_sum3A_61 = vector.broadcast %reduce_sum3A : i1 to vector<16xi1>
      %reduce_sum3A_62 = tpu.scan <sum>, %convert_element_type3A_60 masked %reduce_sum3A_61 : vector<16xi32>, vector<16xi1> -> vector<16xi32>
      %reduce_sum3A_63 = vector.extract %reduce_sum3A_62[15] : i32 from vector<16xi32>
      %add3A_64 = arith.addi %scan3A_46, %reduce_sum3A_63 : i32
      scf.yield %add3A_64 : i32
    }
    %scan3A_8 = arith.constant 56 : i32
    %gt3A = arith.constant 0 : i32
    %gt3A_9 = arith.cmpi sgt, %scan3A_7, %gt3A : i32
    %convert_element_type3A = arith.extui %gt3A_9 : i1 to i32
    %cond3A = arith.constant 0 : i32
    %cond3A_10 = arith.cmpi ne, %convert_element_type3A, %cond3A : i32
    scf.if %cond3A_10 {
      %broadcast_in_dim3A = arith.constant 0 : i32
      %broadcast_in_dim3A_45 = vector.broadcast %broadcast_in_dim3A : i32 to vector<16xi32>
      %gather3A = tpu.vector_load_idx %arg13[%broadcast_in_dim3A_45] : memref<960xi32, #tpu.memory_space<vmem>>[vector<16xi32>], vector<16xi32>,
      %gather3A_46 = tpu.vector_load_idx %arg14[%broadcast_in_dim3A_45] : memref<960xi32, #tpu.memory_space<vmem>>[vector<16xi32>], vector<16xi32>,
      %scan3A_47 = arith.constant 0 : i32
      %scan3A_48 = arith.constant 0 : i32
      %scan3A_49 = arith.constant 4 : i32
      %scan3A_50 = arith.addi %scan3A_48, %scan3A_49 : i32
      %scan3A_51 = arith.constant 1 : i32
      %scan3A_52 = scf.for %scan3A_54 = %scan3A_48 to %scan3A_50 step %scan3A_51 iter_args(%scan3A_55 = %scan3A_47) -> (i32)  : i32 {
        %mul3A_56 = arith.constant 16 : i32
        %mul3A_57 = arith.muli %scan3A_54, %mul3A_56 : i32
        %add3A_58 = arith.addi %scan3A_7, %mul3A_57 : i32
        %swap3A = arith.index_cast %add3A_58 : i32 to index
        %swap3A_59 = tpu.vector_load %arg13[%swap3A] {strides = array<i32>} : memref<960xi32, #tpu.memory_space<vmem>>, vector<16xi32>,
        tpu.vector_store %arg13[%swap3A], %gather3A {strides = array<i32>} : memref<960xi32, #tpu.memory_space<vmem>>, vector<16xi32>,
        %mul3A_60 = arith.constant 16 : i32
        %mul3A_61 = arith.muli %scan3A_54, %mul3A_60 : i32
        %add3A_62 = arith.addi %scan3A_7, %mul3A_61 : i32
        %swap3A_63 = arith.index_cast %add3A_62 : i32 to index
        %swap3A_64 = tpu.vector_load %arg14[%swap3A_63] {strides = array<i32>} : memref<960xi32, #tpu.memory_space<vmem>>, vector<16xi32>,
        tpu.vector_store %arg14[%swap3A_63], %gather3A_46 {strides = array<i32>} : memref<960xi32, #tpu.memory_space<vmem>>, vector<16xi32>,
        %scan3A_65 = arith.constant 0 : i32
        scf.yield %scan3A_65 : i32
      }
      %scan3A_53 = arith.constant 4 : i32
    } else {
    }
    %add3A_11 = arith.constant 63 : i32
    %add3A_12 = arith.addi %scan3A_7, %add3A_11 : i32
    %div3A = arith.constant 64 : i32
    %div3A_13 = arith.divsi %add3A_12, %div3A : i32
    %gt3A_14 = arith.constant 0 : i32
    %gt3A_15 = arith.cmpi sgt, %div3A_13, %gt3A_14 : i32
    %convert_element_type3A_16 = arith.extui %gt3A_15 : i1 to i32
    %cond3A_17 = arith.constant 0 : i32
    %cond3A_18 = arith.cmpi ne, %convert_element_type3A_16, %cond3A_17 : i32
    scf.if %cond3A_18 {
      %scan3A_45 = arith.constant 0 : i32
      %scan3A_46 = arith.constant 0 : i32
      %scan3A_47 = arith.constant 4 : i32
      %scan3A_48 = arith.addi %scan3A_46, %scan3A_47 : i32
      %scan3A_49 = arith.constant 1 : i32
      %scan3A_50 = scf.for %scan3A_54 = %scan3A_46 to %scan3A_48 step %scan3A_49 iter_args(%scan3A_55 = %scan3A_45) -> (i32)  : i32 {
        %mul3A_56 = arith.constant 16 : i32
        %mul3A_57 = arith.muli %scan3A_54, %mul3A_56 : i32
        %add3A_58 = arith.constant 0 : i32
        %add3A_59 = arith.addi %add3A_58, %mul3A_57 : i32
        %get3A = arith.index_cast %add3A_59 : i32 to index
        %get3A_60 = tpu.vector_load %arg13[%get3A] {strides = array<i32>} : memref<960xi32, #tpu.memory_space<vmem>>, vector<16xi32>,
        %mul3A_61 = arith.constant 16 : i32
        %mul3A_62 = arith.muli %scan3A_54, %mul3A_61 : i32
        %swap3A = arith.index_cast %mul3A_62 : i32 to index
        %swap3A_63 = tpu.vector_load %arg11[%swap3A] {strides = array<i32>} : memref<64xi32, #tpu.memory_space<vmem>>, vector<16xi32>,
        tpu.vector_store %arg11[%swap3A], %get3A_60 {strides = array<i32>} : memref<64xi32, #tpu.memory_space<vmem>>, vector<16xi32>,
        %mul3A_64 = arith.constant 16 : i32
        %mul3A_65 = arith.muli %scan3A_54, %mul3A_64 : i32
        %add3A_66 = arith.constant 0 : i32
        %add3A_67 = arith.addi %add3A_66, %mul3A_65 : i32
        %get3A_68 = arith.index_cast %add3A_67 : i32 to index
        %get3A_69 = tpu.vector_load %arg14[%get3A_68] {strides = array<i32>} : memref<960xi32, #tpu.memory_space<vmem>>, vector<16xi32>,
        %mul3A_70 = arith.constant 16 : i32
        %mul3A_71 = arith.muli %scan3A_54, %mul3A_70 : i32
        %swap3A_72 = arith.index_cast %mul3A_71 : i32 to index
        %swap3A_73 = tpu.vector_load %arg9[%swap3A_72] {strides = array<i32>} : memref<64xi32, #tpu.memory_space<vmem>>, vector<16xi32>,
        tpu.vector_store %arg9[%swap3A_72], %get3A_69 {strides = array<i32>} : memref<64xi32, #tpu.memory_space<vmem>>, vector<16xi32>,
        %scan3A_74 = arith.constant 0 : i32
        scf.yield %scan3A_74 : i32
      }
      %scan3A_51 = arith.constant 4 : i32
      %dma_start3A = arith.constant 0 : i32
      %dma_start3A_52 = arith.constant 0 : i32
      %dma_start3A_53 = tpu.memref_slice %arg2[%dma_start3A, %dma_start3A_52] : memref<4096x768xf32, #tpu.memory_space<hbm>> -> memref<4096x768xf32, #tpu.memory_space<hbm>>
      tpu.enqueue_indirect_dma source(%dma_start3A_53 : memref<4096x768xf32, #tpu.memory_space<hbm>>) target(%arg6 : memref<64x768xf32, #tpu.memory_space<vmem>>) offsets(%arg11 : memref<64xi32, #tpu.memory_space<vmem>>) semaphore(%arg15 : memref<!tpu.dma_semaphore, #tpu.memory_space<semaphore_mem>>)
    } else {
    }
    %scan3A_19 = arith.constant 0 : i32
    %scan3A_20 = arith.constant 0 : i32
    %scan3A_21 = arith.constant 7 : i32
    %scan3A_22 = arith.addi %scan3A_20, %scan3A_21 : i32
    %scan3A_23 = arith.constant 1 : i32
    scf.for %scan3A_45 = %scan3A_20 to %scan3A_22 step %scan3A_23  : i32 {
      %mul3A_46 = arith.constant 2 : i32
      %mul3A_47 = arith.muli %mul3A_46, %scan3A_45 : i32
      %add3A_48 = arith.constant 0 : i32
      %add3A_49 = arith.addi %mul3A_47, %add3A_48 : i32
      %lt3A = arith.cmpi slt, %add3A_49, %div3A_13 : i32
      %convert_element_type3A_50 = arith.extui %lt3A : i1 to i32
      %cond3A_51 = arith.constant 0 : i32
      %cond3A_52 = arith.cmpi ne, %convert_element_type3A_50, %cond3A_51 : i32
      scf.if %cond3A_52 {
        %add3A_61 = arith.constant 1 : i32
        %add3A_62 = arith.addi %add3A_49, %add3A_61 : i32
        %lt3A_63 = arith.cmpi slt, %add3A_62, %div3A_13 : i32
        %convert_element_type3A_64 = arith.extui %lt3A_63 : i1 to i32
        %cond3A_65 = arith.constant 0 : i32
        %cond3A_66 = arith.cmpi ne, %convert_element_type3A_64, %cond3A_65 : i32
        scf.if %cond3A_66 {
          %add3A_81 = arith.constant 1 : i32
          %add3A_82 = arith.addi %add3A_49, %add3A_81 : i32
          %scan3A_83 = arith.constant 0 : i32
          %scan3A_84 = arith.constant 0 : i32
          %scan3A_85 = arith.constant 4 : i32
          %scan3A_86 = arith.addi %scan3A_84, %scan3A_85 : i32
          %scan3A_87 = arith.constant 1 : i32
          %scan3A_88 = scf.for %scan3A_90 = %scan3A_84 to %scan3A_86 step %scan3A_87 iter_args(%scan3A_91 = %scan3A_83) -> (i32)  : i32 {
            %mul3A_92 = arith.constant 64 : i32
            %mul3A_93 = arith.muli %add3A_82, %mul3A_92 : i32
            %mul3A_94 = arith.constant 16 : i32
            %mul3A_95 = arith.muli %scan3A_90, %mul3A_94 : i32
            %add3A_96 = arith.addi %mul3A_93, %mul3A_95 : i32
            %get3A = arith.index_cast %add3A_96 : i32 to index
            %get3A_97 = tpu.vector_load %arg13[%get3A] {strides = array<i32>} : memref<960xi32, #tpu.memory_space<vmem>>, vector<16xi32>,
            %mul3A_98 = arith.constant 16 : i32
            %mul3A_99 = arith.muli %scan3A_90, %mul3A_98 : i32
            %swap3A = arith.index_cast %mul3A_99 : i32 to index
            %swap3A_100 = tpu.vector_load %arg12[%swap3A] {strides = array<i32>} : memref<64xi32, #tpu.memory_space<vmem>>, vector<16xi32>,
            tpu.vector_store %arg12[%swap3A], %get3A_97 {strides = array<i32>} : memref<64xi32, #tpu.memory_space<vmem>>, vector<16xi32>,
            %mul3A_101 = arith.constant 64 : i32
            %mul3A_102 = arith.muli %add3A_82, %mul3A_101 : i32
            %mul3A_103 = arith.constant 16 : i32
            %mul3A_104 = arith.muli %scan3A_90, %mul3A_103 : i32
            %add3A_105 = arith.addi %mul3A_102, %mul3A_104 : i32
            %get3A_106 = arith.index_cast %add3A_105 : i32 to index
            %get3A_107 = tpu.vector_load %arg14[%get3A_106] {strides = array<i32>} : memref<960xi32, #tpu.memory_space<vmem>>, vector<16xi32>,
            %mul3A_108 = arith.constant 16 : i32
            %mul3A_109 = arith.muli %scan3A_90, %mul3A_108 : i32
            %swap3A_110 = arith.index_cast %mul3A_109 : i32 to index
            %swap3A_111 = tpu.vector_load %arg10[%swap3A_110] {strides = array<i32>} : memref<64xi32, #tpu.memory_space<vmem>>, vector<16xi32>,
            tpu.vector_store %arg10[%swap3A_110], %get3A_107 {strides = array<i32>} : memref<64xi32, #tpu.memory_space<vmem>>, vector<16xi32>,
            %scan3A_112 = arith.constant 0 : i32
            scf.yield %scan3A_112 : i32
          }
          %scan3A_89 = arith.constant 4 : i32
        } else {
        }
        %ge3A = arith.constant 1 : i32
        %ge3A_67 = arith.cmpi sge, %add3A_49, %ge3A : i32
        %convert_element_type3A_68 = arith.extui %ge3A_67 : i1 to i32
        %cond3A_69 = arith.constant 0 : i32
        %cond3A_70 = arith.cmpi ne, %convert_element_type3A_68, %cond3A_69 : i32
        scf.if %cond3A_70 {
          %dma_wait3A_81 = arith.constant 0 : i32
          %dma_wait3A_82 = arith.constant 0 : i32
          %dma_wait3A_83 = tpu.memref_slice %arg4[%dma_wait3A_81, %dma_wait3A_82] : memref<28672x768xf32, #tpu.memory_space<hbm>> -> memref<64x768xf32, #tpu.memory_space<hbm>>
          %dma_wait3A_84 = arith.constant 0 : i32
          %dma_wait3A_85 = arith.constant 0 : i32
          %dma_wait3A_86 = tpu.memref_slice %arg4[%dma_wait3A_84, %dma_wait3A_85] : memref<28672x768xf32, #tpu.memory_space<hbm>> -> memref<64x768xf32, #tpu.memory_space<hbm>>
          tpu.wait_dma2 semaphore(%arg18 : memref<!tpu.dma_semaphore, #tpu.memory_space<semaphore_mem>>) src(%arg7 : memref<64x768xf32, #tpu.memory_space<vmem>>) dst(%dma_wait3A_86 : memref<64x768xf32, #tpu.memory_space<hbm>>)
        } else {
        }
        %add3A_71 = arith.constant 1 : i32
        %add3A_72 = arith.addi %add3A_49, %add3A_71 : i32
        %lt3A_73 = arith.cmpi slt, %add3A_72, %div3A_13 : i32
        %convert_element_type3A_74 = arith.extui %lt3A_73 : i1 to i32
        %cond3A_75 = arith.constant 0 : i32
        %cond3A_76 = arith.cmpi ne, %convert_element_type3A_74, %cond3A_75 : i32
        scf.if %cond3A_76 {
          %dma_start3A_81 = arith.constant 0 : i32
          %dma_start3A_82 = arith.constant 0 : i32
          %dma_start3A_83 = tpu.memref_slice %arg2[%dma_start3A_81, %dma_start3A_82] : memref<4096x768xf32, #tpu.memory_space<hbm>> -> memref<4096x768xf32, #tpu.memory_space<hbm>>
          tpu.enqueue_indirect_dma source(%dma_start3A_83 : memref<4096x768xf32, #tpu.memory_space<hbm>>) target(%arg7 : memref<64x768xf32, #tpu.memory_space<vmem>>) offsets(%arg12 : memref<64xi32, #tpu.memory_space<vmem>>) semaphore(%arg16 : memref<!tpu.dma_semaphore, #tpu.memory_space<semaphore_mem>>)
        } else {
        }
        %dma_wait3A = arith.constant 0 : i32
        %dma_wait3A_77 = arith.constant 0 : i32
        %dma_wait3A_78 = tpu.memref_slice %arg2[%dma_wait3A, %dma_wait3A_77] : memref<4096x768xf32, #tpu.memory_space<hbm>> -> memref<4096x768xf32, #tpu.memory_space<hbm>>
        tpu.wait_indirect_dma semaphore(%arg15 : memref<!tpu.dma_semaphore, #tpu.memory_space<semaphore_mem>>) src(%dma_wait3A_78 : memref<4096x768xf32, #tpu.memory_space<hbm>>) dst(%arg6 : memref<64x768xf32, #tpu.memory_space<vmem>>)
        %dma_start3A = arith.constant 0 : i32
        %dma_start3A_79 = arith.constant 0 : i32
        %dma_start3A_80 = tpu.memref_slice %arg4[%dma_start3A, %dma_start3A_79] : memref<28672x768xf32, #tpu.memory_space<hbm>> -> memref<28672x768xf32, #tpu.memory_space<hbm>>
        tpu.enqueue_indirect_dma source(%arg6 : memref<64x768xf32, #tpu.memory_space<vmem>>) target(%dma_start3A_80 : memref<28672x768xf32, #tpu.memory_space<hbm>>) offsets(%arg9 : memref<64xi32, #tpu.memory_space<vmem>>) semaphore(%arg17 : memref<!tpu.dma_semaphore, #tpu.memory_space<semaphore_mem>>)
      } else {
      }
      %mul3A_53 = arith.constant 2 : i32
      %mul3A_54 = arith.muli %mul3A_53, %scan3A_45 : i32
      %add3A_55 = arith.constant 1 : i32
      %add3A_56 = arith.addi %mul3A_54, %add3A_55 : i32
      %lt3A_57 = arith.cmpi slt, %add3A_56, %div3A_13 : i32
      %convert_element_type3A_58 = arith.extui %lt3A_57 : i1 to i32
      %cond3A_59 = arith.constant 0 : i32
      %cond3A_60 = arith.cmpi ne, %convert_element_type3A_58, %cond3A_59 : i32
      scf.if %cond3A_60 {
        %add3A_61 = arith.constant 1 : i32
        %add3A_62 = arith.addi %add3A_56, %add3A_61 : i32
        %lt3A_63 = arith.cmpi slt, %add3A_62, %div3A_13 : i32
        %convert_element_type3A_64 = arith.extui %lt3A_63 : i1 to i32
        %cond3A_65 = arith.constant 0 : i32
        %cond3A_66 = arith.cmpi ne, %convert_element_type3A_64, %cond3A_65 : i32
        scf.if %cond3A_66 {
          %add3A_81 = arith.constant 1 : i32
          %add3A_82 = arith.addi %add3A_56, %add3A_81 : i32
          %scan3A_83 = arith.constant 0 : i32
          %scan3A_84 = arith.constant 0 : i32
          %scan3A_85 = arith.constant 4 : i32
          %scan3A_86 = arith.addi %scan3A_84, %scan3A_85 : i32
          %scan3A_87 = arith.constant 1 : i32
          %scan3A_88 = scf.for %scan3A_90 = %scan3A_84 to %scan3A_86 step %scan3A_87 iter_args(%scan3A_91 = %scan3A_83) -> (i32)  : i32 {
            %mul3A_92 = arith.constant 64 : i32
            %mul3A_93 = arith.muli %add3A_82, %mul3A_92 : i32
            %mul3A_94 = arith.constant 16 : i32
            %mul3A_95 = arith.muli %scan3A_90, %mul3A_94 : i32
            %add3A_96 = arith.addi %mul3A_93, %mul3A_95 : i32
            %get3A = arith.index_cast %add3A_96 : i32 to index
            %get3A_97 = tpu.vector_load %arg13[%get3A] {strides = array<i32>} : memref<960xi32, #tpu.memory_space<vmem>>, vector<16xi32>,
            %mul3A_98 = arith.constant 16 : i32
            %mul3A_99 = arith.muli %scan3A_90, %mul3A_98 : i32
            %swap3A = arith.index_cast %mul3A_99 : i32 to index
            %swap3A_100 = tpu.vector_load %arg11[%swap3A] {strides = array<i32>} : memref<64xi32, #tpu.memory_space<vmem>>, vector<16xi32>,
            tpu.vector_store %arg11[%swap3A], %get3A_97 {strides = array<i32>} : memref<64xi32, #tpu.memory_space<vmem>>, vector<16xi32>,
            %mul3A_101 = arith.constant 64 : i32
            %mul3A_102 = arith.muli %add3A_82, %mul3A_101 : i32
            %mul3A_103 = arith.constant 16 : i32
            %mul3A_104 = arith.muli %scan3A_90, %mul3A_103 : i32
            %add3A_105 = arith.addi %mul3A_102, %mul3A_104 : i32
            %get3A_106 = arith.index_cast %add3A_105 : i32 to index
            %get3A_107 = tpu.vector_load %arg14[%get3A_106] {strides = array<i32>} : memref<960xi32, #tpu.memory_space<vmem>>, vector<16xi32>,
            %mul3A_108 = arith.constant 16 : i32
            %mul3A_109 = arith.muli %scan3A_90, %mul3A_108 : i32
            %swap3A_110 = arith.index_cast %mul3A_109 : i32 to index
            %swap3A_111 = tpu.vector_load %arg9[%swap3A_110] {strides = array<i32>} : memref<64xi32, #tpu.memory_space<vmem>>, vector<16xi32>,
            tpu.vector_store %arg9[%swap3A_110], %get3A_107 {strides = array<i32>} : memref<64xi32, #tpu.memory_space<vmem>>, vector<16xi32>,
            %scan3A_112 = arith.constant 0 : i32
            scf.yield %scan3A_112 : i32
          }
          %scan3A_89 = arith.constant 4 : i32
        } else {
        }
        %ge3A = arith.constant 1 : i32
        %ge3A_67 = arith.cmpi sge, %add3A_56, %ge3A : i32
        %convert_element_type3A_68 = arith.extui %ge3A_67 : i1 to i32
        %cond3A_69 = arith.constant 0 : i32
        %cond3A_70 = arith.cmpi ne, %convert_element_type3A_68, %cond3A_69 : i32
        scf.if %cond3A_70 {
          %dma_wait3A_81 = arith.constant 0 : i32
          %dma_wait3A_82 = arith.constant 0 : i32
          %dma_wait3A_83 = tpu.memref_slice %arg4[%dma_wait3A_81, %dma_wait3A_82] : memref<28672x768xf32, #tpu.memory_space<hbm>> -> memref<64x768xf32, #tpu.memory_space<hbm>>
          %dma_wait3A_84 = arith.constant 0 : i32
          %dma_wait3A_85 = arith.constant 0 : i32
          %dma_wait3A_86 = tpu.memref_slice %arg4[%dma_wait3A_84, %dma_wait3A_85] : memref<28672x768xf32, #tpu.memory_space<hbm>> -> memref<64x768xf32, #tpu.memory_space<hbm>>
          tpu.wait_dma2 semaphore(%arg17 : memref<!tpu.dma_semaphore, #tpu.memory_space<semaphore_mem>>) src(%arg6 : memref<64x768xf32, #tpu.memory_space<vmem>>) dst(%dma_wait3A_86 : memref<64x768xf32, #tpu.memory_space<hbm>>)
        } else {
        }
        %add3A_71 = arith.constant 1 : i32
        %add3A_72 = arith.addi %add3A_56, %add3A_71 : i32
        %lt3A_73 = arith.cmpi slt, %add3A_72, %div3A_13 : i32
        %convert_element_type3A_74 = arith.extui %lt3A_73 : i1 to i32
        %cond3A_75 = arith.constant 0 : i32
        %cond3A_76 = arith.cmpi ne, %convert_element_type3A_74, %cond3A_75 : i32
        scf.if %cond3A_76 {
          %dma_start3A_81 = arith.constant 0 : i32
          %dma_start3A_82 = arith.constant 0 : i32
          %dma_start3A_83 = tpu.memref_slice %arg2[%dma_start3A_81, %dma_start3A_82] : memref<4096x768xf32, #tpu.memory_space<hbm>> -> memref<4096x768xf32, #tpu.memory_space<hbm>>
          tpu.enqueue_indirect_dma source(%dma_start3A_83 : memref<4096x768xf32, #tpu.memory_space<hbm>>) target(%arg6 : memref<64x768xf32, #tpu.memory_space<vmem>>) offsets(%arg11 : memref<64xi32, #tpu.memory_space<vmem>>) semaphore(%arg15 : memref<!tpu.dma_semaphore, #tpu.memory_space<semaphore_mem>>)
        } else {
        }
        %dma_wait3A = arith.constant 0 : i32
        %dma_wait3A_77 = arith.constant 0 : i32
        %dma_wait3A_78 = tpu.memref_slice %arg2[%dma_wait3A, %dma_wait3A_77] : memref<4096x768xf32, #tpu.memory_space<hbm>> -> memref<4096x768xf32, #tpu.memory_space<hbm>>
        tpu.wait_indirect_dma semaphore(%arg16 : memref<!tpu.dma_semaphore, #tpu.memory_space<semaphore_mem>>) src(%dma_wait3A_78 : memref<4096x768xf32, #tpu.memory_space<hbm>>) dst(%arg7 : memref<64x768xf32, #tpu.memory_space<vmem>>)
        %dma_start3A = arith.constant 0 : i32
        %dma_start3A_79 = arith.constant 0 : i32
        %dma_start3A_80 = tpu.memref_slice %arg4[%dma_start3A, %dma_start3A_79] : memref<28672x768xf32, #tpu.memory_space<hbm>> -> memref<28672x768xf32, #tpu.memory_space<hbm>>
        tpu.enqueue_indirect_dma source(%arg7 : memref<64x768xf32, #tpu.memory_space<vmem>>) target(%dma_start3A_80 : memref<28672x768xf32, #tpu.memory_space<hbm>>) offsets(%arg10 : memref<64xi32, #tpu.memory_space<vmem>>) semaphore(%arg18 : memref<!tpu.dma_semaphore, #tpu.memory_space<semaphore_mem>>)
      } else {
      }
    }
    %scan3A_24 = arith.constant 7 : i32
    %gt3A_25 = arith.constant 0 : i32
    %gt3A_26 = arith.cmpi sgt, %div3A_13, %gt3A_25 : i32
    %sub3A = arith.constant 1 : i32
    %sub3A_27 = arith.subi %div3A_13, %sub3A : i32
    %rem3A = arith.constant 2 : i32
    %rem3A_28 = arith.remsi %sub3A_27, %rem3A : i32
    %eq3A = arith.constant 0 : i32
    %eq3A_29 = arith.cmpi eq, %rem3A_28, %eq3A : i32
    %and3A = arith.andi %gt3A_26, %eq3A_29 : i1
    %convert_element_type3A_30 = arith.extui %and3A : i1 to i32
    %cond3A_31 = arith.constant 0 : i32
    %cond3A_32 = arith.cmpi ne, %convert_element_type3A_30, %cond3A_31 : i32
    scf.if %cond3A_32 {
      %dma_wait3A = arith.constant 0 : i32
      %dma_wait3A_45 = arith.constant 0 : i32
      %dma_wait3A_46 = tpu.memref_slice %arg4[%dma_wait3A, %dma_wait3A_45] : memref<28672x768xf32, #tpu.memory_space<hbm>> -> memref<64x768xf32, #tpu.memory_space<hbm>>
      %dma_wait3A_47 = arith.constant 0 : i32
      %dma_wait3A_48 = arith.constant 0 : i32
      %dma_wait3A_49 = tpu.memref_slice %arg4[%dma_wait3A_47, %dma_wait3A_48] : memref<28672x768xf32, #tpu.memory_space<hbm>> -> memref<64x768xf32, #tpu.memory_space<hbm>>
      tpu.wait_dma2 semaphore(%arg17 : memref<!tpu.dma_semaphore, #tpu.memory_space<semaphore_mem>>) src(%arg6 : memref<64x768xf32, #tpu.memory_space<vmem>>) dst(%dma_wait3A_49 : memref<64x768xf32, #tpu.memory_space<hbm>>)
    } else {
    }
    %gt3A_33 = arith.constant 0 : i32
    %gt3A_34 = arith.cmpi sgt, %div3A_13, %gt3A_33 : i32
    %sub3A_35 = arith.constant 1 : i32
    %sub3A_36 = arith.subi %div3A_13, %sub3A_35 : i32
    %rem3A_37 = arith.constant 2 : i32
    %rem3A_38 = arith.remsi %sub3A_36, %rem3A_37 : i32
    %eq3A_39 = arith.constant 1 : i32
    %eq3A_40 = arith.cmpi eq, %rem3A_38, %eq3A_39 : i32
    %and3A_41 = arith.andi %gt3A_34, %eq3A_40 : i1
    %convert_element_type3A_42 = arith.extui %and3A_41 : i1 to i32
    %cond3A_43 = arith.constant 0 : i32
    %cond3A_44 = arith.cmpi ne, %convert_element_type3A_42, %cond3A_43 : i32
    scf.if %cond3A_44 {
      %dma_wait3A = arith.constant 0 : i32
      %dma_wait3A_45 = arith.constant 0 : i32
      %dma_wait3A_46 = tpu.memref_slice %arg4[%dma_wait3A, %dma_wait3A_45] : memref<28672x768xf32, #tpu.memory_space<hbm>> -> memref<64x768xf32, #tpu.memory_space<hbm>>
      %dma_wait3A_47 = arith.constant 0 : i32
      %dma_wait3A_48 = arith.constant 0 : i32
      %dma_wait3A_49 = tpu.memref_slice %arg4[%dma_wait3A_47, %dma_wait3A_48] : memref<28672x768xf32, #tpu.memory_space<hbm>> -> memref<64x768xf32, #tpu.memory_space<hbm>>
      tpu.wait_dma2 semaphore(%arg18 : memref<!tpu.dma_semaphore, #tpu.memory_space<semaphore_mem>>) src(%arg7 : memref<64x768xf32, #tpu.memory_space<vmem>>) dst(%dma_wait3A_49 : memref<64x768xf32, #tpu.memory_space<hbm>>)
    } else {
    }
    return
  }
}

#map = affine_map<(d0, d1) -> (0, 0)>
#map1 = affine_map<(d0, d1) -> (0)>
module attributes {stable_mosaic.version = 14 : i64} {
  func.func @_gather_pos_body(%arg0: i32, %arg1: i32, %arg2: memref<32768x768xf32, #tpu.memory_space<hbm>>, %arg3: memref<4096xi32, #tpu.memory_space<hbm>>, %arg4: memref<28672xi32, #tpu.memory_space<hbm>>, %arg5: memref<4096x768xf32, #tpu.memory_space<hbm>>, %arg6: memref<4096x768xf32, #tpu.memory_space<hbm>>, %arg7: memref<4096xf32, #tpu.memory_space<hbm>>, %arg8: memref<28672xi32, #tpu.memory_space<hbm>>, %arg9: memref<4096xi32, #tpu.memory_space<vmem>>, %arg10: memref<2048xi32, #tpu.memory_space<vmem>>, %arg11: memref<2048xi32, #tpu.memory_space<vmem>>, %arg12: memref<32768xi32, #tpu.memory_space<vmem>>, %arg13: memref<32768xi32, #tpu.memory_space<vmem>>, %arg14: memref<32xi32, #tpu.memory_space<vmem>>, %arg15: memref<32xi32, #tpu.memory_space<vmem>>, %arg16: memref<32x768xf32, #tpu.memory_space<vmem>>, %arg17: memref<32x768xf32, #tpu.memory_space<vmem>>, %arg18: memref<896xi32, #tpu.memory_space<vmem>>, %arg19: memref<128xf32, #tpu.memory_space<vmem>>, %arg20: memref<32768xi32, #tpu.memory_space<vmem_shared>>, %arg21: memref<32768xi32, #tpu.memory_space<vmem_shared>>, %arg22: memref<!tpu.dma_semaphore, #tpu.memory_space<semaphore_mem>>, %arg23: memref<!tpu.dma_semaphore, #tpu.memory_space<semaphore_mem>>, %arg24: memref<!tpu.dma_semaphore, #tpu.memory_space<semaphore_mem>>, %arg25: memref<!tpu.dma_semaphore, #tpu.memory_space<semaphore_mem>>) attributes {dimension_semantics = [#tpu.dimension_semantics<core_parallel>, #tpu.dimension_semantics<subcore_parallel>], iteration_bounds = array<i64: 2, 16>, scalar_prefetch = 0 : i64, scratch_operands = 17 : i64, tpu.core_type = #tpu.core_type<sc_vector_subcore>, window_params = [{transform_indices = #map}, {transform_indices = #map1}, {transform_indices = #map1}, {transform_indices = #map}, {transform_indices = #map}, {transform_indices = #map1}, {transform_indices = #map1}]} {
    %mul3A = arith.constant 2 : i32
    %mul3A_0 = arith.muli %arg1, %mul3A : i32
    %add3A = arith.addi %mul3A_0, %arg0 : i32
    "tpu.region"() ({
      %run_scoped3A = tpu.sem_alloc : memref<!tpu.dma_semaphore, #tpu.memory_space<semaphore_mem>>
      tpu.enqueue_dma source(%arg3 : memref<4096xi32, #tpu.memory_space<hbm>>) target(%arg9 : memref<4096xi32, #tpu.memory_space<vmem>>) target_semaphore(%run_scoped3A : memref<!tpu.dma_semaphore, #tpu.memory_space<semaphore_mem>>)
      tpu.wait_dma2 semaphore(%run_scoped3A : memref<!tpu.dma_semaphore, #tpu.memory_space<semaphore_mem>>) src(%arg3 : memref<4096xi32, #tpu.memory_space<hbm>>) dst(%arg9 : memref<4096xi32, #tpu.memory_space<vmem>>)
      tpu.yield
    }) : () -> ()
    %mul3A_1 = arith.constant 128 : i32
    %mul3A_2 = arith.muli %add3A, %mul3A_1 : i32
    %add3A_3 = arith.constant 0 : i32
    %add3A_4 = arith.addi %mul3A_2, %add3A_3 : i32
    %add3A_5 = arith.constant 0 : i32
    %add3A_6 = arith.addi %add3A_4, %add3A_5 : i32
    %get3A = arith.index_cast %add3A_6 : i32 to index
    %get3A_7 = tpu.vector_load %arg9[%get3A] {strides = array<i32>} : memref<4096xi32, #tpu.memory_space<vmem>>, vector<16xi32>,
    %add3A_8 = arith.constant 0 : i32
    %add3A_9 = vector.broadcast %add3A_8 : i32 to vector<16xi32>
    %add3A_10 = arith.addi %get3A_7, %add3A_9 : vector<16xi32>
    %swap3A = arith.constant 0 : index
    %swap3A_11 = tpu.vector_load %arg14[%swap3A] {strides = array<i32>} : memref<32xi32, #tpu.memory_space<vmem>>, vector<16xi32>,
    tpu.vector_store %arg14[%swap3A], %add3A_10 {strides = array<i32>} : memref<32xi32, #tpu.memory_space<vmem>>, vector<16xi32>,
    %add3A_12 = arith.constant 0 : i32
    %add3A_13 = arith.addi %mul3A_2, %add3A_12 : i32
    %add3A_14 = arith.constant 16 : i32
    %add3A_15 = arith.addi %add3A_13, %add3A_14 : i32
    %get3A_16 = arith.index_cast %add3A_15 : i32 to index
    %get3A_17 = tpu.vector_load %arg9[%get3A_16] {strides = array<i32>} : memref<4096xi32, #tpu.memory_space<vmem>>, vector<16xi32>,
    %add3A_18 = arith.constant 0 : i32
    %add3A_19 = vector.broadcast %add3A_18 : i32 to vector<16xi32>
    %add3A_20 = arith.addi %get3A_17, %add3A_19 : vector<16xi32>
    %swap3A_21 = arith.constant 16 : index
    %swap3A_22 = tpu.vector_load %arg14[%swap3A_21] {strides = array<i32>} : memref<32xi32, #tpu.memory_space<vmem>>, vector<16xi32>,
    tpu.vector_store %arg14[%swap3A_21], %add3A_20 {strides = array<i32>} : memref<32xi32, #tpu.memory_space<vmem>>, vector<16xi32>,
    %dma_start3A = arith.constant 0 : i32
    %dma_start3A_23 = arith.constant 0 : i32
    %dma_start3A_24 = tpu.memref_slice %arg2[%dma_start3A, %dma_start3A_23] : memref<32768x768xf32, #tpu.memory_space<hbm>> -> memref<32768x768xf32, #tpu.memory_space<hbm>>
    tpu.enqueue_indirect_dma source(%dma_start3A_24 : memref<32768x768xf32, #tpu.memory_space<hbm>>) target(%arg16 : memref<32x768xf32, #tpu.memory_space<vmem>>) offsets(%arg14 : memref<32xi32, #tpu.memory_space<vmem>>) semaphore(%arg22 : memref<!tpu.dma_semaphore, #tpu.memory_space<semaphore_mem>>)
    %add3A_25 = arith.constant 32 : i32
    %add3A_26 = arith.addi %mul3A_2, %add3A_25 : i32
    %add3A_27 = arith.constant 0 : i32
    %add3A_28 = arith.addi %add3A_26, %add3A_27 : i32
    %get3A_29 = arith.index_cast %add3A_28 : i32 to index
    %get3A_30 = tpu.vector_load %arg9[%get3A_29] {strides = array<i32>} : memref<4096xi32, #tpu.memory_space<vmem>>, vector<16xi32>,
    %add3A_31 = arith.constant 0 : i32
    %add3A_32 = vector.broadcast %add3A_31 : i32 to vector<16xi32>
    %add3A_33 = arith.addi %get3A_30, %add3A_32 : vector<16xi32>
    %swap3A_34 = arith.constant 0 : index
    %swap3A_35 = tpu.vector_load %arg15[%swap3A_34] {strides = array<i32>} : memref<32xi32, #tpu.memory_space<vmem>>, vector<16xi32>,
    tpu.vector_store %arg15[%swap3A_34], %add3A_33 {strides = array<i32>} : memref<32xi32, #tpu.memory_space<vmem>>, vector<16xi32>,
    %add3A_36 = arith.constant 32 : i32
    %add3A_37 = arith.addi %mul3A_2, %add3A_36 : i32
    %add3A_38 = arith.constant 16 : i32
    %add3A_39 = arith.addi %add3A_37, %add3A_38 : i32
    %get3A_40 = arith.index_cast %add3A_39 : i32 to index
    %get3A_41 = tpu.vector_load %arg9[%get3A_40] {strides = array<i32>} : memref<4096xi32, #tpu.memory_space<vmem>>, vector<16xi32>,
    %add3A_42 = arith.constant 0 : i32
    %add3A_43 = vector.broadcast %add3A_42 : i32 to vector<16xi32>
    %add3A_44 = arith.addi %get3A_41, %add3A_43 : vector<16xi32>
    %swap3A_45 = arith.constant 16 : index
    %swap3A_46 = tpu.vector_load %arg15[%swap3A_45] {strides = array<i32>} : memref<32xi32, #tpu.memory_space<vmem>>, vector<16xi32>,
    tpu.vector_store %arg15[%swap3A_45], %add3A_44 {strides = array<i32>} : memref<32xi32, #tpu.memory_space<vmem>>, vector<16xi32>,
    %dma_start3A_47 = arith.constant 0 : i32
    %dma_start3A_48 = arith.constant 0 : i32
    %dma_start3A_49 = tpu.memref_slice %arg2[%dma_start3A_47, %dma_start3A_48] : memref<32768x768xf32, #tpu.memory_space<hbm>> -> memref<32768x768xf32, #tpu.memory_space<hbm>>
    tpu.enqueue_indirect_dma source(%dma_start3A_49 : memref<32768x768xf32, #tpu.memory_space<hbm>>) target(%arg17 : memref<32x768xf32, #tpu.memory_space<vmem>>) offsets(%arg15 : memref<32xi32, #tpu.memory_space<vmem>>) semaphore(%arg23 : memref<!tpu.dma_semaphore, #tpu.memory_space<semaphore_mem>>)
    %mul3A_50 = arith.constant 2048 : i32
    %mul3A_51 = arith.muli %arg1, %mul3A_50 : i32
    %scan3A = arith.constant 0 : i32
    %scan3A_52 = arith.constant 0 : i32
    %scan3A_53 = arith.constant 128 : i32
    %scan3A_54 = arith.addi %scan3A_52, %scan3A_53 : i32
    %scan3A_55 = arith.constant 1 : i32
    %scan3A_56 = scf.for %scan3A_354 = %scan3A_52 to %scan3A_54 step %scan3A_55 iter_args(%scan3A_355 = %scan3A) -> (i32)  : i32 {
      %broadcast_in_dim3A = arith.constant 4096 : i32
      %broadcast_in_dim3A_356 = vector.broadcast %broadcast_in_dim3A : i32 to vector<16xi32>
      %mul3A_357 = arith.constant 16 : i32
      %mul3A_358 = arith.muli %scan3A_354, %mul3A_357 : i32
      %swap3A_359 = arith.index_cast %mul3A_358 : i32 to index
      %swap3A_360 = tpu.vector_load %arg10[%swap3A_359] {strides = array<i32>} : memref<2048xi32, #tpu.memory_space<vmem>>, vector<16xi32>,
      tpu.vector_store %arg10[%swap3A_359], %broadcast_in_dim3A_356 {strides = array<i32>} : memref<2048xi32, #tpu.memory_space<vmem>>, vector<16xi32>,
      %broadcast_in_dim3A_361 = arith.constant 0 : i32
      %broadcast_in_dim3A_362 = vector.broadcast %broadcast_in_dim3A_361 : i32 to vector<16xi32>
      %mul3A_363 = arith.constant 16 : i32
      %mul3A_364 = arith.muli %scan3A_354, %mul3A_363 : i32
      %swap3A_365 = arith.index_cast %mul3A_364 : i32 to index
      %swap3A_366 = tpu.vector_load %arg11[%swap3A_365] {strides = array<i32>} : memref<2048xi32, #tpu.memory_space<vmem>>, vector<16xi32>,
      tpu.vector_store %arg11[%swap3A_365], %broadcast_in_dim3A_362 {strides = array<i32>} : memref<2048xi32, #tpu.memory_space<vmem>>, vector<16xi32>,
      %scan3A_367 = arith.constant 0 : i32
      scf.yield %scan3A_367 : i32
    }
    %scan3A_57 = arith.constant 128 : i32
    %scan3A_58 = arith.constant 0 : i32
    %scan3A_59 = arith.constant 0 : i32
    %scan3A_60 = arith.constant 256 : i32
    %scan3A_61 = arith.addi %scan3A_59, %scan3A_60 : i32
    %scan3A_62 = arith.constant 1 : i32
    %scan3A_63 = scf.for %scan3A_354 = %scan3A_59 to %scan3A_61 step %scan3A_62 iter_args(%scan3A_355 = %scan3A_58) -> (i32)  : i32 {
      %mul3A_356 = arith.constant 16 : i32
      %mul3A_357 = arith.muli %scan3A_354, %mul3A_356 : i32
      %get3A_358 = arith.index_cast %mul3A_357 : i32 to index
      %get3A_359 = tpu.vector_load %arg9[%get3A_358] {strides = array<i32>} : memref<4096xi32, #tpu.memory_space<vmem>>, vector<16xi32>,
      %add3A_360 = arith.constant 1 : i32
      %add3A_361 = vector.broadcast %add3A_360 : i32 to vector<16xi32>
      %add3A_362 = arith.addi %get3A_359, %add3A_361 : vector<16xi32>
      %iota3A = tpu.iota {dimensions = array<i32: 0>} : vector<16xi32>
      %mul3A_363 = arith.constant 16 : i32
      %mul3A_364 = arith.muli %scan3A_354, %mul3A_363 : i32
      %add3A_365 = vector.broadcast %mul3A_364 : i32 to vector<16xi32>
      %add3A_366 = arith.addi %iota3A, %add3A_365 : vector<16xi32>
      %ge3A = vector.broadcast %mul3A_51 : i32 to vector<16xi32>
      %ge3A_367 = arith.cmpi sge, %add3A_362, %ge3A : vector<16xi32>
      %add3A_368 = arith.constant 2048 : i32
      %add3A_369 = arith.addi %mul3A_51, %add3A_368 : i32
      %lt3A = vector.broadcast %add3A_369 : i32 to vector<16xi32>
      %lt3A_370 = arith.cmpi slt, %add3A_362, %lt3A : vector<16xi32>
      %and3A = arith.andi %ge3A_367, %lt3A_370 : vector<16xi1>
      %sub3A = vector.broadcast %mul3A_51 : i32 to vector<16xi32>
      %sub3A_371 = arith.subi %add3A_362, %sub3A : vector<16xi32>
      %jit3A = arith.constant 0 : i32
      %broadcast_in_dim3A = vector.broadcast %jit3A : i32 to vector<16xi32>
      %select_n3A = arith.select %and3A, %sub3A_371, %broadcast_in_dim3A : vector<16xi1>, vector<16xi32>
      tpu.vector_store_idx %arg10[%select_n3A], %add3A_366 masked %and3A : memref<2048xi32, #tpu.memory_space<vmem>>[vector<16xi32>], vector<16xi32>, vector<16xi1>
      %broadcast_in_dim3A_372 = arith.constant 1 : i32
      %broadcast_in_dim3A_373 = vector.broadcast %broadcast_in_dim3A_372 : i32 to vector<16xi32>
      tpu.vector_store_idx %arg11[%select_n3A], %broadcast_in_dim3A_373 masked %and3A {add = true} : memref<2048xi32, #tpu.memory_space<vmem>>[vector<16xi32>], vector<16xi32>, vector<16xi1>
      %scan3A_374 = arith.constant 0 : i32
      scf.yield %scan3A_374 : i32
    }
    %scan3A_64 = arith.constant 256 : i32
    %dma_wait3A = arith.constant 0 : i32
    %dma_wait3A_65 = arith.constant 0 : i32
    %dma_wait3A_66 = tpu.memref_slice %arg2[%dma_wait3A, %dma_wait3A_65] : memref<32768x768xf32, #tpu.memory_space<hbm>> -> memref<32768x768xf32, #tpu.memory_space<hbm>>
    tpu.wait_indirect_dma semaphore(%arg22 : memref<!tpu.dma_semaphore, #tpu.memory_space<semaphore_mem>>) src(%dma_wait3A_66 : memref<32768x768xf32, #tpu.memory_space<hbm>>) dst(%arg16 : memref<32x768xf32, #tpu.memory_space<vmem>>)
    %add3A_67 = arith.constant 0 : i32
    %add3A_68 = arith.addi %mul3A_2, %add3A_67 : i32
    %dma_start3A_69 = arith.constant 0 : i32
    %dma_start3A_70 = tpu.memref_slice %arg5[%add3A_68, %dma_start3A_69] : memref<4096x768xf32, #tpu.memory_space<hbm>> -> memref<32x768xf32, #tpu.memory_space<hbm>>
    %dma_start3A_71 = arith.constant 0 : i32
    %dma_start3A_72 = tpu.memref_slice %arg5[%add3A_68, %dma_start3A_71] : memref<4096x768xf32, #tpu.memory_space<hbm>> -> memref<32x768xf32, #tpu.memory_space<hbm>>
    tpu.enqueue_dma source(%arg16 : memref<32x768xf32, #tpu.memory_space<vmem>>) target(%dma_start3A_72 : memref<32x768xf32, #tpu.memory_space<hbm>>) target_semaphore(%arg24 : memref<!tpu.dma_semaphore, #tpu.memory_space<semaphore_mem>>)
    %add3A_73 = arith.constant 64 : i32
    %add3A_74 = arith.addi %mul3A_2, %add3A_73 : i32
    %add3A_75 = arith.constant 0 : i32
    %add3A_76 = arith.addi %add3A_74, %add3A_75 : i32
    %get3A_77 = arith.index_cast %add3A_76 : i32 to index
    %get3A_78 = tpu.vector_load %arg9[%get3A_77] {strides = array<i32>} : memref<4096xi32, #tpu.memory_space<vmem>>, vector<16xi32>,
    %add3A_79 = arith.constant 0 : i32
    %add3A_80 = vector.broadcast %add3A_79 : i32 to vector<16xi32>
    %add3A_81 = arith.addi %get3A_78, %add3A_80 : vector<16xi32>
    %swap3A_82 = arith.constant 0 : index
    %swap3A_83 = tpu.vector_load %arg14[%swap3A_82] {strides = array<i32>} : memref<32xi32, #tpu.memory_space<vmem>>, vector<16xi32>,
    tpu.vector_store %arg14[%swap3A_82], %add3A_81 {strides = array<i32>} : memref<32xi32, #tpu.memory_space<vmem>>, vector<16xi32>,
    %add3A_84 = arith.constant 64 : i32
    %add3A_85 = arith.addi %mul3A_2, %add3A_84 : i32
    %add3A_86 = arith.constant 16 : i32
    %add3A_87 = arith.addi %add3A_85, %add3A_86 : i32
    %get3A_88 = arith.index_cast %add3A_87 : i32 to index
    %get3A_89 = tpu.vector_load %arg9[%get3A_88] {strides = array<i32>} : memref<4096xi32, #tpu.memory_space<vmem>>, vector<16xi32>,
    %add3A_90 = arith.constant 0 : i32
    %add3A_91 = vector.broadcast %add3A_90 : i32 to vector<16xi32>
    %add3A_92 = arith.addi %get3A_89, %add3A_91 : vector<16xi32>
    %swap3A_93 = arith.constant 16 : index
    %swap3A_94 = tpu.vector_load %arg14[%swap3A_93] {strides = array<i32>} : memref<32xi32, #tpu.memory_space<vmem>>, vector<16xi32>,
    tpu.vector_store %arg14[%swap3A_93], %add3A_92 {strides = array<i32>} : memref<32xi32, #tpu.memory_space<vmem>>, vector<16xi32>,
    %add3A_95 = arith.constant 0 : i32
    %add3A_96 = arith.addi %mul3A_2, %add3A_95 : i32
    %dma_wait3A_97 = arith.constant 0 : i32
    %dma_wait3A_98 = tpu.memref_slice %arg5[%add3A_96, %dma_wait3A_97] : memref<4096x768xf32, #tpu.memory_space<hbm>> -> memref<32x768xf32, #tpu.memory_space<hbm>>
    %dma_wait3A_99 = arith.constant 0 : i32
    %dma_wait3A_100 = tpu.memref_slice %arg5[%add3A_96, %dma_wait3A_99] : memref<4096x768xf32, #tpu.memory_space<hbm>> -> memref<32x768xf32, #tpu.memory_space<hbm>>
    tpu.wait_dma2 semaphore(%arg24 : memref<!tpu.dma_semaphore, #tpu.memory_space<semaphore_mem>>) src(%arg16 : memref<32x768xf32, #tpu.memory_space<vmem>>) dst(%dma_wait3A_100 : memref<32x768xf32, #tpu.memory_space<hbm>>)
    %dma_start3A_101 = arith.constant 0 : i32
    %dma_start3A_102 = arith.constant 0 : i32
    %dma_start3A_103 = tpu.memref_slice %arg2[%dma_start3A_101, %dma_start3A_102] : memref<32768x768xf32, #tpu.memory_space<hbm>> -> memref<32768x768xf32, #tpu.memory_space<hbm>>
    tpu.enqueue_indirect_dma source(%dma_start3A_103 : memref<32768x768xf32, #tpu.memory_space<hbm>>) target(%arg16 : memref<32x768xf32, #tpu.memory_space<vmem>>) offsets(%arg14 : memref<32xi32, #tpu.memory_space<vmem>>) semaphore(%arg22 : memref<!tpu.dma_semaphore, #tpu.memory_space<semaphore_mem>>)
    %dma_wait3A_104 = arith.constant 0 : i32
    %dma_wait3A_105 = arith.constant 0 : i32
    %dma_wait3A_106 = tpu.memref_slice %arg2[%dma_wait3A_104, %dma_wait3A_105] : memref<32768x768xf32, #tpu.memory_space<hbm>> -> memref<32768x768xf32, #tpu.memory_space<hbm>>
    tpu.wait_indirect_dma semaphore(%arg23 : memref<!tpu.dma_semaphore, #tpu.memory_space<semaphore_mem>>) src(%dma_wait3A_106 : memref<32768x768xf32, #tpu.memory_space<hbm>>) dst(%arg17 : memref<32x768xf32, #tpu.memory_space<vmem>>)
    %add3A_107 = arith.constant 32 : i32
    %add3A_108 = arith.addi %mul3A_2, %add3A_107 : i32
    %dma_start3A_109 = arith.constant 0 : i32
    %dma_start3A_110 = tpu.memref_slice %arg5[%add3A_108, %dma_start3A_109] : memref<4096x768xf32, #tpu.memory_space<hbm>> -> memref<32x768xf32, #tpu.memory_space<hbm>>
    %dma_start3A_111 = arith.constant 0 : i32
    %dma_start3A_112 = tpu.memref_slice %arg5[%add3A_108, %dma_start3A_111] : memref<4096x768xf32, #tpu.memory_space<hbm>> -> memref<32x768xf32, #tpu.memory_space<hbm>>
    tpu.enqueue_dma source(%arg17 : memref<32x768xf32, #tpu.memory_space<vmem>>) target(%dma_start3A_112 : memref<32x768xf32, #tpu.memory_space<hbm>>) target_semaphore(%arg25 : memref<!tpu.dma_semaphore, #tpu.memory_space<semaphore_mem>>)
    %add3A_113 = arith.constant 96 : i32
    %add3A_114 = arith.addi %mul3A_2, %add3A_113 : i32
    %add3A_115 = arith.constant 0 : i32
    %add3A_116 = arith.addi %add3A_114, %add3A_115 : i32
    %get3A_117 = arith.index_cast %add3A_116 : i32 to index
    %get3A_118 = tpu.vector_load %arg9[%get3A_117] {strides = array<i32>} : memref<4096xi32, #tpu.memory_space<vmem>>, vector<16xi32>,
    %add3A_119 = arith.constant 0 : i32
    %add3A_120 = vector.broadcast %add3A_119 : i32 to vector<16xi32>
    %add3A_121 = arith.addi %get3A_118, %add3A_120 : vector<16xi32>
    %swap3A_122 = arith.constant 0 : index
    %swap3A_123 = tpu.vector_load %arg15[%swap3A_122] {strides = array<i32>} : memref<32xi32, #tpu.memory_space<vmem>>, vector<16xi32>,
    tpu.vector_store %arg15[%swap3A_122], %add3A_121 {strides = array<i32>} : memref<32xi32, #tpu.memory_space<vmem>>, vector<16xi32>,
    %add3A_124 = arith.constant 96 : i32
    %add3A_125 = arith.addi %mul3A_2, %add3A_124 : i32
    %add3A_126 = arith.constant 16 : i32
    %add3A_127 = arith.addi %add3A_125, %add3A_126 : i32
    %get3A_128 = arith.index_cast %add3A_127 : i32 to index
    %get3A_129 = tpu.vector_load %arg9[%get3A_128] {strides = array<i32>} : memref<4096xi32, #tpu.memory_space<vmem>>, vector<16xi32>,
    %add3A_130 = arith.constant 0 : i32
    %add3A_131 = vector.broadcast %add3A_130 : i32 to vector<16xi32>
    %add3A_132 = arith.addi %get3A_129, %add3A_131 : vector<16xi32>
    %swap3A_133 = arith.constant 16 : index
    %swap3A_134 = tpu.vector_load %arg15[%swap3A_133] {strides = array<i32>} : memref<32xi32, #tpu.memory_space<vmem>>, vector<16xi32>,
    tpu.vector_store %arg15[%swap3A_133], %add3A_132 {strides = array<i32>} : memref<32xi32, #tpu.memory_space<vmem>>, vector<16xi32>,
    %add3A_135 = arith.constant 32 : i32
    %add3A_136 = arith.addi %mul3A_2, %add3A_135 : i32
    %dma_wait3A_137 = arith.constant 0 : i32
    %dma_wait3A_138 = tpu.memref_slice %arg5[%add3A_136, %dma_wait3A_137] : memref<4096x768xf32, #tpu.memory_space<hbm>> -> memref<32x768xf32, #tpu.memory_space<hbm>>
    %dma_wait3A_139 = arith.constant 0 : i32
    %dma_wait3A_140 = tpu.memref_slice %arg5[%add3A_136, %dma_wait3A_139] : memref<4096x768xf32, #tpu.memory_space<hbm>> -> memref<32x768xf32, #tpu.memory_space<hbm>>
    tpu.wait_dma2 semaphore(%arg25 : memref<!tpu.dma_semaphore, #tpu.memory_space<semaphore_mem>>) src(%arg17 : memref<32x768xf32, #tpu.memory_space<vmem>>) dst(%dma_wait3A_140 : memref<32x768xf32, #tpu.memory_space<hbm>>)
    %dma_start3A_141 = arith.constant 0 : i32
    %dma_start3A_142 = arith.constant 0 : i32
    %dma_start3A_143 = tpu.memref_slice %arg2[%dma_start3A_141, %dma_start3A_142] : memref<32768x768xf32, #tpu.memory_space<hbm>> -> memref<32768x768xf32, #tpu.memory_space<hbm>>
    tpu.enqueue_indirect_dma source(%dma_start3A_143 : memref<32768x768xf32, #tpu.memory_space<hbm>>) target(%arg17 : memref<32x768xf32, #tpu.memory_space<vmem>>) offsets(%arg15 : memref<32xi32, #tpu.memory_space<vmem>>) semaphore(%arg23 : memref<!tpu.dma_semaphore, #tpu.memory_space<semaphore_mem>>)
    %dma_wait3A_144 = arith.constant 0 : i32
    %dma_wait3A_145 = arith.constant 0 : i32
    %dma_wait3A_146 = tpu.memref_slice %arg2[%dma_wait3A_144, %dma_wait3A_145] : memref<32768x768xf32, #tpu.memory_space<hbm>> -> memref<32768x768xf32, #tpu.memory_space<hbm>>
    tpu.wait_indirect_dma semaphore(%arg22 : memref<!tpu.dma_semaphore, #tpu.memory_space<semaphore_mem>>) src(%dma_wait3A_146 : memref<32768x768xf32, #tpu.memory_space<hbm>>) dst(%arg16 : memref<32x768xf32, #tpu.memory_space<vmem>>)
    %add3A_147 = arith.constant 64 : i32
    %add3A_148 = arith.addi %mul3A_2, %add3A_147 : i32
    %dma_start3A_149 = arith.constant 0 : i32
    %dma_start3A_150 = tpu.memref_slice %arg5[%add3A_148, %dma_start3A_149] : memref<4096x768xf32, #tpu.memory_space<hbm>> -> memref<32x768xf32, #tpu.memory_space<hbm>>
    %dma_start3A_151 = arith.constant 0 : i32
    %dma_start3A_152 = tpu.memref_slice %arg5[%add3A_148, %dma_start3A_151] : memref<4096x768xf32, #tpu.memory_space<hbm>> -> memref<32x768xf32, #tpu.memory_space<hbm>>
    tpu.enqueue_dma source(%arg16 : memref<32x768xf32, #tpu.memory_space<vmem>>) target(%dma_start3A_152 : memref<32x768xf32, #tpu.memory_space<hbm>>) target_semaphore(%arg24 : memref<!tpu.dma_semaphore, #tpu.memory_space<semaphore_mem>>)
    %add3A_153 = arith.constant 0 : i32
    %add3A_154 = arith.addi %mul3A_2, %add3A_153 : i32
    %add3A_155 = arith.constant 0 : i32
    %add3A_156 = arith.addi %add3A_154, %add3A_155 : i32
    %get3A_157 = arith.index_cast %add3A_156 : i32 to index
    %get3A_158 = tpu.vector_load %arg9[%get3A_157] {strides = array<i32>} : memref<4096xi32, #tpu.memory_space<vmem>>, vector<16xi32>,
    %add3A_159 = arith.constant 1 : i32
    %add3A_160 = vector.broadcast %add3A_159 : i32 to vector<16xi32>
    %add3A_161 = arith.addi %get3A_158, %add3A_160 : vector<16xi32>
    %swap3A_162 = arith.constant 0 : index
    %swap3A_163 = tpu.vector_load %arg14[%swap3A_162] {strides = array<i32>} : memref<32xi32, #tpu.memory_space<vmem>>, vector<16xi32>,
    tpu.vector_store %arg14[%swap3A_162], %add3A_161 {strides = array<i32>} : memref<32xi32, #tpu.memory_space<vmem>>, vector<16xi32>,
    %add3A_164 = arith.constant 0 : i32
    %add3A_165 = arith.addi %mul3A_2, %add3A_164 : i32
    %add3A_166 = arith.constant 16 : i32
    %add3A_167 = arith.addi %add3A_165, %add3A_166 : i32
    %get3A_168 = arith.index_cast %add3A_167 : i32 to index
    %get3A_169 = tpu.vector_load %arg9[%get3A_168] {strides = array<i32>} : memref<4096xi32, #tpu.memory_space<vmem>>, vector<16xi32>,
    %add3A_170 = arith.constant 1 : i32
    %add3A_171 = vector.broadcast %add3A_170 : i32 to vector<16xi32>
    %add3A_172 = arith.addi %get3A_169, %add3A_171 : vector<16xi32>
    %swap3A_173 = arith.constant 16 : index
    %swap3A_174 = tpu.vector_load %arg14[%swap3A_173] {strides = array<i32>} : memref<32xi32, #tpu.memory_space<vmem>>, vector<16xi32>,
    tpu.vector_store %arg14[%swap3A_173], %add3A_172 {strides = array<i32>} : memref<32xi32, #tpu.memory_space<vmem>>, vector<16xi32>,
    %add3A_175 = arith.constant 64 : i32
    %add3A_176 = arith.addi %mul3A_2, %add3A_175 : i32
    %dma_wait3A_177 = arith.constant 0 : i32
    %dma_wait3A_178 = tpu.memref_slice %arg5[%add3A_176, %dma_wait3A_177] : memref<4096x768xf32, #tpu.memory_space<hbm>> -> memref<32x768xf32, #tpu.memory_space<hbm>>
    %dma_wait3A_179 = arith.constant 0 : i32
    %dma_wait3A_180 = tpu.memref_slice %arg5[%add3A_176, %dma_wait3A_179] : memref<4096x768xf32, #tpu.memory_space<hbm>> -> memref<32x768xf32, #tpu.memory_space<hbm>>
    tpu.wait_dma2 semaphore(%arg24 : memref<!tpu.dma_semaphore, #tpu.memory_space<semaphore_mem>>) src(%arg16 : memref<32x768xf32, #tpu.memory_space<vmem>>) dst(%dma_wait3A_180 : memref<32x768xf32, #tpu.memory_space<hbm>>)
    %dma_start3A_181 = arith.constant 0 : i32
    %dma_start3A_182 = arith.constant 0 : i32
    %dma_start3A_183 = tpu.memref_slice %arg2[%dma_start3A_181, %dma_start3A_182] : memref<32768x768xf32, #tpu.memory_space<hbm>> -> memref<32768x768xf32, #tpu.memory_space<hbm>>
    tpu.enqueue_indirect_dma source(%dma_start3A_183 : memref<32768x768xf32, #tpu.memory_space<hbm>>) target(%arg16 : memref<32x768xf32, #tpu.memory_space<vmem>>) offsets(%arg14 : memref<32xi32, #tpu.memory_space<vmem>>) semaphore(%arg22 : memref<!tpu.dma_semaphore, #tpu.memory_space<semaphore_mem>>)
    %dma_wait3A_184 = arith.constant 0 : i32
    %dma_wait3A_185 = arith.constant 0 : i32
    %dma_wait3A_186 = tpu.memref_slice %arg2[%dma_wait3A_184, %dma_wait3A_185] : memref<32768x768xf32, #tpu.memory_space<hbm>> -> memref<32768x768xf32, #tpu.memory_space<hbm>>
    tpu.wait_indirect_dma semaphore(%arg23 : memref<!tpu.dma_semaphore, #tpu.memory_space<semaphore_mem>>) src(%dma_wait3A_186 : memref<32768x768xf32, #tpu.memory_space<hbm>>) dst(%arg17 : memref<32x768xf32, #tpu.memory_space<vmem>>)
    %add3A_187 = arith.constant 96 : i32
    %add3A_188 = arith.addi %mul3A_2, %add3A_187 : i32
    %dma_start3A_189 = arith.constant 0 : i32
    %dma_start3A_190 = tpu.memref_slice %arg5[%add3A_188, %dma_start3A_189] : memref<4096x768xf32, #tpu.memory_space<hbm>> -> memref<32x768xf32, #tpu.memory_space<hbm>>
    %dma_start3A_191 = arith.constant 0 : i32
    %dma_start3A_192 = tpu.memref_slice %arg5[%add3A_188, %dma_start3A_191] : memref<4096x768xf32, #tpu.memory_space<hbm>> -> memref<32x768xf32, #tpu.memory_space<hbm>>
    tpu.enqueue_dma source(%arg17 : memref<32x768xf32, #tpu.memory_space<vmem>>) target(%dma_start3A_192 : memref<32x768xf32, #tpu.memory_space<hbm>>) target_semaphore(%arg25 : memref<!tpu.dma_semaphore, #tpu.memory_space<semaphore_mem>>)
    %add3A_193 = arith.constant 32 : i32
    %add3A_194 = arith.addi %mul3A_2, %add3A_193 : i32
    %add3A_195 = arith.constant 0 : i32
    %add3A_196 = arith.addi %add3A_194, %add3A_195 : i32
    %get3A_197 = arith.index_cast %add3A_196 : i32 to index
    %get3A_198 = tpu.vector_load %arg9[%get3A_197] {strides = array<i32>} : memref<4096xi32, #tpu.memory_space<vmem>>, vector<16xi32>,
    %add3A_199 = arith.constant 1 : i32
    %add3A_200 = vector.broadcast %add3A_199 : i32 to vector<16xi32>
    %add3A_201 = arith.addi %get3A_198, %add3A_200 : vector<16xi32>
    %swap3A_202 = arith.constant 0 : index
    %swap3A_203 = tpu.vector_load %arg15[%swap3A_202] {strides = array<i32>} : memref<32xi32, #tpu.memory_space<vmem>>, vector<16xi32>,
    tpu.vector_store %arg15[%swap3A_202], %add3A_201 {strides = array<i32>} : memref<32xi32, #tpu.memory_space<vmem>>, vector<16xi32>,
    %add3A_204 = arith.constant 32 : i32
    %add3A_205 = arith.addi %mul3A_2, %add3A_204 : i32
    %add3A_206 = arith.constant 16 : i32
    %add3A_207 = arith.addi %add3A_205, %add3A_206 : i32
    %get3A_208 = arith.index_cast %add3A_207 : i32 to index
    %get3A_209 = tpu.vector_load %arg9[%get3A_208] {strides = array<i32>} : memref<4096xi32, #tpu.memory_space<vmem>>, vector<16xi32>,
    %add3A_210 = arith.constant 1 : i32
    %add3A_211 = vector.broadcast %add3A_210 : i32 to vector<16xi32>
    %add3A_212 = arith.addi %get3A_209, %add3A_211 : vector<16xi32>
    %swap3A_213 = arith.constant 16 : index
    %swap3A_214 = tpu.vector_load %arg15[%swap3A_213] {strides = array<i32>} : memref<32xi32, #tpu.memory_space<vmem>>, vector<16xi32>,
    tpu.vector_store %arg15[%swap3A_213], %add3A_212 {strides = array<i32>} : memref<32xi32, #tpu.memory_space<vmem>>, vector<16xi32>,
    %add3A_215 = arith.constant 96 : i32
    %add3A_216 = arith.addi %mul3A_2, %add3A_215 : i32
    %dma_wait3A_217 = arith.constant 0 : i32
    %dma_wait3A_218 = tpu.memref_slice %arg5[%add3A_216, %dma_wait3A_217] : memref<4096x768xf32, #tpu.memory_space<hbm>> -> memref<32x768xf32, #tpu.memory_space<hbm>>
    %dma_wait3A_219 = arith.constant 0 : i32
    %dma_wait3A_220 = tpu.memref_slice %arg5[%add3A_216, %dma_wait3A_219] : memref<4096x768xf32, #tpu.memory_space<hbm>> -> memref<32x768xf32, #tpu.memory_space<hbm>>
    tpu.wait_dma2 semaphore(%arg25 : memref<!tpu.dma_semaphore, #tpu.memory_space<semaphore_mem>>) src(%arg17 : memref<32x768xf32, #tpu.memory_space<vmem>>) dst(%dma_wait3A_220 : memref<32x768xf32, #tpu.memory_space<hbm>>)
    %dma_start3A_221 = arith.constant 0 : i32
    %dma_start3A_222 = arith.constant 0 : i32
    %dma_start3A_223 = tpu.memref_slice %arg2[%dma_start3A_221, %dma_start3A_222] : memref<32768x768xf32, #tpu.memory_space<hbm>> -> memref<32768x768xf32, #tpu.memory_space<hbm>>
    tpu.enqueue_indirect_dma source(%dma_start3A_223 : memref<32768x768xf32, #tpu.memory_space<hbm>>) target(%arg17 : memref<32x768xf32, #tpu.memory_space<vmem>>) offsets(%arg15 : memref<32xi32, #tpu.memory_space<vmem>>) semaphore(%arg23 : memref<!tpu.dma_semaphore, #tpu.memory_space<semaphore_mem>>)
    %dma_wait3A_224 = arith.constant 0 : i32
    %dma_wait3A_225 = arith.constant 0 : i32
    %dma_wait3A_226 = tpu.memref_slice %arg2[%dma_wait3A_224, %dma_wait3A_225] : memref<32768x768xf32, #tpu.memory_space<hbm>> -> memref<32768x768xf32, #tpu.memory_space<hbm>>
    tpu.wait_indirect_dma semaphore(%arg22 : memref<!tpu.dma_semaphore, #tpu.memory_space<semaphore_mem>>) src(%dma_wait3A_226 : memref<32768x768xf32, #tpu.memory_space<hbm>>) dst(%arg16 : memref<32x768xf32, #tpu.memory_space<vmem>>)
    %add3A_227 = arith.constant 0 : i32
    %add3A_228 = arith.addi %mul3A_2, %add3A_227 : i32
    %dma_start3A_229 = arith.constant 0 : i32
    %dma_start3A_230 = tpu.memref_slice %arg6[%add3A_228, %dma_start3A_229] : memref<4096x768xf32, #tpu.memory_space<hbm>> -> memref<32x768xf32, #tpu.memory_space<hbm>>
    %dma_start3A_231 = arith.constant 0 : i32
    %dma_start3A_232 = tpu.memref_slice %arg6[%add3A_228, %dma_start3A_231] : memref<4096x768xf32, #tpu.memory_space<hbm>> -> memref<32x768xf32, #tpu.memory_space<hbm>>
    tpu.enqueue_dma source(%arg16 : memref<32x768xf32, #tpu.memory_space<vmem>>) target(%dma_start3A_232 : memref<32x768xf32, #tpu.memory_space<hbm>>) target_semaphore(%arg24 : memref<!tpu.dma_semaphore, #tpu.memory_space<semaphore_mem>>)
    %add3A_233 = arith.constant 64 : i32
    %add3A_234 = arith.addi %mul3A_2, %add3A_233 : i32
    %add3A_235 = arith.constant 0 : i32
    %add3A_236 = arith.addi %add3A_234, %add3A_235 : i32
    %get3A_237 = arith.index_cast %add3A_236 : i32 to index
    %get3A_238 = tpu.vector_load %arg9[%get3A_237] {strides = array<i32>} : memref<4096xi32, #tpu.memory_space<vmem>>, vector<16xi32>,
    %add3A_239 = arith.constant 1 : i32
    %add3A_240 = vector.broadcast %add3A_239 : i32 to vector<16xi32>
    %add3A_241 = arith.addi %get3A_238, %add3A_240 : vector<16xi32>
    %swap3A_242 = arith.constant 0 : index
    %swap3A_243 = tpu.vector_load %arg14[%swap3A_242] {strides = array<i32>} : memref<32xi32, #tpu.memory_space<vmem>>, vector<16xi32>,
    tpu.vector_store %arg14[%swap3A_242], %add3A_241 {strides = array<i32>} : memref<32xi32, #tpu.memory_space<vmem>>, vector<16xi32>,
    %add3A_244 = arith.constant 64 : i32
    %add3A_245 = arith.addi %mul3A_2, %add3A_244 : i32
    %add3A_246 = arith.constant 16 : i32
    %add3A_247 = arith.addi %add3A_245, %add3A_246 : i32
    %get3A_248 = arith.index_cast %add3A_247 : i32 to index
    %get3A_249 = tpu.vector_load %arg9[%get3A_248] {strides = array<i32>} : memref<4096xi32, #tpu.memory_space<vmem>>, vector<16xi32>,
    %add3A_250 = arith.constant 1 : i32
    %add3A_251 = vector.broadcast %add3A_250 : i32 to vector<16xi32>
    %add3A_252 = arith.addi %get3A_249, %add3A_251 : vector<16xi32>
    %swap3A_253 = arith.constant 16 : index
    %swap3A_254 = tpu.vector_load %arg14[%swap3A_253] {strides = array<i32>} : memref<32xi32, #tpu.memory_space<vmem>>, vector<16xi32>,
    tpu.vector_store %arg14[%swap3A_253], %add3A_252 {strides = array<i32>} : memref<32xi32, #tpu.memory_space<vmem>>, vector<16xi32>,
    %add3A_255 = arith.constant 0 : i32
    %add3A_256 = arith.addi %mul3A_2, %add3A_255 : i32
    %dma_wait3A_257 = arith.constant 0 : i32
    %dma_wait3A_258 = tpu.memref_slice %arg6[%add3A_256, %dma_wait3A_257] : memref<4096x768xf32, #tpu.memory_space<hbm>> -> memref<32x768xf32, #tpu.memory_space<hbm>>
    %dma_wait3A_259 = arith.constant 0 : i32
    %dma_wait3A_260 = tpu.memref_slice %arg6[%add3A_256, %dma_wait3A_259] : memref<4096x768xf32, #tpu.memory_space<hbm>> -> memref<32x768xf32, #tpu.memory_space<hbm>>
    tpu.wait_dma2 semaphore(%arg24 : memref<!tpu.dma_semaphore, #tpu.memory_space<semaphore_mem>>) src(%arg16 : memref<32x768xf32, #tpu.memory_space<vmem>>) dst(%dma_wait3A_260 : memref<32x768xf32, #tpu.memory_space<hbm>>)
    %dma_start3A_261 = arith.constant 0 : i32
    %dma_start3A_262 = arith.constant 0 : i32
    %dma_start3A_263 = tpu.memref_slice %arg2[%dma_start3A_261, %dma_start3A_262] : memref<32768x768xf32, #tpu.memory_space<hbm>> -> memref<32768x768xf32, #tpu.memory_space<hbm>>
    tpu.enqueue_indirect_dma source(%dma_start3A_263 : memref<32768x768xf32, #tpu.memory_space<hbm>>) target(%arg16 : memref<32x768xf32, #tpu.memory_space<vmem>>) offsets(%arg14 : memref<32xi32, #tpu.memory_space<vmem>>) semaphore(%arg22 : memref<!tpu.dma_semaphore, #tpu.memory_space<semaphore_mem>>)
    %dma_wait3A_264 = arith.constant 0 : i32
    %dma_wait3A_265 = arith.constant 0 : i32
    %dma_wait3A_266 = tpu.memref_slice %arg2[%dma_wait3A_264, %dma_wait3A_265] : memref<32768x768xf32, #tpu.memory_space<hbm>> -> memref<32768x768xf32, #tpu.memory_space<hbm>>
    tpu.wait_indirect_dma semaphore(%arg23 : memref<!tpu.dma_semaphore, #tpu.memory_space<semaphore_mem>>) src(%dma_wait3A_266 : memref<32768x768xf32, #tpu.memory_space<hbm>>) dst(%arg17 : memref<32x768xf32, #tpu.memory_space<vmem>>)
    %add3A_267 = arith.constant 32 : i32
    %add3A_268 = arith.addi %mul3A_2, %add3A_267 : i32
    %dma_start3A_269 = arith.constant 0 : i32
    %dma_start3A_270 = tpu.memref_slice %arg6[%add3A_268, %dma_start3A_269] : memref<4096x768xf32, #tpu.memory_space<hbm>> -> memref<32x768xf32, #tpu.memory_space<hbm>>
    %dma_start3A_271 = arith.constant 0 : i32
    %dma_start3A_272 = tpu.memref_slice %arg6[%add3A_268, %dma_start3A_271] : memref<4096x768xf32, #tpu.memory_space<hbm>> -> memref<32x768xf32, #tpu.memory_space<hbm>>
    tpu.enqueue_dma source(%arg17 : memref<32x768xf32, #tpu.memory_space<vmem>>) target(%dma_start3A_272 : memref<32x768xf32, #tpu.memory_space<hbm>>) target_semaphore(%arg25 : memref<!tpu.dma_semaphore, #tpu.memory_space<semaphore_mem>>)
    %add3A_273 = arith.constant 96 : i32
    %add3A_274 = arith.addi %mul3A_2, %add3A_273 : i32
    %add3A_275 = arith.constant 0 : i32
    %add3A_276 = arith.addi %add3A_274, %add3A_275 : i32
    %get3A_277 = arith.index_cast %add3A_276 : i32 to index
    %get3A_278 = tpu.vector_load %arg9[%get3A_277] {strides = array<i32>} : memref<4096xi32, #tpu.memory_space<vmem>>, vector<16xi32>,
    %add3A_279 = arith.constant 1 : i32
    %add3A_280 = vector.broadcast %add3A_279 : i32 to vector<16xi32>
    %add3A_281 = arith.addi %get3A_278, %add3A_280 : vector<16xi32>
    %swap3A_282 = arith.constant 0 : index
    %swap3A_283 = tpu.vector_load %arg15[%swap3A_282] {strides = array<i32>} : memref<32xi32, #tpu.memory_space<vmem>>, vector<16xi32>,
    tpu.vector_store %arg15[%swap3A_282], %add3A_281 {strides = array<i32>} : memref<32xi32, #tpu.memory_space<vmem>>, vector<16xi32>,
    %add3A_284 = arith.constant 96 : i32
    %add3A_285 = arith.addi %mul3A_2, %add3A_284 : i32
    %add3A_286 = arith.constant 16 : i32
    %add3A_287 = arith.addi %add3A_285, %add3A_286 : i32
    %get3A_288 = arith.index_cast %add3A_287 : i32 to index
    %get3A_289 = tpu.vector_load %arg9[%get3A_288] {strides = array<i32>} : memref<4096xi32, #tpu.memory_space<vmem>>, vector<16xi32>,
    %add3A_290 = arith.constant 1 : i32
    %add3A_291 = vector.broadcast %add3A_290 : i32 to vector<16xi32>
    %add3A_292 = arith.addi %get3A_289, %add3A_291 : vector<16xi32>
    %swap3A_293 = arith.constant 16 : index
    %swap3A_294 = tpu.vector_load %arg15[%swap3A_293] {strides = array<i32>} : memref<32xi32, #tpu.memory_space<vmem>>, vector<16xi32>,
    tpu.vector_store %arg15[%swap3A_293], %add3A_292 {strides = array<i32>} : memref<32xi32, #tpu.memory_space<vmem>>, vector<16xi32>,
    %add3A_295 = arith.constant 32 : i32
    %add3A_296 = arith.addi %mul3A_2, %add3A_295 : i32
    %dma_wait3A_297 = arith.constant 0 : i32
    %dma_wait3A_298 = tpu.memref_slice %arg6[%add3A_296, %dma_wait3A_297] : memref<4096x768xf32, #tpu.memory_space<hbm>> -> memref<32x768xf32, #tpu.memory_space<hbm>>
    %dma_wait3A_299 = arith.constant 0 : i32
    %dma_wait3A_300 = tpu.memref_slice %arg6[%add3A_296, %dma_wait3A_299] : memref<4096x768xf32, #tpu.memory_space<hbm>> -> memref<32x768xf32, #tpu.memory_space<hbm>>
    tpu.wait_dma2 semaphore(%arg25 : memref<!tpu.dma_semaphore, #tpu.memory_space<semaphore_mem>>) src(%arg17 : memref<32x768xf32, #tpu.memory_space<vmem>>) dst(%dma_wait3A_300 : memref<32x768xf32, #tpu.memory_space<hbm>>)
    %dma_start3A_301 = arith.constant 0 : i32
    %dma_start3A_302 = arith.constant 0 : i32
    %dma_start3A_303 = tpu.memref_slice %arg2[%dma_start3A_301, %dma_start3A_302] : memref<32768x768xf32, #tpu.memory_space<hbm>> -> memref<32768x768xf32, #tpu.memory_space<hbm>>
    tpu.enqueue_indirect_dma source(%dma_start3A_303 : memref<32768x768xf32, #tpu.memory_space<hbm>>) target(%arg17 : memref<32x768xf32, #tpu.memory_space<vmem>>) offsets(%arg15 : memref<32xi32, #tpu.memory_space<vmem>>) semaphore(%arg23 : memref<!tpu.dma_semaphore, #tpu.memory_space<semaphore_mem>>)
    %dma_wait3A_304 = arith.constant 0 : i32
    %dma_wait3A_305 = arith.constant 0 : i32
    %dma_wait3A_306 = tpu.memref_slice %arg2[%dma_wait3A_304, %dma_wait3A_305] : memref<32768x768xf32, #tpu.memory_space<hbm>> -> memref<32768x768xf32, #tpu.memory_space<hbm>>
    tpu.wait_indirect_dma semaphore(%arg22 : memref<!tpu.dma_semaphore, #tpu.memory_space<semaphore_mem>>) src(%dma_wait3A_306 : memref<32768x768xf32, #tpu.memory_space<hbm>>) dst(%arg16 : memref<32x768xf32, #tpu.memory_space<vmem>>)
    %add3A_307 = arith.constant 64 : i32
    %add3A_308 = arith.addi %mul3A_2, %add3A_307 : i32
    %dma_start3A_309 = arith.constant 0 : i32
    %dma_start3A_310 = tpu.memref_slice %arg6[%add3A_308, %dma_start3A_309] : memref<4096x768xf32, #tpu.memory_space<hbm>> -> memref<32x768xf32, #tpu.memory_space<hbm>>
    %dma_start3A_311 = arith.constant 0 : i32
    %dma_start3A_312 = tpu.memref_slice %arg6[%add3A_308, %dma_start3A_311] : memref<4096x768xf32, #tpu.memory_space<hbm>> -> memref<32x768xf32, #tpu.memory_space<hbm>>
    tpu.enqueue_dma source(%arg16 : memref<32x768xf32, #tpu.memory_space<vmem>>) target(%dma_start3A_312 : memref<32x768xf32, #tpu.memory_space<hbm>>) target_semaphore(%arg24 : memref<!tpu.dma_semaphore, #tpu.memory_space<semaphore_mem>>)
    %dma_wait3A_313 = arith.constant 0 : i32
    %dma_wait3A_314 = arith.constant 0 : i32
    %dma_wait3A_315 = tpu.memref_slice %arg2[%dma_wait3A_313, %dma_wait3A_314] : memref<32768x768xf32, #tpu.memory_space<hbm>> -> memref<32768x768xf32, #tpu.memory_space<hbm>>
    tpu.wait_indirect_dma semaphore(%arg23 : memref<!tpu.dma_semaphore, #tpu.memory_space<semaphore_mem>>) src(%dma_wait3A_315 : memref<32768x768xf32, #tpu.memory_space<hbm>>) dst(%arg17 : memref<32x768xf32, #tpu.memory_space<vmem>>)
    %add3A_316 = arith.constant 96 : i32
    %add3A_317 = arith.addi %mul3A_2, %add3A_316 : i32
    %dma_start3A_318 = arith.constant 0 : i32
    %dma_start3A_319 = tpu.memref_slice %arg6[%add3A_317, %dma_start3A_318] : memref<4096x768xf32, #tpu.memory_space<hbm>> -> memref<32x768xf32, #tpu.memory_space<hbm>>
    %dma_start3A_320 = arith.constant 0 : i32
    %dma_start3A_321 = tpu.memref_slice %arg6[%add3A_317, %dma_start3A_320] : memref<4096x768xf32, #tpu.memory_space<hbm>> -> memref<32x768xf32, #tpu.memory_space<hbm>>
    tpu.enqueue_dma source(%arg17 : memref<32x768xf32, #tpu.memory_space<vmem>>) target(%dma_start3A_321 : memref<32x768xf32, #tpu.memory_space<hbm>>) target_semaphore(%arg25 : memref<!tpu.dma_semaphore, #tpu.memory_space<semaphore_mem>>)
    %add3A_322 = arith.constant 64 : i32
    %add3A_323 = arith.addi %mul3A_2, %add3A_322 : i32
    %dma_wait3A_324 = arith.constant 0 : i32
    %dma_wait3A_325 = tpu.memref_slice %arg6[%add3A_323, %dma_wait3A_324] : memref<4096x768xf32, #tpu.memory_space<hbm>> -> memref<32x768xf32, #tpu.memory_space<hbm>>
    %dma_wait3A_326 = arith.constant 0 : i32
    %dma_wait3A_327 = tpu.memref_slice %arg6[%add3A_323, %dma_wait3A_326] : memref<4096x768xf32, #tpu.memory_space<hbm>> -> memref<32x768xf32, #tpu.memory_space<hbm>>
    tpu.wait_dma2 semaphore(%arg24 : memref<!tpu.dma_semaphore, #tpu.memory_space<semaphore_mem>>) src(%arg16 : memref<32x768xf32, #tpu.memory_space<vmem>>) dst(%dma_wait3A_327 : memref<32x768xf32, #tpu.memory_space<hbm>>)
    %add3A_328 = arith.constant 96 : i32
    %add3A_329 = arith.addi %mul3A_2, %add3A_328 : i32
    %dma_wait3A_330 = arith.constant 0 : i32
    %dma_wait3A_331 = tpu.memref_slice %arg6[%add3A_329, %dma_wait3A_330] : memref<4096x768xf32, #tpu.memory_space<hbm>> -> memref<32x768xf32, #tpu.memory_space<hbm>>
    %dma_wait3A_332 = arith.constant 0 : i32
    %dma_wait3A_333 = tpu.memref_slice %arg6[%add3A_329, %dma_wait3A_332] : memref<4096x768xf32, #tpu.memory_space<hbm>> -> memref<32x768xf32, #tpu.memory_space<hbm>>
    tpu.wait_dma2 semaphore(%arg25 : memref<!tpu.dma_semaphore, #tpu.memory_space<semaphore_mem>>) src(%arg17 : memref<32x768xf32, #tpu.memory_space<vmem>>) dst(%dma_wait3A_333 : memref<32x768xf32, #tpu.memory_space<hbm>>)
    %mul3A_334 = arith.constant 2048 : i32
    %mul3A_335 = arith.muli %arg1, %mul3A_334 : i32
    "tpu.region"() ({
      %run_scoped3A = tpu.sem_alloc : memref<!tpu.dma_semaphore, #tpu.memory_space<semaphore_mem>>
      %dma_start3A_354 = tpu.memref_slice %arg20[%mul3A_335] : memref<32768xi32, #tpu.memory_space<vmem_shared>> -> memref<2048xi32, #tpu.memory_space<vmem_shared>>
      %dma_start3A_355 = tpu.memref_slice %arg20[%mul3A_335] : memref<32768xi32, #tpu.memory_space<vmem_shared>> -> memref<2048xi32, #tpu.memory_space<vmem_shared>>
      tpu.enqueue_dma source(%arg10 : memref<2048xi32, #tpu.memory_space<vmem>>) target(%dma_start3A_355 : memref<2048xi32, #tpu.memory_space<vmem_shared>>) target_semaphore(%run_scoped3A : memref<!tpu.dma_semaphore, #tpu.memory_space<semaphore_mem>>)
      %dma_wait3A_356 = tpu.memref_slice %arg20[%mul3A_335] : memref<32768xi32, #tpu.memory_space<vmem_shared>> -> memref<2048xi32, #tpu.memory_space<vmem_shared>>
      %dma_wait3A_357 = tpu.memref_slice %arg20[%mul3A_335] : memref<32768xi32, #tpu.memory_space<vmem_shared>> -> memref<2048xi32, #tpu.memory_space<vmem_shared>>
      tpu.wait_dma2 semaphore(%run_scoped3A : memref<!tpu.dma_semaphore, #tpu.memory_space<semaphore_mem>>) src(%arg10 : memref<2048xi32, #tpu.memory_space<vmem>>) dst(%dma_wait3A_357 : memref<2048xi32, #tpu.memory_space<vmem_shared>>)
      tpu.yield
    }) : () -> ()
    "tpu.region"() ({
      %run_scoped3A = tpu.sem_alloc : memref<!tpu.dma_semaphore, #tpu.memory_space<semaphore_mem>>
      %dma_start3A_354 = tpu.memref_slice %arg21[%mul3A_335] : memref<32768xi32, #tpu.memory_space<vmem_shared>> -> memref<2048xi32, #tpu.memory_space<vmem_shared>>
      %dma_start3A_355 = tpu.memref_slice %arg21[%mul3A_335] : memref<32768xi32, #tpu.memory_space<vmem_shared>> -> memref<2048xi32, #tpu.memory_space<vmem_shared>>
      tpu.enqueue_dma source(%arg11 : memref<2048xi32, #tpu.memory_space<vmem>>) target(%dma_start3A_355 : memref<2048xi32, #tpu.memory_space<vmem_shared>>) target_semaphore(%run_scoped3A : memref<!tpu.dma_semaphore, #tpu.memory_space<semaphore_mem>>)
      %dma_wait3A_356 = tpu.memref_slice %arg21[%mul3A_335] : memref<32768xi32, #tpu.memory_space<vmem_shared>> -> memref<2048xi32, #tpu.memory_space<vmem_shared>>
      %dma_wait3A_357 = tpu.memref_slice %arg21[%mul3A_335] : memref<32768xi32, #tpu.memory_space<vmem_shared>> -> memref<2048xi32, #tpu.memory_space<vmem_shared>>
      tpu.wait_dma2 semaphore(%run_scoped3A : memref<!tpu.dma_semaphore, #tpu.memory_space<semaphore_mem>>) src(%arg11 : memref<2048xi32, #tpu.memory_space<vmem>>) dst(%dma_wait3A_357 : memref<2048xi32, #tpu.memory_space<vmem_shared>>)
      tpu.yield
    }) : () -> ()
    %barrier3A = arith.constant 0 : index
    tpu.barrier barrier_id(%barrier3A)
    "tpu.region"() ({
      %run_scoped3A = tpu.sem_alloc : memref<!tpu.dma_semaphore, #tpu.memory_space<semaphore_mem>>
      tpu.enqueue_dma source(%arg20 : memref<32768xi32, #tpu.memory_space<vmem_shared>>) target(%arg12 : memref<32768xi32, #tpu.memory_space<vmem>>) target_semaphore(%run_scoped3A : memref<!tpu.dma_semaphore, #tpu.memory_space<semaphore_mem>>)
      tpu.wait_dma2 semaphore(%run_scoped3A : memref<!tpu.dma_semaphore, #tpu.memory_space<semaphore_mem>>) src(%arg20 : memref<32768xi32, #tpu.memory_space<vmem_shared>>) dst(%arg12 : memref<32768xi32, #tpu.memory_space<vmem>>)
      tpu.yield
    }) : () -> ()
    "tpu.region"() ({
      %run_scoped3A = tpu.sem_alloc : memref<!tpu.dma_semaphore, #tpu.memory_space<semaphore_mem>>
      tpu.enqueue_dma source(%arg21 : memref<32768xi32, #tpu.memory_space<vmem_shared>>) target(%arg13 : memref<32768xi32, #tpu.memory_space<vmem>>) target_semaphore(%run_scoped3A : memref<!tpu.dma_semaphore, #tpu.memory_space<semaphore_mem>>)
      tpu.wait_dma2 semaphore(%run_scoped3A : memref<!tpu.dma_semaphore, #tpu.memory_space<semaphore_mem>>) src(%arg21 : memref<32768xi32, #tpu.memory_space<vmem_shared>>) dst(%arg13 : memref<32768xi32, #tpu.memory_space<vmem>>)
      tpu.yield
    }) : () -> ()
    %scan3A_336 = arith.constant 0 : i32
    %scan3A_337 = arith.constant 0 : i32
    %scan3A_338 = arith.constant 8 : i32
    %scan3A_339 = arith.addi %scan3A_337, %scan3A_338 : i32
    %scan3A_340 = arith.constant 1 : i32
    %scan3A_341 = scf.for %scan3A_354 = %scan3A_337 to %scan3A_339 step %scan3A_340 iter_args(%scan3A_355 = %scan3A_336) -> (i32)  : i32 {
      %mul3A_356 = arith.constant 16 : i32
      %mul3A_357 = arith.muli %scan3A_354, %mul3A_356 : i32
      %add3A_358 = arith.addi %mul3A_2, %mul3A_357 : i32
      %get3A_359 = arith.index_cast %add3A_358 : i32 to index
      %get3A_360 = tpu.vector_load %arg9[%get3A_359] {strides = array<i32>} : memref<4096xi32, #tpu.memory_space<vmem>>, vector<16xi32>,
      %add3A_361 = arith.constant 1 : i32
      %add3A_362 = vector.broadcast %add3A_361 : i32 to vector<16xi32>
      %add3A_363 = arith.addi %get3A_360, %add3A_362 : vector<16xi32>
      %gather3A = tpu.vector_load_idx %arg13[%add3A_363] : memref<32768xi32, #tpu.memory_space<vmem>>[vector<16xi32>], vector<16xi32>,
      %convert_element_type3A = arith.sitofp %gather3A : vector<16xi32> to vector<16xf32>
      %mul3A_364 = arith.constant 16 : i32
      %mul3A_365 = arith.muli %scan3A_354, %mul3A_364 : i32
      %swap3A_366 = arith.index_cast %mul3A_365 : i32 to index
      %swap3A_367 = tpu.vector_load %arg19[%swap3A_366] {strides = array<i32>} : memref<128xf32, #tpu.memory_space<vmem>>, vector<16xf32>,
      tpu.vector_store %arg19[%swap3A_366], %convert_element_type3A {strides = array<i32>} : memref<128xf32, #tpu.memory_space<vmem>>, vector<16xf32>,
      %scan3A_368 = arith.constant 0 : i32
      scf.yield %scan3A_368 : i32
    }
    %scan3A_342 = arith.constant 8 : i32
    "tpu.region"() ({
      %run_scoped3A = tpu.sem_alloc : memref<!tpu.dma_semaphore, #tpu.memory_space<semaphore_mem>>
      %dma_start3A_354 = tpu.memref_slice %arg7[%mul3A_2] : memref<4096xf32, #tpu.memory_space<hbm>> -> memref<128xf32, #tpu.memory_space<hbm>>
      %dma_start3A_355 = tpu.memref_slice %arg7[%mul3A_2] : memref<4096xf32, #tpu.memory_space<hbm>> -> memref<128xf32, #tpu.memory_space<hbm>>
      tpu.enqueue_dma source(%arg19 : memref<128xf32, #tpu.memory_space<vmem>>) target(%dma_start3A_355 : memref<128xf32, #tpu.memory_space<hbm>>) target_semaphore(%run_scoped3A : memref<!tpu.dma_semaphore, #tpu.memory_space<semaphore_mem>>)
      %dma_wait3A_356 = tpu.memref_slice %arg7[%mul3A_2] : memref<4096xf32, #tpu.memory_space<hbm>> -> memref<128xf32, #tpu.memory_space<hbm>>
      %dma_wait3A_357 = tpu.memref_slice %arg7[%mul3A_2] : memref<4096xf32, #tpu.memory_space<hbm>> -> memref<128xf32, #tpu.memory_space<hbm>>
      tpu.wait_dma2 semaphore(%run_scoped3A : memref<!tpu.dma_semaphore, #tpu.memory_space<semaphore_mem>>) src(%arg19 : memref<128xf32, #tpu.memory_space<vmem>>) dst(%dma_wait3A_357 : memref<128xf32, #tpu.memory_space<hbm>>)
      tpu.yield
    }) : () -> ()
    %mul3A_343 = arith.constant 896 : i32
    %mul3A_344 = arith.muli %add3A, %mul3A_343 : i32
    "tpu.region"() ({
      %run_scoped3A = tpu.sem_alloc : memref<!tpu.dma_semaphore, #tpu.memory_space<semaphore_mem>>
      %dma_start3A_354 = tpu.memref_slice %arg4[%mul3A_344] : memref<28672xi32, #tpu.memory_space<hbm>> -> memref<896xi32, #tpu.memory_space<hbm>>
      %dma_start3A_355 = tpu.memref_slice %arg4[%mul3A_344] : memref<28672xi32, #tpu.memory_space<hbm>> -> memref<896xi32, #tpu.memory_space<hbm>>
      tpu.enqueue_dma source(%dma_start3A_355 : memref<896xi32, #tpu.memory_space<hbm>>) target(%arg18 : memref<896xi32, #tpu.memory_space<vmem>>) target_semaphore(%run_scoped3A : memref<!tpu.dma_semaphore, #tpu.memory_space<semaphore_mem>>)
      %dma_wait3A_356 = tpu.memref_slice %arg4[%mul3A_344] : memref<28672xi32, #tpu.memory_space<hbm>> -> memref<896xi32, #tpu.memory_space<hbm>>
      %dma_wait3A_357 = tpu.memref_slice %arg4[%mul3A_344] : memref<28672xi32, #tpu.memory_space<hbm>> -> memref<896xi32, #tpu.memory_space<hbm>>
      tpu.wait_dma2 semaphore(%run_scoped3A : memref<!tpu.dma_semaphore, #tpu.memory_space<semaphore_mem>>) src(%dma_wait3A_357 : memref<896xi32, #tpu.memory_space<hbm>>) dst(%arg18 : memref<896xi32, #tpu.memory_space<vmem>>)
      tpu.yield
    }) : () -> ()
    %scan3A_345 = arith.constant 0 : i32
    %scan3A_346 = arith.constant 0 : i32
    %scan3A_347 = arith.constant 56 : i32
    %scan3A_348 = arith.addi %scan3A_346, %scan3A_347 : i32
    %scan3A_349 = arith.constant 1 : i32
    %scan3A_350 = scf.for %scan3A_354 = %scan3A_346 to %scan3A_348 step %scan3A_349 iter_args(%scan3A_355 = %scan3A_345) -> (i32)  : i32 {
      %mul3A_356 = arith.constant 16 : i32
      %mul3A_357 = arith.muli %scan3A_354, %mul3A_356 : i32
      %get3A_358 = arith.index_cast %mul3A_357 : i32 to index
      %get3A_359 = tpu.vector_load %arg18[%get3A_358] {strides = array<i32>} : memref<896xi32, #tpu.memory_space<vmem>>, vector<16xi32>,
      %gather3A = tpu.vector_load_idx %arg12[%get3A_359] : memref<32768xi32, #tpu.memory_space<vmem>>[vector<16xi32>], vector<16xi32>,
      %mul3A_360 = arith.constant 16 : i32
      %mul3A_361 = arith.muli %scan3A_354, %mul3A_360 : i32
      %swap3A_362 = arith.index_cast %mul3A_361 : i32 to index
      %swap3A_363 = tpu.vector_load %arg18[%swap3A_362] {strides = array<i32>} : memref<896xi32, #tpu.memory_space<vmem>>, vector<16xi32>,
      tpu.vector_store %arg18[%swap3A_362], %gather3A {strides = array<i32>} : memref<896xi32, #tpu.memory_space<vmem>>, vector<16xi32>,
      %scan3A_364 = arith.constant 0 : i32
      scf.yield %scan3A_364 : i32
    }
    %scan3A_351 = arith.constant 56 : i32
    %mul3A_352 = arith.constant 896 : i32
    %mul3A_353 = arith.muli %add3A, %mul3A_352 : i32
    "tpu.region"() ({
      %run_scoped3A = tpu.sem_alloc : memref<!tpu.dma_semaphore, #tpu.memory_space<semaphore_mem>>
      %dma_start3A_354 = tpu.memref_slice %arg8[%mul3A_353] : memref<28672xi32, #tpu.memory_space<hbm>> -> memref<896xi32, #tpu.memory_space<hbm>>
      %dma_start3A_355 = tpu.memref_slice %arg8[%mul3A_353] : memref<28672xi32, #tpu.memory_space<hbm>> -> memref<896xi32, #tpu.memory_space<hbm>>
      tpu.enqueue_dma source(%arg18 : memref<896xi32, #tpu.memory_space<vmem>>) target(%dma_start3A_355 : memref<896xi32, #tpu.memory_space<hbm>>) target_semaphore(%run_scoped3A : memref<!tpu.dma_semaphore, #tpu.memory_space<semaphore_mem>>)
      %dma_wait3A_356 = tpu.memref_slice %arg8[%mul3A_353] : memref<28672xi32, #tpu.memory_space<hbm>> -> memref<896xi32, #tpu.memory_space<hbm>>
      %dma_wait3A_357 = tpu.memref_slice %arg8[%mul3A_353] : memref<28672xi32, #tpu.memory_space<hbm>> -> memref<896xi32, #tpu.memory_space<hbm>>
      tpu.wait_dma2 semaphore(%run_scoped3A : memref<!tpu.dma_semaphore, #tpu.memory_space<semaphore_mem>>) src(%arg18 : memref<896xi32, #tpu.memory_space<vmem>>) dst(%dma_wait3A_357 : memref<896xi32, #tpu.memory_space<hbm>>)
      tpu.yield
    }) : () -> ()
    return
  }
}

#map = affine_map<(d0, d1) -> (0, 0)>
#map1 = affine_map<(d0, d1) -> (0)>
module attributes {stable_mosaic.version = 14 : i64} {
  func.func @_bulk_body(%arg0: i32, %arg1: i32, %arg2: memref<32768x768xf32, #tpu.memory_space<hbm>>, %arg3: memref<28672xi32, #tpu.memory_space<hbm>>, %arg4: memref<28672x768xf32, #tpu.memory_space<hbm>>, %arg5: memref<32x768xf32, #tpu.memory_space<vmem>>, %arg6: memref<32x768xf32, #tpu.memory_space<vmem>>, %arg7: memref<32x768xf32, #tpu.memory_space<vmem>>, %arg8: memref<32x768xf32, #tpu.memory_space<vmem>>, %arg9: memref<896xi32, #tpu.memory_space<vmem>>, %arg10: memref<32xi32, #tpu.memory_space<vmem>>, %arg11: memref<32xi32, #tpu.memory_space<vmem>>, %arg12: memref<32xi32, #tpu.memory_space<vmem>>, %arg13: memref<32xi32, #tpu.memory_space<vmem>>, %arg14: memref<!tpu.dma_semaphore, #tpu.memory_space<semaphore_mem>>, %arg15: memref<!tpu.dma_semaphore, #tpu.memory_space<semaphore_mem>>, %arg16: memref<!tpu.dma_semaphore, #tpu.memory_space<semaphore_mem>>, %arg17: memref<!tpu.dma_semaphore, #tpu.memory_space<semaphore_mem>>, %arg18: memref<!tpu.dma_semaphore, #tpu.memory_space<semaphore_mem>>, %arg19: memref<!tpu.dma_semaphore, #tpu.memory_space<semaphore_mem>>, %arg20: memref<!tpu.dma_semaphore, #tpu.memory_space<semaphore_mem>>, %arg21: memref<!tpu.dma_semaphore, #tpu.memory_space<semaphore_mem>>) attributes {dimension_semantics = [#tpu.dimension_semantics<core_parallel>, #tpu.dimension_semantics<subcore_parallel>], iteration_bounds = array<i64: 2, 16>, scalar_prefetch = 0 : i64, scratch_operands = 17 : i64, tpu.core_type = #tpu.core_type<sc_vector_subcore>, window_params = [{transform_indices = #map}, {transform_indices = #map1}, {transform_indices = #map}]} {
    %mul3A = arith.constant 2 : i32
    %mul3A_0 = arith.muli %arg1, %mul3A : i32
    %add3A = arith.addi %mul3A_0, %arg0 : i32
    %mul3A_1 = arith.constant 896 : i32
    %mul3A_2 = arith.muli %add3A, %mul3A_1 : i32
    "tpu.region"() ({
      %run_scoped3A = tpu.sem_alloc : memref<!tpu.dma_semaphore, #tpu.memory_space<semaphore_mem>>
      %dma_start3A_60 = tpu.memref_slice %arg3[%mul3A_2] : memref<28672xi32, #tpu.memory_space<hbm>> -> memref<896xi32, #tpu.memory_space<hbm>>
      %dma_start3A_61 = tpu.memref_slice %arg3[%mul3A_2] : memref<28672xi32, #tpu.memory_space<hbm>> -> memref<896xi32, #tpu.memory_space<hbm>>
      tpu.enqueue_dma source(%dma_start3A_61 : memref<896xi32, #tpu.memory_space<hbm>>) target(%arg9 : memref<896xi32, #tpu.memory_space<vmem>>) target_semaphore(%run_scoped3A : memref<!tpu.dma_semaphore, #tpu.memory_space<semaphore_mem>>)
      %dma_wait3A_62 = tpu.memref_slice %arg3[%mul3A_2] : memref<28672xi32, #tpu.memory_space<hbm>> -> memref<896xi32, #tpu.memory_space<hbm>>
      %dma_wait3A_63 = tpu.memref_slice %arg3[%mul3A_2] : memref<28672xi32, #tpu.memory_space<hbm>> -> memref<896xi32, #tpu.memory_space<hbm>>
      tpu.wait_dma2 semaphore(%run_scoped3A : memref<!tpu.dma_semaphore, #tpu.memory_space<semaphore_mem>>) src(%dma_wait3A_63 : memref<896xi32, #tpu.memory_space<hbm>>) dst(%arg9 : memref<896xi32, #tpu.memory_space<vmem>>)
      tpu.yield
    }) : () -> ()
    %scan3A = arith.constant 0 : i32
    %scan3A_3 = arith.constant 0 : i32
    %scan3A_4 = arith.constant 2 : i32
    %scan3A_5 = arith.addi %scan3A_3, %scan3A_4 : i32
    %scan3A_6 = arith.constant 1 : i32
    %scan3A_7 = scf.for %scan3A_60 = %scan3A_3 to %scan3A_5 step %scan3A_6 iter_args(%scan3A_61 = %scan3A) -> (i32)  : i32 {
      %mul3A_62 = arith.constant 16 : i32
      %mul3A_63 = arith.muli %scan3A_60, %mul3A_62 : i32
      %add3A_64 = arith.constant 0 : i32
      %add3A_65 = arith.addi %add3A_64, %mul3A_63 : i32
      %get3A = arith.index_cast %add3A_65 : i32 to index
      %get3A_66 = tpu.vector_load %arg9[%get3A] {strides = array<i32>} : memref<896xi32, #tpu.memory_space<vmem>>, vector<16xi32>,
      %mul3A_67 = arith.constant 16 : i32
      %mul3A_68 = arith.muli %scan3A_60, %mul3A_67 : i32
      %swap3A = arith.index_cast %mul3A_68 : i32 to index
      %swap3A_69 = tpu.vector_load %arg10[%swap3A] {strides = array<i32>} : memref<32xi32, #tpu.memory_space<vmem>>, vector<16xi32>,
      tpu.vector_store %arg10[%swap3A], %get3A_66 {strides = array<i32>} : memref<32xi32, #tpu.memory_space<vmem>>, vector<16xi32>,
      %scan3A_70 = arith.constant 0 : i32
      scf.yield %scan3A_70 : i32
    }
    %scan3A_8 = arith.constant 2 : i32
    %dma_start3A = arith.constant 0 : i32
    %dma_start3A_9 = arith.constant 0 : i32
    %dma_start3A_10 = tpu.memref_slice %arg2[%dma_start3A, %dma_start3A_9] : memref<32768x768xf32, #tpu.memory_space<hbm>> -> memref<32768x768xf32, #tpu.memory_space<hbm>>
    tpu.enqueue_indirect_dma source(%dma_start3A_10 : memref<32768x768xf32, #tpu.memory_space<hbm>>) target(%arg5 : memref<32x768xf32, #tpu.memory_space<vmem>>) offsets(%arg10 : memref<32xi32, #tpu.memory_space<vmem>>) semaphore(%arg14 : memref<!tpu.dma_semaphore, #tpu.memory_space<semaphore_mem>>)
    %scan3A_11 = arith.constant 0 : i32
    %scan3A_12 = arith.constant 0 : i32
    %scan3A_13 = arith.constant 2 : i32
    %scan3A_14 = arith.addi %scan3A_12, %scan3A_13 : i32
    %scan3A_15 = arith.constant 1 : i32
    %scan3A_16 = scf.for %scan3A_60 = %scan3A_12 to %scan3A_14 step %scan3A_15 iter_args(%scan3A_61 = %scan3A_11) -> (i32)  : i32 {
      %mul3A_62 = arith.constant 16 : i32
      %mul3A_63 = arith.muli %scan3A_60, %mul3A_62 : i32
      %add3A_64 = arith.constant 32 : i32
      %add3A_65 = arith.addi %add3A_64, %mul3A_63 : i32
      %get3A = arith.index_cast %add3A_65 : i32 to index
      %get3A_66 = tpu.vector_load %arg9[%get3A] {strides = array<i32>} : memref<896xi32, #tpu.memory_space<vmem>>, vector<16xi32>,
      %mul3A_67 = arith.constant 16 : i32
      %mul3A_68 = arith.muli %scan3A_60, %mul3A_67 : i32
      %swap3A = arith.index_cast %mul3A_68 : i32 to index
      %swap3A_69 = tpu.vector_load %arg11[%swap3A] {strides = array<i32>} : memref<32xi32, #tpu.memory_space<vmem>>, vector<16xi32>,
      tpu.vector_store %arg11[%swap3A], %get3A_66 {strides = array<i32>} : memref<32xi32, #tpu.memory_space<vmem>>, vector<16xi32>,
      %scan3A_70 = arith.constant 0 : i32
      scf.yield %scan3A_70 : i32
    }
    %scan3A_17 = arith.constant 2 : i32
    %dma_start3A_18 = arith.constant 0 : i32
    %dma_start3A_19 = arith.constant 0 : i32
    %dma_start3A_20 = tpu.memref_slice %arg2[%dma_start3A_18, %dma_start3A_19] : memref<32768x768xf32, #tpu.memory_space<hbm>> -> memref<32768x768xf32, #tpu.memory_space<hbm>>
    tpu.enqueue_indirect_dma source(%dma_start3A_20 : memref<32768x768xf32, #tpu.memory_space<hbm>>) target(%arg6 : memref<32x768xf32, #tpu.memory_space<vmem>>) offsets(%arg11 : memref<32xi32, #tpu.memory_space<vmem>>) semaphore(%arg15 : memref<!tpu.dma_semaphore, #tpu.memory_space<semaphore_mem>>)
    %scan3A_21 = arith.constant 0 : i32
    %scan3A_22 = arith.constant 0 : i32
    %scan3A_23 = arith.constant 2 : i32
    %scan3A_24 = arith.addi %scan3A_22, %scan3A_23 : i32
    %scan3A_25 = arith.constant 1 : i32
    %scan3A_26 = scf.for %scan3A_60 = %scan3A_22 to %scan3A_24 step %scan3A_25 iter_args(%scan3A_61 = %scan3A_21) -> (i32)  : i32 {
      %mul3A_62 = arith.constant 16 : i32
      %mul3A_63 = arith.muli %scan3A_60, %mul3A_62 : i32
      %add3A_64 = arith.constant 64 : i32
      %add3A_65 = arith.addi %add3A_64, %mul3A_63 : i32
      %get3A = arith.index_cast %add3A_65 : i32 to index
      %get3A_66 = tpu.vector_load %arg9[%get3A] {strides = array<i32>} : memref<896xi32, #tpu.memory_space<vmem>>, vector<16xi32>,
      %mul3A_67 = arith.constant 16 : i32
      %mul3A_68 = arith.muli %scan3A_60, %mul3A_67 : i32
      %swap3A = arith.index_cast %mul3A_68 : i32 to index
      %swap3A_69 = tpu.vector_load %arg12[%swap3A] {strides = array<i32>} : memref<32xi32, #tpu.memory_space<vmem>>, vector<16xi32>,
      tpu.vector_store %arg12[%swap3A], %get3A_66 {strides = array<i32>} : memref<32xi32, #tpu.memory_space<vmem>>, vector<16xi32>,
      %scan3A_70 = arith.constant 0 : i32
      scf.yield %scan3A_70 : i32
    }
    %scan3A_27 = arith.constant 2 : i32
    %dma_start3A_28 = arith.constant 0 : i32
    %dma_start3A_29 = arith.constant 0 : i32
    %dma_start3A_30 = tpu.memref_slice %arg2[%dma_start3A_28, %dma_start3A_29] : memref<32768x768xf32, #tpu.memory_space<hbm>> -> memref<32768x768xf32, #tpu.memory_space<hbm>>
    tpu.enqueue_indirect_dma source(%dma_start3A_30 : memref<32768x768xf32, #tpu.memory_space<hbm>>) target(%arg7 : memref<32x768xf32, #tpu.memory_space<vmem>>) offsets(%arg12 : memref<32xi32, #tpu.memory_space<vmem>>) semaphore(%arg16 : memref<!tpu.dma_semaphore, #tpu.memory_space<semaphore_mem>>)
    %scan3A_31 = arith.constant 0 : i32
    %scan3A_32 = arith.constant 0 : i32
    %scan3A_33 = arith.constant 7 : i32
    %scan3A_34 = arith.addi %scan3A_32, %scan3A_33 : i32
    %scan3A_35 = arith.constant 1 : i32
    scf.for %scan3A_60 = %scan3A_32 to %scan3A_34 step %scan3A_35  : i32 {
      %mul3A_61 = arith.constant 4 : i32
      %mul3A_62 = arith.muli %mul3A_61, %scan3A_60 : i32
      %add3A_63 = arith.constant 0 : i32
      %add3A_64 = arith.addi %mul3A_62, %add3A_63 : i32
      %mul3A_65 = arith.constant 32 : i32
      %mul3A_66 = arith.muli %add3A_64, %mul3A_65 : i32
      %add3A_67 = arith.addi %mul3A_2, %mul3A_66 : i32
      %add3A_68 = arith.constant 3 : i32
      %add3A_69 = arith.addi %add3A_64, %add3A_68 : i32
      %scan3A_70 = arith.constant 0 : i32
      %scan3A_71 = arith.constant 0 : i32
      %scan3A_72 = arith.constant 2 : i32
      %scan3A_73 = arith.addi %scan3A_71, %scan3A_72 : i32
      %scan3A_74 = arith.constant 1 : i32
      %scan3A_75 = scf.for %scan3A_145 = %scan3A_71 to %scan3A_73 step %scan3A_74 iter_args(%scan3A_146 = %scan3A_70) -> (i32)  : i32 {
        %mul3A_147 = arith.constant 32 : i32
        %mul3A_148 = arith.muli %add3A_69, %mul3A_147 : i32
        %mul3A_149 = arith.constant 16 : i32
        %mul3A_150 = arith.muli %scan3A_145, %mul3A_149 : i32
        %add3A_151 = arith.addi %mul3A_148, %mul3A_150 : i32
        %get3A = arith.index_cast %add3A_151 : i32 to index
        %get3A_152 = tpu.vector_load %arg9[%get3A] {strides = array<i32>} : memref<896xi32, #tpu.memory_space<vmem>>, vector<16xi32>,
        %mul3A_153 = arith.constant 16 : i32
        %mul3A_154 = arith.muli %scan3A_145, %mul3A_153 : i32
        %swap3A = arith.index_cast %mul3A_154 : i32 to index
        %swap3A_155 = tpu.vector_load %arg13[%swap3A] {strides = array<i32>} : memref<32xi32, #tpu.memory_space<vmem>>, vector<16xi32>,
        tpu.vector_store %arg13[%swap3A], %get3A_152 {strides = array<i32>} : memref<32xi32, #tpu.memory_space<vmem>>, vector<16xi32>,
        %scan3A_156 = arith.constant 0 : i32
        scf.yield %scan3A_156 : i32
      }
      %scan3A_76 = arith.constant 2 : i32
      %gt3A = arith.constant 0 : i32
      %gt3A_77 = arith.cmpi sgt, %scan3A_60, %gt3A : i32
      %convert_element_type3A = arith.extui %gt3A_77 : i1 to i32
      %cond3A = arith.constant 0 : i32
      %cond3A_78 = arith.cmpi ne, %convert_element_type3A, %cond3A : i32
      scf.if %cond3A_78 {
        %dma_wait3A_145 = arith.constant 0 : i32
        %dma_wait3A_146 = arith.constant 0 : i32
        %dma_wait3A_147 = tpu.memref_slice %arg4[%dma_wait3A_145, %dma_wait3A_146] : memref<28672x768xf32, #tpu.memory_space<hbm>> -> memref<32x768xf32, #tpu.memory_space<hbm>>
        %dma_wait3A_148 = arith.constant 0 : i32
        %dma_wait3A_149 = arith.constant 0 : i32
        %dma_wait3A_150 = tpu.memref_slice %arg4[%dma_wait3A_148, %dma_wait3A_149] : memref<28672x768xf32, #tpu.memory_space<hbm>> -> memref<32x768xf32, #tpu.memory_space<hbm>>
        tpu.wait_dma2 semaphore(%arg21 : memref<!tpu.dma_semaphore, #tpu.memory_space<semaphore_mem>>) src(%arg8 : memref<32x768xf32, #tpu.memory_space<vmem>>) dst(%dma_wait3A_150 : memref<32x768xf32, #tpu.memory_space<hbm>>)
      } else {
      }
      %dma_start3A_79 = arith.constant 0 : i32
      %dma_start3A_80 = arith.constant 0 : i32
      %dma_start3A_81 = tpu.memref_slice %arg2[%dma_start3A_79, %dma_start3A_80] : memref<32768x768xf32, #tpu.memory_space<hbm>> -> memref<32768x768xf32, #tpu.memory_space<hbm>>
      tpu.enqueue_indirect_dma source(%dma_start3A_81 : memref<32768x768xf32, #tpu.memory_space<hbm>>) target(%arg8 : memref<32x768xf32, #tpu.memory_space<vmem>>) offsets(%arg13 : memref<32xi32, #tpu.memory_space<vmem>>) semaphore(%arg17 : memref<!tpu.dma_semaphore, #tpu.memory_space<semaphore_mem>>)
      %dma_wait3A_82 = arith.constant 0 : i32
      %dma_wait3A_83 = arith.constant 0 : i32
      %dma_wait3A_84 = tpu.memref_slice %arg2[%dma_wait3A_82, %dma_wait3A_83] : memref<32768x768xf32, #tpu.memory_space<hbm>> -> memref<32768x768xf32, #tpu.memory_space<hbm>>
      tpu.wait_indirect_dma semaphore(%arg14 : memref<!tpu.dma_semaphore, #tpu.memory_space<semaphore_mem>>) src(%dma_wait3A_84 : memref<32768x768xf32, #tpu.memory_space<hbm>>) dst(%arg5 : memref<32x768xf32, #tpu.memory_space<vmem>>)
      %dma_start3A_85 = arith.constant 0 : i32
      %dma_start3A_86 = tpu.memref_slice %arg4[%add3A_67, %dma_start3A_85] : memref<28672x768xf32, #tpu.memory_space<hbm>> -> memref<32x768xf32, #tpu.memory_space<hbm>>
      %dma_start3A_87 = arith.constant 0 : i32
      %dma_start3A_88 = tpu.memref_slice %arg4[%add3A_67, %dma_start3A_87] : memref<28672x768xf32, #tpu.memory_space<hbm>> -> memref<32x768xf32, #tpu.memory_space<hbm>>
      tpu.enqueue_dma source(%arg5 : memref<32x768xf32, #tpu.memory_space<vmem>>) target(%dma_start3A_88 : memref<32x768xf32, #tpu.memory_space<hbm>>) target_semaphore(%arg18 : memref<!tpu.dma_semaphore, #tpu.memory_space<semaphore_mem>>)
      %mul3A_89 = arith.constant 4 : i32
      %mul3A_90 = arith.muli %mul3A_89, %scan3A_60 : i32
      %add3A_91 = arith.constant 1 : i32
      %add3A_92 = arith.addi %mul3A_90, %add3A_91 : i32
      %mul3A_93 = arith.constant 32 : i32
      %mul3A_94 = arith.muli %add3A_92, %mul3A_93 : i32
      %add3A_95 = arith.addi %mul3A_2, %mul3A_94 : i32
      %lt3A = arith.constant 6 : i32
      %lt3A_96 = arith.cmpi slt, %scan3A_60, %lt3A : i32
      %convert_element_type3A_97 = arith.extui %lt3A_96 : i1 to i32
      %cond3A_98 = arith.constant 0 : i32
      %cond3A_99 = arith.cmpi ne, %convert_element_type3A_97, %cond3A_98 : i32
      scf.if %cond3A_99 {
        %add3A_145 = arith.constant 3 : i32
        %add3A_146 = arith.addi %add3A_92, %add3A_145 : i32
        %scan3A_147 = arith.constant 0 : i32
        %scan3A_148 = arith.constant 0 : i32
        %scan3A_149 = arith.constant 2 : i32
        %scan3A_150 = arith.addi %scan3A_148, %scan3A_149 : i32
        %scan3A_151 = arith.constant 1 : i32
        %scan3A_152 = scf.for %scan3A_163 = %scan3A_148 to %scan3A_150 step %scan3A_151 iter_args(%scan3A_164 = %scan3A_147) -> (i32)  : i32 {
          %mul3A_165 = arith.constant 32 : i32
          %mul3A_166 = arith.muli %add3A_146, %mul3A_165 : i32
          %mul3A_167 = arith.constant 16 : i32
          %mul3A_168 = arith.muli %scan3A_163, %mul3A_167 : i32
          %add3A_169 = arith.addi %mul3A_166, %mul3A_168 : i32
          %get3A = arith.index_cast %add3A_169 : i32 to index
          %get3A_170 = tpu.vector_load %arg9[%get3A] {strides = array<i32>} : memref<896xi32, #tpu.memory_space<vmem>>, vector<16xi32>,
          %mul3A_171 = arith.constant 16 : i32
          %mul3A_172 = arith.muli %scan3A_163, %mul3A_171 : i32
          %swap3A = arith.index_cast %mul3A_172 : i32 to index
          %swap3A_173 = tpu.vector_load %arg10[%swap3A] {strides = array<i32>} : memref<32xi32, #tpu.memory_space<vmem>>, vector<16xi32>,
          tpu.vector_store %arg10[%swap3A], %get3A_170 {strides = array<i32>} : memref<32xi32, #tpu.memory_space<vmem>>, vector<16xi32>,
          %scan3A_174 = arith.constant 0 : i32
          scf.yield %scan3A_174 : i32
        }
        %scan3A_153 = arith.constant 2 : i32
        %dma_wait3A_154 = arith.constant 0 : i32
        %dma_wait3A_155 = arith.constant 0 : i32
        %dma_wait3A_156 = tpu.memref_slice %arg4[%dma_wait3A_154, %dma_wait3A_155] : memref<28672x768xf32, #tpu.memory_space<hbm>> -> memref<32x768xf32, #tpu.memory_space<hbm>>
        %dma_wait3A_157 = arith.constant 0 : i32
        %dma_wait3A_158 = arith.constant 0 : i32
        %dma_wait3A_159 = tpu.memref_slice %arg4[%dma_wait3A_157, %dma_wait3A_158] : memref<28672x768xf32, #tpu.memory_space<hbm>> -> memref<32x768xf32, #tpu.memory_space<hbm>>
        tpu.wait_dma2 semaphore(%arg18 : memref<!tpu.dma_semaphore, #tpu.memory_space<semaphore_mem>>) src(%arg5 : memref<32x768xf32, #tpu.memory_space<vmem>>) dst(%dma_wait3A_159 : memref<32x768xf32, #tpu.memory_space<hbm>>)
        %dma_start3A_160 = arith.constant 0 : i32
        %dma_start3A_161 = arith.constant 0 : i32
        %dma_start3A_162 = tpu.memref_slice %arg2[%dma_start3A_160, %dma_start3A_161] : memref<32768x768xf32, #tpu.memory_space<hbm>> -> memref<32768x768xf32, #tpu.memory_space<hbm>>
        tpu.enqueue_indirect_dma source(%dma_start3A_162 : memref<32768x768xf32, #tpu.memory_space<hbm>>) target(%arg5 : memref<32x768xf32, #tpu.memory_space<vmem>>) offsets(%arg10 : memref<32xi32, #tpu.memory_space<vmem>>) semaphore(%arg14 : memref<!tpu.dma_semaphore, #tpu.memory_space<semaphore_mem>>)
      } else {
      }
      %dma_wait3A_100 = arith.constant 0 : i32
      %dma_wait3A_101 = arith.constant 0 : i32
      %dma_wait3A_102 = tpu.memref_slice %arg2[%dma_wait3A_100, %dma_wait3A_101] : memref<32768x768xf32, #tpu.memory_space<hbm>> -> memref<32768x768xf32, #tpu.memory_space<hbm>>
      tpu.wait_indirect_dma semaphore(%arg15 : memref<!tpu.dma_semaphore, #tpu.memory_space<semaphore_mem>>) src(%dma_wait3A_102 : memref<32768x768xf32, #tpu.memory_space<hbm>>) dst(%arg6 : memref<32x768xf32, #tpu.memory_space<vmem>>)
      %dma_start3A_103 = arith.constant 0 : i32
      %dma_start3A_104 = tpu.memref_slice %arg4[%add3A_95, %dma_start3A_103] : memref<28672x768xf32, #tpu.memory_space<hbm>> -> memref<32x768xf32, #tpu.memory_space<hbm>>
      %dma_start3A_105 = arith.constant 0 : i32
      %dma_start3A_106 = tpu.memref_slice %arg4[%add3A_95, %dma_start3A_105] : memref<28672x768xf32, #tpu.memory_space<hbm>> -> memref<32x768xf32, #tpu.memory_space<hbm>>
      tpu.enqueue_dma source(%arg6 : memref<32x768xf32, #tpu.memory_space<vmem>>) target(%dma_start3A_106 : memref<32x768xf32, #tpu.memory_space<hbm>>) target_semaphore(%arg19 : memref<!tpu.dma_semaphore, #tpu.memory_space<semaphore_mem>>)
      %mul3A_107 = arith.constant 4 : i32
      %mul3A_108 = arith.muli %mul3A_107, %scan3A_60 : i32
      %add3A_109 = arith.constant 2 : i32
      %add3A_110 = arith.addi %mul3A_108, %add3A_109 : i32
      %mul3A_111 = arith.constant 32 : i32
      %mul3A_112 = arith.muli %add3A_110, %mul3A_111 : i32
      %add3A_113 = arith.addi %mul3A_2, %mul3A_112 : i32
      %lt3A_114 = arith.constant 6 : i32
      %lt3A_115 = arith.cmpi slt, %scan3A_60, %lt3A_114 : i32
      %convert_element_type3A_116 = arith.extui %lt3A_115 : i1 to i32
      %cond3A_117 = arith.constant 0 : i32
      %cond3A_118 = arith.cmpi ne, %convert_element_type3A_116, %cond3A_117 : i32
      scf.if %cond3A_118 {
        %add3A_145 = arith.constant 3 : i32
        %add3A_146 = arith.addi %add3A_110, %add3A_145 : i32
        %scan3A_147 = arith.constant 0 : i32
        %scan3A_148 = arith.constant 0 : i32
        %scan3A_149 = arith.constant 2 : i32
        %scan3A_150 = arith.addi %scan3A_148, %scan3A_149 : i32
        %scan3A_151 = arith.constant 1 : i32
        %scan3A_152 = scf.for %scan3A_163 = %scan3A_148 to %scan3A_150 step %scan3A_151 iter_args(%scan3A_164 = %scan3A_147) -> (i32)  : i32 {
          %mul3A_165 = arith.constant 32 : i32
          %mul3A_166 = arith.muli %add3A_146, %mul3A_165 : i32
          %mul3A_167 = arith.constant 16 : i32
          %mul3A_168 = arith.muli %scan3A_163, %mul3A_167 : i32
          %add3A_169 = arith.addi %mul3A_166, %mul3A_168 : i32
          %get3A = arith.index_cast %add3A_169 : i32 to index
          %get3A_170 = tpu.vector_load %arg9[%get3A] {strides = array<i32>} : memref<896xi32, #tpu.memory_space<vmem>>, vector<16xi32>,
          %mul3A_171 = arith.constant 16 : i32
          %mul3A_172 = arith.muli %scan3A_163, %mul3A_171 : i32
          %swap3A = arith.index_cast %mul3A_172 : i32 to index
          %swap3A_173 = tpu.vector_load %arg11[%swap3A] {strides = array<i32>} : memref<32xi32, #tpu.memory_space<vmem>>, vector<16xi32>,
          tpu.vector_store %arg11[%swap3A], %get3A_170 {strides = array<i32>} : memref<32xi32, #tpu.memory_space<vmem>>, vector<16xi32>,
          %scan3A_174 = arith.constant 0 : i32
          scf.yield %scan3A_174 : i32
        }
        %scan3A_153 = arith.constant 2 : i32
        %dma_wait3A_154 = arith.constant 0 : i32
        %dma_wait3A_155 = arith.constant 0 : i32
        %dma_wait3A_156 = tpu.memref_slice %arg4[%dma_wait3A_154, %dma_wait3A_155] : memref<28672x768xf32, #tpu.memory_space<hbm>> -> memref<32x768xf32, #tpu.memory_space<hbm>>
        %dma_wait3A_157 = arith.constant 0 : i32
        %dma_wait3A_158 = arith.constant 0 : i32
        %dma_wait3A_159 = tpu.memref_slice %arg4[%dma_wait3A_157, %dma_wait3A_158] : memref<28672x768xf32, #tpu.memory_space<hbm>> -> memref<32x768xf32, #tpu.memory_space<hbm>>
        tpu.wait_dma2 semaphore(%arg19 : memref<!tpu.dma_semaphore, #tpu.memory_space<semaphore_mem>>) src(%arg6 : memref<32x768xf32, #tpu.memory_space<vmem>>) dst(%dma_wait3A_159 : memref<32x768xf32, #tpu.memory_space<hbm>>)
        %dma_start3A_160 = arith.constant 0 : i32
        %dma_start3A_161 = arith.constant 0 : i32
        %dma_start3A_162 = tpu.memref_slice %arg2[%dma_start3A_160, %dma_start3A_161] : memref<32768x768xf32, #tpu.memory_space<hbm>> -> memref<32768x768xf32, #tpu.memory_space<hbm>>
        tpu.enqueue_indirect_dma source(%dma_start3A_162 : memref<32768x768xf32, #tpu.memory_space<hbm>>) target(%arg6 : memref<32x768xf32, #tpu.memory_space<vmem>>) offsets(%arg11 : memref<32xi32, #tpu.memory_space<vmem>>) semaphore(%arg15 : memref<!tpu.dma_semaphore, #tpu.memory_space<semaphore_mem>>)
      } else {
      }
      %dma_wait3A_119 = arith.constant 0 : i32
      %dma_wait3A_120 = arith.constant 0 : i32
      %dma_wait3A_121 = tpu.memref_slice %arg2[%dma_wait3A_119, %dma_wait3A_120] : memref<32768x768xf32, #tpu.memory_space<hbm>> -> memref<32768x768xf32, #tpu.memory_space<hbm>>
      tpu.wait_indirect_dma semaphore(%arg16 : memref<!tpu.dma_semaphore, #tpu.memory_space<semaphore_mem>>) src(%dma_wait3A_121 : memref<32768x768xf32, #tpu.memory_space<hbm>>) dst(%arg7 : memref<32x768xf32, #tpu.memory_space<vmem>>)
      %dma_start3A_122 = arith.constant 0 : i32
      %dma_start3A_123 = tpu.memref_slice %arg4[%add3A_113, %dma_start3A_122] : memref<28672x768xf32, #tpu.memory_space<hbm>> -> memref<32x768xf32, #tpu.memory_space<hbm>>
      %dma_start3A_124 = arith.constant 0 : i32
      %dma_start3A_125 = tpu.memref_slice %arg4[%add3A_113, %dma_start3A_124] : memref<28672x768xf32, #tpu.memory_space<hbm>> -> memref<32x768xf32, #tpu.memory_space<hbm>>
      tpu.enqueue_dma source(%arg7 : memref<32x768xf32, #tpu.memory_space<vmem>>) target(%dma_start3A_125 : memref<32x768xf32, #tpu.memory_space<hbm>>) target_semaphore(%arg20 : memref<!tpu.dma_semaphore, #tpu.memory_space<semaphore_mem>>)
      %mul3A_126 = arith.constant 4 : i32
      %mul3A_127 = arith.muli %mul3A_126, %scan3A_60 : i32
      %add3A_128 = arith.constant 3 : i32
      %add3A_129 = arith.addi %mul3A_127, %add3A_128 : i32
      %mul3A_130 = arith.constant 32 : i32
      %mul3A_131 = arith.muli %add3A_129, %mul3A_130 : i32
      %add3A_132 = arith.addi %mul3A_2, %mul3A_131 : i32
      %lt3A_133 = arith.constant 6 : i32
      %lt3A_134 = arith.cmpi slt, %scan3A_60, %lt3A_133 : i32
      %convert_element_type3A_135 = arith.extui %lt3A_134 : i1 to i32
      %cond3A_136 = arith.constant 0 : i32
      %cond3A_137 = arith.cmpi ne, %convert_element_type3A_135, %cond3A_136 : i32
      scf.if %cond3A_137 {
        %add3A_145 = arith.constant 3 : i32
        %add3A_146 = arith.addi %add3A_129, %add3A_145 : i32
        %scan3A_147 = arith.constant 0 : i32
        %scan3A_148 = arith.constant 0 : i32
        %scan3A_149 = arith.constant 2 : i32
        %scan3A_150 = arith.addi %scan3A_148, %scan3A_149 : i32
        %scan3A_151 = arith.constant 1 : i32
        %scan3A_152 = scf.for %scan3A_163 = %scan3A_148 to %scan3A_150 step %scan3A_151 iter_args(%scan3A_164 = %scan3A_147) -> (i32)  : i32 {
          %mul3A_165 = arith.constant 32 : i32
          %mul3A_166 = arith.muli %add3A_146, %mul3A_165 : i32
          %mul3A_167 = arith.constant 16 : i32
          %mul3A_168 = arith.muli %scan3A_163, %mul3A_167 : i32
          %add3A_169 = arith.addi %mul3A_166, %mul3A_168 : i32
          %get3A = arith.index_cast %add3A_169 : i32 to index
          %get3A_170 = tpu.vector_load %arg9[%get3A] {strides = array<i32>} : memref<896xi32, #tpu.memory_space<vmem>>, vector<16xi32>,
          %mul3A_171 = arith.constant 16 : i32
          %mul3A_172 = arith.muli %scan3A_163, %mul3A_171 : i32
          %swap3A = arith.index_cast %mul3A_172 : i32 to index
          %swap3A_173 = tpu.vector_load %arg12[%swap3A] {strides = array<i32>} : memref<32xi32, #tpu.memory_space<vmem>>, vector<16xi32>,
          tpu.vector_store %arg12[%swap3A], %get3A_170 {strides = array<i32>} : memref<32xi32, #tpu.memory_space<vmem>>, vector<16xi32>,
          %scan3A_174 = arith.constant 0 : i32
          scf.yield %scan3A_174 : i32
        }
        %scan3A_153 = arith.constant 2 : i32
        %dma_wait3A_154 = arith.constant 0 : i32
        %dma_wait3A_155 = arith.constant 0 : i32
        %dma_wait3A_156 = tpu.memref_slice %arg4[%dma_wait3A_154, %dma_wait3A_155] : memref<28672x768xf32, #tpu.memory_space<hbm>> -> memref<32x768xf32, #tpu.memory_space<hbm>>
        %dma_wait3A_157 = arith.constant 0 : i32
        %dma_wait3A_158 = arith.constant 0 : i32
        %dma_wait3A_159 = tpu.memref_slice %arg4[%dma_wait3A_157, %dma_wait3A_158] : memref<28672x768xf32, #tpu.memory_space<hbm>> -> memref<32x768xf32, #tpu.memory_space<hbm>>
        tpu.wait_dma2 semaphore(%arg20 : memref<!tpu.dma_semaphore, #tpu.memory_space<semaphore_mem>>) src(%arg7 : memref<32x768xf32, #tpu.memory_space<vmem>>) dst(%dma_wait3A_159 : memref<32x768xf32, #tpu.memory_space<hbm>>)
        %dma_start3A_160 = arith.constant 0 : i32
        %dma_start3A_161 = arith.constant 0 : i32
        %dma_start3A_162 = tpu.memref_slice %arg2[%dma_start3A_160, %dma_start3A_161] : memref<32768x768xf32, #tpu.memory_space<hbm>> -> memref<32768x768xf32, #tpu.memory_space<hbm>>
        tpu.enqueue_indirect_dma source(%dma_start3A_162 : memref<32768x768xf32, #tpu.memory_space<hbm>>) target(%arg7 : memref<32x768xf32, #tpu.memory_space<vmem>>) offsets(%arg12 : memref<32xi32, #tpu.memory_space<vmem>>) semaphore(%arg16 : memref<!tpu.dma_semaphore, #tpu.memory_space<semaphore_mem>>)
      } else {
      }
      %dma_wait3A_138 = arith.constant 0 : i32
      %dma_wait3A_139 = arith.constant 0 : i32
      %dma_wait3A_140 = tpu.memref_slice %arg2[%dma_wait3A_138, %dma_wait3A_139] : memref<32768x768xf32, #tpu.memory_space<hbm>> -> memref<32768x768xf32, #tpu.memory_space<hbm>>
      tpu.wait_indirect_dma semaphore(%arg17 : memref<!tpu.dma_semaphore, #tpu.memory_space<semaphore_mem>>) src(%dma_wait3A_140 : memref<32768x768xf32, #tpu.memory_space<hbm>>) dst(%arg8 : memref<32x768xf32, #tpu.memory_space<vmem>>)
      %dma_start3A_141 = arith.constant 0 : i32
      %dma_start3A_142 = tpu.memref_slice %arg4[%add3A_132, %dma_start3A_141] : memref<28672x768xf32, #tpu.memory_space<hbm>> -> memref<32x768xf32, #tpu.memory_space<hbm>>
      %dma_start3A_143 = arith.constant 0 : i32
      %dma_start3A_144 = tpu.memref_slice %arg4[%add3A_132, %dma_start3A_143] : memref<28672x768xf32, #tpu.memory_space<hbm>> -> memref<32x768xf32, #tpu.memory_space<hbm>>
      tpu.enqueue_dma source(%arg8 : memref<32x768xf32, #tpu.memory_space<vmem>>) target(%dma_start3A_144 : memref<32x768xf32, #tpu.memory_space<hbm>>) target_semaphore(%arg21 : memref<!tpu.dma_semaphore, #tpu.memory_space<semaphore_mem>>)
    }
    %scan3A_36 = arith.constant 7 : i32
    %dma_wait3A = arith.constant 0 : i32
    %dma_wait3A_37 = arith.constant 0 : i32
    %dma_wait3A_38 = tpu.memref_slice %arg4[%dma_wait3A, %dma_wait3A_37] : memref<28672x768xf32, #tpu.memory_space<hbm>> -> memref<32x768xf32, #tpu.memory_space<hbm>>
    %dma_wait3A_39 = arith.constant 0 : i32
    %dma_wait3A_40 = arith.constant 0 : i32
    %dma_wait3A_41 = tpu.memref_slice %arg4[%dma_wait3A_39, %dma_wait3A_40] : memref<28672x768xf32, #tpu.memory_space<hbm>> -> memref<32x768xf32, #tpu.memory_space<hbm>>
    tpu.wait_dma2 semaphore(%arg18 : memref<!tpu.dma_semaphore, #tpu.memory_space<semaphore_mem>>) src(%arg5 : memref<32x768xf32, #tpu.memory_space<vmem>>) dst(%dma_wait3A_41 : memref<32x768xf32, #tpu.memory_space<hbm>>)
    %dma_wait3A_42 = arith.constant 0 : i32
    %dma_wait3A_43 = arith.constant 0 : i32
    %dma_wait3A_44 = tpu.memref_slice %arg4[%dma_wait3A_42, %dma_wait3A_43] : memref<28672x768xf32, #tpu.memory_space<hbm>> -> memref<32x768xf32, #tpu.memory_space<hbm>>
    %dma_wait3A_45 = arith.constant 0 : i32
    %dma_wait3A_46 = arith.constant 0 : i32
    %dma_wait3A_47 = tpu.memref_slice %arg4[%dma_wait3A_45, %dma_wait3A_46] : memref<28672x768xf32, #tpu.memory_space<hbm>> -> memref<32x768xf32, #tpu.memory_space<hbm>>
    tpu.wait_dma2 semaphore(%arg19 : memref<!tpu.dma_semaphore, #tpu.memory_space<semaphore_mem>>) src(%arg6 : memref<32x768xf32, #tpu.memory_space<vmem>>) dst(%dma_wait3A_47 : memref<32x768xf32, #tpu.memory_space<hbm>>)
    %dma_wait3A_48 = arith.constant 0 : i32
    %dma_wait3A_49 = arith.constant 0 : i32
    %dma_wait3A_50 = tpu.memref_slice %arg4[%dma_wait3A_48, %dma_wait3A_49] : memref<28672x768xf32, #tpu.memory_space<hbm>> -> memref<32x768xf32, #tpu.memory_space<hbm>>
    %dma_wait3A_51 = arith.constant 0 : i32
    %dma_wait3A_52 = arith.constant 0 : i32
    %dma_wait3A_53 = tpu.memref_slice %arg4[%dma_wait3A_51, %dma_wait3A_52] : memref<28672x768xf32, #tpu.memory_space<hbm>> -> memref<32x768xf32, #tpu.memory_space<hbm>>
    tpu.wait_dma2 semaphore(%arg20 : memref<!tpu.dma_semaphore, #tpu.memory_space<semaphore_mem>>) src(%arg7 : memref<32x768xf32, #tpu.memory_space<vmem>>) dst(%dma_wait3A_53 : memref<32x768xf32, #tpu.memory_space<hbm>>)
    %dma_wait3A_54 = arith.constant 0 : i32
    %dma_wait3A_55 = arith.constant 0 : i32
    %dma_wait3A_56 = tpu.memref_slice %arg4[%dma_wait3A_54, %dma_wait3A_55] : memref<28672x768xf32, #tpu.memory_space<hbm>> -> memref<32x768xf32, #tpu.memory_space<hbm>>
    %dma_wait3A_57 = arith.constant 0 : i32
    %dma_wait3A_58 = arith.constant 0 : i32
    %dma_wait3A_59 = tpu.memref_slice %arg4[%dma_wait3A_57, %dma_wait3A_58] : memref<28672x768xf32, #tpu.memory_space<hbm>> -> memref<32x768xf32, #tpu.memory_space<hbm>>
    tpu.wait_dma2 semaphore(%arg21 : memref<!tpu.dma_semaphore, #tpu.memory_space<semaphore_mem>>) src(%arg8 : memref<32x768xf32, #tpu.memory_space<vmem>>) dst(%dma_wait3A_59 : memref<32x768xf32, #tpu.memory_space<hbm>>)
    return
  }
}

module attributes {stable_mosaic.version = 14 : i64} {
  func.func @_mm_body(%arg0: i32, %arg1: memref<256x768xf32, #tpu.memory_space<vmem>>, %arg2: memref<768x768xf32, #tpu.memory_space<vmem>>, %arg3: memref<256x768xf32, #tpu.memory_space<vmem>>, %arg4: memref<1x1x256xf32, #tpu.memory_space<vmem>>, %arg5: memref<256x768xf32, #tpu.memory_space<vmem>>) attributes {dimension_semantics = [#tpu.dimension_semantics<arbitrary>], iteration_bounds = array<i64: 16>, scalar_prefetch = 0 : i64, scratch_operands = 0 : i64, tpu.core_type = #tpu.core_type<tc>, window_params = [{transform_indices = @transform_0, window_bounds = array<i64: 256, 768>}, {pipeline_mode = #tpu.pipeline_mode<synchronous>, transform_indices = @transform_1, window_bounds = array<i64: 768, 768>}, {transform_indices = @transform_2, window_bounds = array<i64: 256, 768>}, {transform_indices = @transform_3, window_bounds = array<i64: 1, 1, 256>}, {transform_indices = @transform_4, window_bounds = array<i64: 256, 768>}]} {
    %get3A = arith.constant 0 : index
    %get3A_0 = arith.constant 0 : index
    %get3A_1 = vector.load %arg1[%get3A, %get3A_0] : memref<256x768xf32, #tpu.memory_space<vmem>>, vector<256x768xf32>
    %get3A_2 = arith.constant 0 : index
    %get3A_3 = arith.constant 0 : index
    %get3A_4 = vector.load %arg2[%get3A_2, %get3A_3] : memref<768x768xf32, #tpu.memory_space<vmem>>, vector<768x768xf32>
    %dot_general3A = arith.constant dense<0.000000e+00> : vector<256x768xf32>
    %dot_general3A_5 = tpu.matmul %get3A_1, %get3A_4, %dot_general3A {dimension_numbers = #tpu.dot_dimension_numbers<[1], [1], [0], [0], [0, 0, 1, 0], [], []>, transpose_lhs_hint = false} : vector<256x768xf32>, vector<768x768xf32>, vector<256x768xf32> -> vector<256x768xf32>
    %get3A_6 = arith.constant 0 : index
    %get3A_7 = arith.constant 0 : index
    %get3A_8 = arith.constant 0 : index
    %get3A_9 = vector.load %arg4[%get3A_6, %get3A_7, %get3A_8] : memref<1x1x256xf32, #tpu.memory_space<vmem>>, vector<1x1x256xf32>
    %get3A_10 = vector.shape_cast %get3A_9 : vector<1x1x256xf32> to vector<256xf32>
    %broadcast_in_dim3A = vector.shape_cast %get3A_10 : vector<256xf32> to vector<256x1xf32>
    %mul3A = vector.broadcast %broadcast_in_dim3A : vector<256x1xf32> to vector<256x768xf32>
    %mul3A_11 = arith.mulf %dot_general3A_5, %mul3A : vector<256x768xf32>
    %get3A_12 = arith.constant 0 : index
    %get3A_13 = arith.constant 0 : index
    %get3A_14 = vector.load %arg3[%get3A_12, %get3A_13] : memref<256x768xf32, #tpu.memory_space<vmem>>, vector<256x768xf32>
    %add3A = arith.addf %mul3A_11, %get3A_14 : vector<256x768xf32>
    %swap3A = arith.constant 0 : index
    %swap3A_15 = arith.constant 0 : index
    %swap3A_16 = vector.load %arg5[%swap3A, %swap3A_15] : memref<256x768xf32, #tpu.memory_space<vmem>>, vector<256x768xf32>
    tpu.vector_store %arg5[%swap3A, %swap3A_15], %add3A {strides = array<i32>} : memref<256x768xf32, #tpu.memory_space<vmem>>, vector<256x768xf32>,
    return
  }
  func.func @transform_0(%arg0: i32) -> (i32, i32) {
    %c0_i32 = arith.constant 0 : i32
    %c0_i32_0 = arith.constant 0 : i32
    return %arg0, %c0_i32 : i32, i32
  }
  func.func @transform_1(%arg0: i32) -> (i32, i32) {
    %c0_i32 = arith.constant 0 : i32
    %c0_i32_0 = arith.constant 0 : i32
    %c0_i32_1 = arith.constant 0 : i32
    return %c0_i32, %c0_i32_0 : i32, i32
  }
  func.func @transform_2(%arg0: i32) -> (i32, i32) {
    %c0_i32 = arith.constant 0 : i32
    %c0_i32_0 = arith.constant 0 : i32
    return %arg0, %c0_i32 : i32, i32
  }
  func.func @transform_3(%arg0: i32) -> (i32, i32, i32) {
    %c0_i32 = arith.constant 0 : i32
    %c0_i32_0 = arith.constant 0 : i32
    %c0_i32_1 = arith.constant 0 : i32
    return %arg0, %c0_i32, %c0_i32_0 : i32, i32, i32
  }
  func.func @transform_4(%arg0: i32) -> (i32, i32) {
    %c0_i32 = arith.constant 0 : i32
    %c0_i32_0 = arith.constant 0 : i32
    return %arg0, %c0_i32 : i32, i32
  }
}

</mosaic_0001>

<sc_bundles>
// kernel: kernel.12.cloned.1.call-start
scs
__scs_entry_jumppad:
0x0: {  	(pc) =	sbr.rel $0x88, $3  }
0x1: {  	(tag) =	ssettag $0x0;
	lr =	simm.s32 $0x1  }
0x2: {  	[smem:$0x3F9D] =	sst lr;
	_ =	strace $0xD0000000  }
0x3: {  	_ = 	snop  }
0x4: {  	_ = 	snop  }
0x5: {  	_ = 	snop  }
0x6: {  	_ = 	snop  }
0x7: {  	_ = 	snop  }
__scs_overlays_trampoline_lowered:
0x8: {  	[smem:$0x3FAC] =	sst s0  }
0x9: {  	[smem:$0x3FAD] =	sst s1  }
0xa: {  	[smem:$0x3FAE] =	sst s2  }
0xb: {  	[smem:$0x3FAF] =	sst s3  }
0xc: {  	[smem:$0x3FB0] =	sst s4  }
0xd: {  	[smem:$0x3FB1] =	sst s5  }
0xe: {  	[smem:$0x3FB2] =	sst s6  }
0xf: {  	[smem:$0x3FB3] =	sst s7  }
0x10: {  	[smem:$0x3FB4] =	sst s8  }
0x11: {  	[smem:$0x3FB5] =	sst s9;
	s0 =	simm.s32 @!p0 $0x0  }
0x12: {  	s1 =	sld [smem:$0x3F9B];
	s0 =	simm.s32 @p0 $0x1  }
0x13: {  	[smem:$0x3FB6] =	sst s0;
	s0 =	simm.s32 @!p1 $0x0  }
0x14: {  	s2 =	sld [smem:$0x3F9A];
	s0 =	simm.s32 @p1 $0x1  }
0x15: {  	[smem:$0x3FB7] =	sst s0;
	s0 =	simm.s32 @!p2 $0x0  }
0x16: {  	s3 =	sld [smem:$0x3FDB];
	s0 =	simm.s32 @p2 $0x1  }
0x17: {  	s4 =	simm.s32 $0x1BF5;
	[smem:$0x3FB9] =	sst s0  }
0x18: {  	s0 =	sld [smem:$0x3F9C];
	_ =	swait.ge [sflag:s4], $0x0  }
0x19: {  	s7 =	sld [smem:$0x3F9D]  }
0x1a: {  	s8 =	sadd.s32 $0xFFFFE003, lr  }
0x1b: {  	s9 =	sadd.s32 $0xFFFFFEF7, lr;
	s5 =	simm.s32 $0xFFFFFFFF;
	p2 =	slt.u32 s8, $0xFFFFF086  }
0x1c: {  	p1 =	slt.u32 s9, $0xF7A;
	s5 =	simm.s32 @!p2 $0x0  }
0x1d: {  	s5 =	simm.s32 @p1 $0x1;
	p0 =	seq.s32 s7, s2  }
0x1e: {  	s7 =	smul.u32 @!p0 $0xF7A, s2;
	p2 =	seq.s32 @!p0 s5, $0x0  }
0x1f: {  	s9 =	smul.u32 $0xF7A, s1;
	s8 =	simm.s32 @!p0 $0x1BF5;
	p2 =	por !p2, p0  }
0x20: {  	[sflag:s8] =	ssyncset.s32 @!p0 $0xFFFFF086;
	s6 =	sadd.s32 @!p0 s3, s7;
	s7 =	simm.s32 @!p0 $0x108  }
0x21: {  	s3 =	sadd.s32 s3, s9;
	s6 =	sadd.s32 @!p0 $0x88, s6;
	s7 =	simm.s32 @p2 $0x1082  }
0x22: {  	[simem:s7], [sflag:s8] =	dma.local @!p0 [hbm:s6], $0xF7A  }
0x23: {  	s9 =	sor.u32 $0xD0000000, s2;
	s6 =	simm.s32 $0x108;
	_ =	swait.ge @!p0 [sflag:s8], $0x0  }
0x24: {  	s3 =	sadd.s32 $0x88, s3;
	s6 =	simm.s32 @!p1 $0x1082;
	[sflag:s4] =	ssyncset.s32 $0xFFFFF086  }
0x25: {  	[simem:s6], [sflag:s4] =	dma.local [hbm:s3], $0xF7A  }
0x26: {  	[smem:$0x3F9D] =	sst s1;
	(tag) =	ssettag s2;
	_ =	strace s9  }
0x27: {  	s1 =	sld [smem:$0x3FAD]  }
0x28: {  	s2 =	sld [smem:$0x3FAE]  }
0x29: {  	s4 =	sld [smem:$0x3FB0]  }
0x2a: {  	p0 =	seq.s32 s5, $0x0;
	s5 =	sld [smem:$0x3FB1]  }
0x2b: {  	s6 =	sld [smem:$0x3FB2]  }
0x2c: {  	s7 =	sld [smem:$0x3FB3]  }
0x2d: {  	s3 =	simm.s32 $0x108;
	s8 =	sld [smem:$0x3FB4]  }
0x2e: {  	s3 =	simm.s32 @!p0 $0x1082;
	s9 =	sld [smem:$0x3FB5]  }
0x2f: {  	lr =	sadd.s32 s0, s3;
	s0 =	sld [smem:$0x3FAC]  }
0x30: {  	s3 =	sld [smem:$0x3FAF]  }
0x31: {  	[smem:$0x3FB8] =	sst s10  }
0x32: {  	s10 =	sld [smem:$0x3FB6];
	_ =	sdelay $0x3  }
0x33: {  	p0 =	seq.s32 s10, $0x1;
	s10 =	sld [smem:$0x3FB8];
	_ =	sdelay $0x3  }
0x34: {  	[smem:$0x3FB8] =	sst s10  }
0x35: {  	s10 =	sld [smem:$0x3FB7];
	_ =	sdelay $0x3  }
0x36: {  	p1 =	seq.s32 s10, $0x1;
	s10 =	sld [smem:$0x3FB8];
	_ =	sdelay $0x3  }
0x37: {  	[smem:$0x3FB8] =	sst s10  }
0x38: {  	s10 =	sld [smem:$0x3FB9]  }
0x39: {  	_ = 	snop;
	(pc) =	sbr.ind lr, $3  }
0x3a: {  	_ = 	snop  }
0x3b: {  	_ = 	snop  }
0x3c: {  	p2 =	seq.s32 s10, $0x1;
	s10 =	sld [smem:$0x3FB8]  }
0x3d: {  	_ =	shalt  }
0x3e: {  	_ =	shalt  }
0x3f: {  	_ =	shalt  }
0x40: {  	_ =	shalt  }
0x41: {  	_ =	shalt  }
0x42: {  	_ =	shalt  }
0x43: {  	_ =	shalt  }
0x44: {  	_ =	shalt  }
0x45: {  	_ =	shalt  }
0x46: {  	_ =	shalt  }
0x47: {  	_ =	shalt  }
0x48: {  	_ =	shalt  }
0x49: {  	_ =	shalt  }
0x4a: {  	_ =	shalt  }
0x4b: {  	_ =	shalt  }
0x4c: {  	_ =	shalt  }
0x4d: {  	_ =	shalt  }
0x4e: {  	_ =	shalt  }
0x4f: {  	_ =	shalt  }
0x50: {  	_ =	shalt  }
0x51: {  	_ =	shalt  }
0x52: {  	_ =	shalt  }
0x53: {  	_ =	shalt  }
0x54: {  	_ =	shalt  }
0x55: {  	_ =	shalt  }
0x56: {  	_ =	shalt  }
0x57: {  	_ =	shalt  }
0x58: {  	_ =	shalt  }
0x59: {  	_ =	shalt  }
0x5a: {  	_ =	shalt  }
0x5b: {  	_ =	shalt  }
0x5c: {  	_ =	shalt  }
0x5d: {  	_ =	shalt  }
0x5e: {  	_ =	shalt  }
0x5f: {  	_ =	shalt  }
0x60: {  	_ =	shalt  }
0x61: {  	_ =	shalt  }
0x62: {  	_ =	shalt  }
0x63: {  	_ =	shalt  }
0x64: {  	_ =	shalt  }
0x65: {  	_ =	shalt  }
0x66: {  	_ =	shalt  }
0x67: {  	_ =	shalt  }
0x68: {  	_ =	shalt  }
0x69: {  	_ =	shalt  }
0x6a: {  	_ =	shalt  }
0x6b: {  	_ =	shalt  }
0x6c: {  	_ =	shalt  }
0x6d: {  	_ =	shalt  }
0x6e: {  	_ =	shalt  }
0x6f: {  	_ =	shalt  }
0x70: {  	_ =	shalt  }
0x71: {  	_ =	shalt  }
0x72: {  	_ =	shalt  }
0x73: {  	_ =	shalt  }
0x74: {  	_ =	shalt  }
0x75: {  	_ =	shalt  }
0x76: {  	_ =	shalt  }
0x77: {  	_ =	shalt  }
0x78: {  	_ =	shalt  }
0x79: {  	_ =	shalt  }
0x7a: {  	_ =	shalt  }
0x7b: {  	_ =	shalt  }
0x7c: {  	_ =	shalt  }
0x7d: {  	_ =	shalt  }
0x7e: {  	_ =	shalt  }
0x7f: {  	_ =	shalt  }
0x80: {  	_ =	shalt  }
0x81: {  	_ =	shalt  }
0x82: {  	_ =	shalt  }
0x83: {  	_ =	shalt  }
0x84: {  	_ =	shalt  }
0x85: {  	_ =	shalt  }
0x86: {  	_ =	shalt  }
0x87: {  	_ =	shalt  }
.Lfunc_end0:
.L_simem_size_0:
called_computation.2_lowered:
.L_overlay_start_0:
0x88: {  	s2 =	sld [smem:$0x3FD9]  }
0x89: {  	s3 =	sld [smem:$0x3FFE];
	_ =	sdelay $0x1  }
0x8a: {  	s1 =	srdreg.scid  }
0x8b: {  	s0 =	sand.u32 $0x1, s1  }
0x8c: {  	s17 =	sshll.u32 s0, $0xA;
	s2 =	sadd.s32 s3, s2  }
0x8d: {  	s2 =	sadd.s32 s2, s17  }
0x8e: {  	[smem:$0x3FC4] =	sst s2  }
0x8f: {  	_ = 	snop  }
0x90: {  	s2 =	sld [smem:$0x3FD0];
	(tm) =	ssettm $0x1  }
0x91: {  	s18 =	sld [smem:$0x3FFB];
	_ =	sdelay $0x3  }
0x92: {  	_ =	strace s18  }
0x93: {  	s3 =	sld [smem:$0x3FFC];
	_ =	sdelay $0x3  }
0x94: {  	_ =	strace s3  }
0x95: {  	s3 =	sld [smem:$0x3FFD];
	_ =	sdelay $0x3  }
0x96: {  	_ =	strace s3  }
0x97: {  	_ =	strace $0x8FFFFFFF  }
0x98: {  	s19 =	sld [smem:$0x3FDB];
	_ =	sdelay $0x1  }
0x99: {  	s4 =	simm.s32 $_scs_section_size  }
0x9a: {  	s5 =	simm.s32 $_size__tile_overlayer_lowered;
	s6 =	simm.s32 $_tile_overlayer_lowered  }
0x9b: {  	s22 =	simm.s32 $0x1BFF;
	s21 =	sshll.u32 s6, $0x1;
	s3 =	sadd.s32 s4, s19  }
0x9c: {  	s7 =	simm.s32 $0x0;
	s20 =	sshll.u32 s5, $0x1;
	s5 =	sadd.s32 s21, s3  }
0x9d: {  	[timem:s7], [sflag:s22] =	dma.local [hbm:s5], s20  }
0x9e: {  	_ =	swait.ge [sflag:s22], s20  }
0x9f: {  	s4 =	ssub.s32 $0x0, s20;
	[sflag:s22] =	ssyncset.done $0x0  }
0xa0: {  	[sflag:s22] =	ssyncadd.s32 s4;
	_ =	sdelay $0x1  }
0xa1: {  	s23 =	simm.s32 $0x1B8B  }
0xa2: {  	_ =	swait.ge [sflag:s23], $0x1  }
0xa3: {  	[sflag:s23] =	ssyncset.done $0x0  }
0xa4: {  	s25 =	simm.s32 $0x1B8E;
	s24 =	sld [smem:$0x3FFE];
	[sflag:s23] =	ssyncadd.s32 $0xFFFFFFFF  }
0xa5: {  	s26 =	simm.s32 $execute0_lowered;
	[smem:$0x3FD2] =	sst s25  }
0xa6: {  	s5 =	sshll.u32 s26, $0x1;
	_ =	strace $0x8000004C;
	[dreg:$0x1] =	wrdreg $0xFFFFFFFF  }
0xa7: {  	s28 =	simm.s32 $_size_execute0_lowered;
	s3 =	sadd.s32 s3, s5;
	[dreg:$0x0] =	wrdreg $0x0  }
0xa8: {  	s5 =	sshll.u32 s28, $0x1;
	[dreg:$0x2] =	wrdreg s3  }
0xa9: {  	[dreg:$0x3] =	wrdreg s5  }
0xaa: {  	[dreg:$0x4] =	wrdreg $0xC0  }
0xab: {  	_ =	task [dreg:s7], $0x5FFFF  }
0xac: {  	[dreg:$0x1] =	wrdreg $0xFFFFFFFF  }
0xad: {  	[dreg:$0x0] =	wrdreg $0x60  }
0xae: {  	[dreg:$0x2] =	wrdreg s24  }
0xaf: {  	[dreg:$0x3] =	wrdreg s2  }
0xb0: {  	[dreg:$0x4] =	wrdreg $0x9  }
0xb1: {  	_ =	task.clear_ibuf [dreg:s7], $0x5FFFF;
	_ =	strace $0x9000004C  }
0xb2: {  	s29 =	simm.s32 $0x9;
	_ =	strace $0x8000004E  }
0xb3: {  	_ =	swait.ge [sflag:s29], $0x1  }
0xb4: {  	[sflag:s29] =	ssyncadd.s32 $0xFFFFFFFF  }
0xb5: {  	_ =	strace $0x9000004E  }
0xb6: {  	_ =	sfence  }
0xb7: {  	s30 =	sld [smem:$0x0];
	_ =	sdelay $0x2  }
0xb8: {  	s31 =	sshll.u32 s1, $0xD;
	s1 =	sshrl.u32 s1, $0x2  }
0xb9: {  	s3 =	sand.u32 $0x4000, s31;
	s1 =	sadd.s32 s1, s30  }
0xba: {  	s0 =	sor.u32 s3, s0;
	s1 =	sshll.u32 s1, $0x11  }
0xbb: {  	s0 =	sor.u32 s1, s0  }
0xbc: {  	s0 =	sadd.s32 $0x8F2B, s0  }
0xbd: {  	[sflag:s0] =	ssyncadd.remote.s32 $0x1  }
0xbe: {  	_ =	sfence.sel $0xFFFF  }
0xbf: {  	[dreg:$0x0] =	wrdreg $0xFFFFFFFF;
	(pc) =	sbr.abs _section_cstart, $3  }
0xc0: {  	[dreg:$0x1] =	wrdreg $0xFFFFFFFF  }
0xc1: {  	_ =	task.clear_ibuf [dreg:s7], $0x2FFFF;
	_ =	strace $0x9FFFFFFF  }
0xc2: {  	(tm) =	ssettm $0x7FFFFFFF  }
0xc3: {  	_ =	shalt  }
tec
execute0_lowered:
.L_overlay_start_1:
0x0: {  	(tag) =	ssettag $0x1  }
0x1: {  	s0 =	rddreg [dreg:$0x0]  }
0x2: {  	s1 =	srdreg.scid;
	s8 =	stileid.u32  }
0x3: {  	s2 =	rddreg [dreg:$0x1];
	s3 =	simm.s32 $0x0;
	s28 =	simm.s32 $0x12000  }
0x4: {  	s29 =	simm.s32 $0x12800;
	s30 =	simm.s32 $0x13000;
	s31 =	simm.s32 $0x13800  }
0x5: {  	s16 =	simm.s32 $0x15800;
	s14 =	simm.s32 $0x16000;
	s17 =	simm.s32 $0x16800  }
0x6: {  	s15 =	simm.s32 $0x17000;
	s18 =	simm.s32 $0x17800;
	s12 =	simm.s32 $0x1  }
0x7: {  	s19 =	simm.s32 $0x3;
	s13 =	simm.s32 $0x0;
	s1 =	sand.u32 $0x1, s1  }
0x8: {  	s4 =	sshll.u32 s8, $0x1;
	[smem:$0x7FF] =	sst s3;
	s11 =	smul.u32 $0x700, s8  }
0x9: {  	s8 =	sadd.s32 $0x100, s2;
	s9 =	sadd.s32 $0x200, s2;
	s4 =	sor.u32 s1, s4  }
0xa: {  	_ =	strace $0x8000004D;
	s6 =	ssub.s32 $0x2, s1;
	s1 =	smul.u32 $0x380, s1  }
0xb: {  	s5 =	smul.u32 $0x380, s4;
	s4 =	sadd.s32 $0x1600, s0;
	s7 =	sshrl.u32 s6, $0x1  }
0xc: {  	s10 =	ssub.s32 s6, s7;
	s6 =	sadd.s32 $0x1700, s0;
	s7 =	sadd.s32 $0x1800, s0  }
.Ltmp0:
0xd: {  	s26 =	sadd.s32 s1, s11;
	s1 =	simm.s32 $0x14000;
	(pc) =	sbr.rel .LBB2_1-.Ltmp0, $4  }
0xe: {  	s11 =	simm.s32 $0x14800;
	s5 =	sshrl.u32 s5, $0x3;
	s25 =	smax.u32 s10, $0x1  }
0xf: {  	v0 =	vlaneseq.u32;
	[dreg:$0x5] =	wrdreg s26;
	s26 =	simm.s32 $0x11800;
	s5 =	sadd.s32 s5, s0  }
0x10: {  	v1 =	vimm.s32 $0x0;
	vm0 =	vmmov $0xffff;
	v3 =	vshrl.u32 v0, $0x3;
	[dreg:$0x4] =	wrdreg s25;
	s25 =	simm.s32 $0x11000;
	s5 =	sadd.s32 $0xC1800, s5  }
0x11: {  	v2 =	vand.u32 $0x7, v0;
	v4 =	vor.u32 $0x8, v0;
	v3 =	vmul.u32 $0x8, v3;
	s0 =	simm.s32 $0x15000;
	[dreg:$0x3] =	wrdreg s5;
	s5 =	simm.s32 $0x2  }
.LBB2_20:
0x12: {  	s13 =	sadd.s32 $0x1, s13;
	s10 =	rddreg [dreg:$0x4]  }
0x13: {  	p0 =	sne.s32 s13, s10  }
.Ltmp1:
0x14: {  	_ = 	snop;
	(pc) =	sbr.rel @!p0 .LBB2_21-.Ltmp1, $1  }
0x15: {  	_ =	sdelay $0x3  }
.LBB2_1:
0x16: {  	[dreg:$0x6] =	wrdreg s13  }
0x17: {  	s10 =	rddreg [dreg:$0x3];
	s22 =	simm.s32 $0x18000;
	s23 =	simm.s32 $0x5  }
0x18: {  	[tilespmem:s22], [sflag:$0x5] =	stream.linear.gather [hbm4b:s10+s3], $0x380, $0x38;
	[tilespmem:$0x18D80] =	vst v63  }
0x19: {  	_ =	swait.ge [sflag:s23], $0x380  }
0x1a: {  	[sflag:s23] =	ssyncset.done $0x0  }
0x1b: {  	s24 =	simm.s32 $0x0;
	[sflag:s23] =	ssyncadd.s32 $0xFFFFFC80  }
0x1c: {  	v5 =	vld [tilespmem:s24+$0x18000];
	_ =	sdelay $0x4  }
0x1d: {  	vm1 =	vne.s32 v5, $0x1000  }
0x1e: {  	v6 =	vsel vm1, $0x1, v1  }
0x1f: {  	(xrf0) =	vadd.scan.msk.s32 $0xffff, v6;
	_ =	sdelay $0x5  }
0x20: {  	v6, _, _ =	vpop (xrf0)  }
0x21: {  	s10 =	rddreg [dreg:$0x5];
	(v2sf) =	vpush v6, $0xF  }
0x22: {  	v7 =	vor.u32 s10, v0;
	[tilespmem:s3+$0x18580] =	vst.msk vm1, v5  }
0x23: {  	s21 =	simm.s32 $0x10;
	s20 =	simm.s32 $0x80;
	s13 =	simm.s32 $0x0;
	[tilespmem:s3+$0x18980] =	vst.msk vm1, v7  }
.LBB2_2:
0x24: {  	p0 =	sne.s32 s20, $0xDC0;
	v5 =	vld [tilespmem:s21+$0x18000];
	_ =	sdelay $0x4  }
0x25: {  	vm1 =	vne.s32 v5, $0x1000  }
0x26: {  	v6 =	vsel vm1, $0x1, v1  }
0x27: {  	(xrf0) =	vadd.scan.msk.s32 $0xffff, v6;
	_ =	sdelay $0x4  }
.Ltmp2:
0x28: {  	s21 =	spop (v2sf);
	(pc) =	sbr.rel @p0 .LBB2_2-.Ltmp2, $4  }
0x29: {  	s10 =	sadd.s32 $0x10, s10;
	v6, _, _ =	vpop (xrf0);
	s13 =	sadd.s32 s13, s21  }
0x2a: {  	v7 =	vor.u32 s10, v0;
	[tilespmem:s13+$0x18580] =	vst.msk vm1, v5;
	(v2sf) =	vpush v6, $0xF  }
0x2b: {  	[tilespmem:s13+$0x18980] =	vst.msk vm1, v7  }
0x2c: {  	s21 =	sshra.s32 s20, $0x2;
	s20 =	sadd.s32 $0x40, s20  }
0x2d: {  	v5 =	vld [tilespmem:s21+$0x18000];
	_ =	sdelay $0x4  }
0x2e: {  	vm1 =	vne.s32 v5, $0x1000  }
0x2f: {  	v6 =	vsel vm1, $0x1, v1  }
0x30: {  	(xrf0) =	vadd.scan.msk.s32 $0xffff, v6;
	_ =	sdelay $0x5  }
0x31: {  	v6, _, _ =	vpop (xrf0)  }
0x32: {  	(v2sf) =	vpush v6, $0xF;
	_ =	sdelay $0xd  }
0x33: {  	s20 =	spop (v2sf)  }
0x34: {  	s20 =	sadd.s32 s13, s20;
	s24 =	spop (v2sf)  }
0x35: {  	s13 =	sadd.s32 s20, s24  }
0x36: {  	p0 =	sgt.s32 s13, $0x0  }
.Ltmp3:
0x37: {  	_ = 	snop;
	(pc) =	sbr.rel @!p0 .LBB2_4-.Ltmp3, $4  }
0x38: {  	_ = 	snop  }
0x39: {  	s10 =	sadd.s32 $0x10, s10  }
0x3a: {  	v6 =	vor.u32 s10, v0;
	[tilespmem:s20+$0x18580] =	vst.msk vm1, v5  }
0x3b: {  	[tilespmem:s20+$0x18980] =	vst.msk vm1, v6  }
0x3c: {  	s10 =	simm.s32 $0x18580  }
0x3d: {  	s24 =	simm.s32 $0x18980;
	v5 =	vld.msk [tilespmem:s10+$0x0], $0xffff  }
0x3e: {  	v6 =	vld.msk [tilespmem:s24+$0x0], $0xffff;
	_ =	sdelay $0x3  }
0x3f: {  	[tilespmem:s13+$0x18580] =	vst v5  }
0x40: {  	s10 =	sadd.s32 $0x3F, s13;
	[tilespmem:s13+$0x18980] =	vst v6  }
0x41: {  	p1 =	slt.s32 s10, $0x40;
	[tilespmem:s13+$0x18590] =	vst v5  }
.Ltmp4:
0x42: {  	[tilespmem:s13+$0x18990] =	vst v6;
	(pc) =	sbr.rel @p1 .LBB2_7-.Ltmp4, $4  }
0x43: {  	[tilespmem:s13+$0x185A0] =	vst v5  }
0x44: {  	[tilespmem:s13+$0x189A0] =	vst v6  }
0x45: {  	[tilespmem:s13+$0x185B0] =	vst v5  }
0x46: {  	p0 =	por $0x0, $0x0;
	[tilespmem:s13+$0x189B0] =	vst v6  }
0x47: {  	v5 =	vld [tilespmem:$0x18580];
	_ =	sdelay $0x4  }
0x48: {  	[tilespmem:$0x18480] =	vst v5  }
0x49: {  	v5 =	vld [tilespmem:$0x18480];
	_ =	sdelay $0x3  }
0x4a: {  	v6 =	vld [tilespmem:$0x18980]  }
0x4b: {  	v7 =	vld [tilespmem:$0x18590];
	v8 =	vshrl.u32 v5, $0x3  }
0x4c: {  	v9 =	vld [tilespmem:$0x18990];
	v8 =	vmul.u32 $0x30, v8  }
0x4d: {  	v10 =	vld [tilespmem:$0x185A0];
	v5 =	vand.u32 $0x7, v5  }
0x4e: {  	v11 =	vld [tilespmem:$0x189A0];
	v5 =	vor.u32 v5, v8  }
0x4f: {  	[tilespmem:$0x18380] =	vst v6;
	v6 =	vld [tilespmem:$0x185B0];
	v8 =	vperm.xlane v5, v2  }
0x50: {  	[tilespmem:$0x18490] =	vst v7;
	v7 =	vld [tilespmem:$0x189B0]  }
0x51: {  	[tilespmem:$0x18390] =	vst v9;
	v8 =	vadd.s32 v3, v8  }
0x52: {  	[tilespmem:$0x184A0] =	vst v10  }
0x53: {  	[tilespmem:$0x183A0] =	vst v11  }
0x54: {  	[tilespmem:$0x184B0] =	vst v6  }
0x55: {  	[tilespmem:$0x183B0] =	vst v7;
	v5 =	vperm.xlane v5, v4  }
0x56: {  	[tilespmem:s3], [sflag:$0x1] =	stream.indirect_vreg.gather [hbm4b:s4+s3], $0x80, v8, vm0, $0xb8;
	[tilespmem:$0x18D80] =	vst v63  }
0x57: {  	s13 =	simm.s32 $0x800;
	v5 =	vadd.s32 v3, v5  }
0x58: {  	[tilespmem:s13], [sflag:$0x1] =	stream.indirect_vreg.gather [hbm4b:s6+s3], $0x80, v8, vm0, $0xb8;
	[tilespmem:$0x18D80] =	vst v63  }
0x59: {  	s23 =	simm.s32 $0x1000  }
0x5a: {  	[tilespmem:s23], [sflag:$0x1] =	stream.indirect_vreg.gather [hbm4b:s7+s3], $0x80, v8, vm0, $0xb8;
	[tilespmem:$0x18D80] =	vst v63  }
0x5b: {  	s24 =	simm.s32 $0x1800  }
0x5c: {  	[tilespmem:s24], [sflag:$0x1] =	stream.indirect_vreg.gather [hbm4b:s4+s3], $0x80, v5, vm0, $0xb8;
	[tilespmem:$0x18D80] =	vst v63  }
0x5d: {  	s20 =	simm.s32 $0x2000  }
0x5e: {  	[tilespmem:s20], [sflag:$0x1] =	stream.indirect_vreg.gather [hbm4b:s6+s3], $0x80, v5, vm0, $0xb8;
	[tilespmem:$0x18D80] =	vst v63  }
0x5f: {  	s21 =	simm.s32 $0x2800  }
0x60: {  	[tilespmem:s21], [sflag:$0x1] =	stream.indirect_vreg.gather [hbm4b:s7+s3], $0x80, v5, vm0, $0xb8;
	[tilespmem:$0x18D80] =	vst v63  }
0x61: {  	v5 =	vld [tilespmem:$0x18490];
	_ =	sdelay $0x4  }
0x62: {  	v6 =	vshrl.u32 v5, $0x3  }
0x63: {  	v6 =	vmul.u32 $0x30, v6  }
0x64: {  	v5 =	vand.u32 $0x7, v5  }
0x65: {  	v5 =	vor.u32 v5, v6  }
0x66: {  	v6 =	vperm.xlane v5, v2;
	_ =	sdelay $0x1  }
0x67: {  	v6 =	vadd.s32 v3, v6;
	_ =	sdelay $0x3  }
0x68: {  	s22 =	simm.s32 $0x3000;
	v5 =	vperm.xlane v5, v4  }
0x69: {  	[tilespmem:s22], [sflag:$0x1] =	stream.indirect_vreg.gather [hbm4b:s4+s3], $0x80, v6, vm0, $0xb8;
	[tilespmem:$0x18D80] =	vst v63  }
0x6a: {  	s23 =	simm.s32 $0x3800;
	v5 =	vadd.s32 v3, v5  }
0x6b: {  	[tilespmem:s23], [sflag:$0x1] =	stream.indirect_vreg.gather [hbm4b:s6+s3], $0x80, v6, vm0, $0xb8;
	[tilespmem:$0x18D80] =	vst v63  }
0x6c: {  	s24 =	simm.s32 $0x4000  }
0x6d: {  	[tilespmem:s24], [sflag:$0x1] =	stream.indirect_vreg.gather [hbm4b:s7+s3], $0x80, v6, vm0, $0xb8;
	[tilespmem:$0x18D80] =	vst v63  }
0x6e: {  	s20 =	simm.s32 $0x4800  }
0x6f: {  	[tilespmem:s20], [sflag:$0x1] =	stream.indirect_vreg.gather [hbm4b:s4+s3], $0x80, v5, vm0, $0xb8;
	[tilespmem:$0x18D80] =	vst v63  }
0x70: {  	s21 =	simm.s32 $0x5000  }
0x71: {  	[tilespmem:s21], [sflag:$0x1] =	stream.indirect_vreg.gather [hbm4b:s6+s3], $0x80, v5, vm0, $0xb8;
	[tilespmem:$0x18D80] =	vst v63  }
0x72: {  	s22 =	simm.s32 $0x5800  }
0x73: {  	[tilespmem:s22], [sflag:$0x1] =	stream.indirect_vreg.gather [hbm4b:s7+s3], $0x80, v5, vm0, $0xb8;
	[tilespmem:$0x18D80] =	vst v63  }
0x74: {  	v5 =	vld [tilespmem:$0x184A0];
	_ =	sdelay $0x4  }
0x75: {  	v6 =	vshrl.u32 v5, $0x3  }
0x76: {  	v6 =	vmul.u32 $0x30, v6  }
0x77: {  	v5 =	vand.u32 $0x7, v5  }
0x78: {  	v5 =	vor.u32 v5, v6  }
0x79: {  	v6 =	vperm.xlane v5, v2;
	_ =	sdelay $0x1  }
0x7a: {  	v6 =	vadd.s32 v3, v6;
	_ =	sdelay $0x3  }
0x7b: {  	s23 =	simm.s32 $0x6000;
	v5 =	vperm.xlane v5, v4  }
0x7c: {  	[tilespmem:s23], [sflag:$0x1] =	stream.indirect_vreg.gather [hbm4b:s4+s3], $0x80, v6, vm0, $0xb8;
	[tilespmem:$0x18D80] =	vst v63  }
0x7d: {  	s24 =	simm.s32 $0x6800;
	v5 =	vadd.s32 v3, v5  }
0x7e: {  	[tilespmem:s24], [sflag:$0x1] =	stream.indirect_vreg.gather [hbm4b:s6+s3], $0x80, v6, vm0, $0xb8;
	[tilespmem:$0x18D80] =	vst v63  }
0x7f: {  	s20 =	simm.s32 $0x7000  }
0x80: {  	[tilespmem:s20], [sflag:$0x1] =	stream.indirect_vreg.gather [hbm4b:s7+s3], $0x80, v6, vm0, $0xb8;
	[tilespmem:$0x18D80] =	vst v63  }
0x81: {  	s21 =	simm.s32 $0x7800  }
0x82: {  	[tilespmem:s21], [sflag:$0x1] =	stream.indirect_vreg.gather [hbm4b:s4+s3], $0x80, v5, vm0, $0xb8;
	[tilespmem:$0x18D80] =	vst v63  }
0x83: {  	s22 =	simm.s32 $0x8000  }
0x84: {  	[tilespmem:s22], [sflag:$0x1] =	stream.indirect_vreg.gather [hbm4b:s6+s3], $0x80, v5, vm0, $0xb8;
	[tilespmem:$0x18D80] =	vst v63  }
0x85: {  	s23 =	simm.s32 $0x8800  }
0x86: {  	[tilespmem:s23], [sflag:$0x1] =	stream.indirect_vreg.gather [hbm4b:s7+s3], $0x80, v5, vm0, $0xb8;
	[tilespmem:$0x18D80] =	vst v63  }
0x87: {  	v5 =	vld [tilespmem:$0x184B0];
	_ =	sdelay $0x4  }
0x88: {  	v6 =	vshrl.u32 v5, $0x3  }
0x89: {  	v6 =	vmul.u32 $0x30, v6  }
0x8a: {  	v5 =	vand.u32 $0x7, v5  }
0x8b: {  	v5 =	vor.u32 v5, v6  }
0x8c: {  	v6 =	vperm.xlane v5, v2;
	_ =	sdelay $0x1  }
0x8d: {  	v6 =	vadd.s32 v3, v6;
	_ =	sdelay $0x3  }
0x8e: {  	s24 =	simm.s32 $0x9000;
	v5 =	vperm.xlane v5, v4  }
0x8f: {  	[tilespmem:s24], [sflag:$0x1] =	stream.indirect_vreg.gather [hbm4b:s4+s3], $0x80, v6, vm0, $0xb8;
	[tilespmem:$0x18D80] =	vst v63  }
0x90: {  	s20 =	simm.s32 $0x9800;
	v5 =	vadd.s32 v3, v5  }
0x91: {  	[tilespmem:s20], [sflag:$0x1] =	stream.indirect_vreg.gather [hbm4b:s6+s3], $0x80, v6, vm0, $0xb8;
	[tilespmem:$0x18D80] =	vst v63  }
0x92: {  	s21 =	simm.s32 $0xA000  }
0x93: {  	[tilespmem:s21], [sflag:$0x1] =	stream.indirect_vreg.gather [hbm4b:s7+s3], $0x80, v6, vm0, $0xb8;
	[tilespmem:$0x18D80] =	vst v63  }
0x94: {  	s22 =	simm.s32 $0xA800  }
0x95: {  	[tilespmem:s22], [sflag:$0x1] =	stream.indirect_vreg.gather [hbm4b:s4+s3], $0x80, v5, vm0, $0xb8;
	[tilespmem:$0x18D80] =	vst v63  }
.Ltmp5:
0x96: {  	_ = 	snop;
	(pc) =	sbr.rel .LBB2_7-.Ltmp5, $4  }
0x97: {  	s23 =	simm.s32 $0xB000  }
0x98: {  	[tilespmem:s23], [sflag:$0x1] =	stream.indirect_vreg.gather [hbm4b:s6+s3], $0x80, v5, vm0, $0xb8;
	[tilespmem:$0x18D80] =	vst v63  }
0x99: {  	p0 =	por $0x1, $0x1;
	s24 =	simm.s32 $0xB800  }
0x9a: {  	[tilespmem:s24], [sflag:$0x1] =	stream.indirect_vreg.gather [hbm4b:s7+s3], $0x80, v5, vm0, $0xb8;
	[tilespmem:$0x18D80] =	vst v63  }
.LBB2_4:
0x9b: {  	s10 =	sadd.s32 $0x3F, s13;
	p0 =	por $0x0, $0x0  }
.LBB2_7:
.Ltmp6:
0x9c: {  	s13 =	sshra.s32 s10, $0x1F;
	(pc) =	sbr.rel .LBB2_8-.Ltmp6, $4  }
0x9d: {  	s13 =	sshrl.u32 s13, $0x1A  }
0x9e: {  	s24 =	sadd.s32 s13, s10  }
0x9f: {  	s21 =	simm.s32 $0x2;
	s10 =	sshra.s32 s24, $0x6  }
0xa0: {  	s22 =	simm.s32 $0x185E0;
	s13 =	simm.s32 $0x189E0;
	s20 =	sadd.s32 $0xFFFFFFFF, s10  }
.LBB2_15:
0xa1: {  	_ =	swait.ge [sflag:s19], $0xC000  }
0xa2: {  	[sflag:s19] =	ssyncset.done $0x0  }
0xa3: {  	[sflag:s19] =	ssyncadd.s32 $0xFFFF4000  }
.LBB2_16:
0xa4: {  	_ =	swait.ge [sflag:s5], $0xC000  }
0xa5: {  	[sflag:s5] =	ssyncset.done $0x0  }
0xa6: {  	[sflag:s5] =	ssyncadd.s32 $0xFFFF4000  }
0xa7: {  	v5 =	vld [tilespmem:$0x18400];
	_ =	sdelay $0x4  }
0xa8: {  	v6 =	vshrl.u32 v5, $0x3  }
0xa9: {  	v6 =	vmul.u32 $0x30, v6  }
0xaa: {  	v5 =	vand.u32 $0x7, v5  }
0xab: {  	v5 =	vor.u32 v5, v6  }
0xac: {  	v6 =	vperm.xlane v5, v2;
	_ =	sdelay $0x1  }
0xad: {  	v6 =	vadd.s32 v3, v6;
	_ =	sdelay $0x3  }
0xae: {  	s23 =	simm.s32 $0xC000;
	v5 =	vperm.xlane v5, v4  }
0xaf: {  	[hbm4b:s2+s3] =	stream.indirect_vreg.scatter [tilespmem:s23], [sflag:$0x4], $0x80, v6, vm0, $0xb8;
	[tilespmem:$0x18D80] =	vst v63  }
0xb0: {  	s24 =	simm.s32 $0xC800;
	v5 =	vadd.s32 v3, v5  }
0xb1: {  	[hbm4b:s8+s3] =	stream.indirect_vreg.scatter [tilespmem:s24], [sflag:$0x4], $0x80, v6, vm0, $0xb8;
	[tilespmem:$0x18D80] =	vst v63  }
0xb2: {  	s24 =	simm.s32 $0xD000  }
0xb3: {  	[hbm4b:s9+s3] =	stream.indirect_vreg.scatter [tilespmem:s24], [sflag:$0x4], $0x80, v6, vm0, $0xb8;
	[tilespmem:$0x18D80] =	vst v63  }
0xb4: {  	s24 =	simm.s32 $0xD800  }
0xb5: {  	[hbm4b:s2+s3] =	stream.indirect_vreg.scatter [tilespmem:s24], [sflag:$0x4], $0x80, v5, vm0, $0xb8;
	[tilespmem:$0x18D80] =	vst v63  }
0xb6: {  	s24 =	simm.s32 $0xE000  }
0xb7: {  	[hbm4b:s8+s3] =	stream.indirect_vreg.scatter [tilespmem:s24], [sflag:$0x4], $0x80, v5, vm0, $0xb8;
	[tilespmem:$0x18D80] =	vst v63  }
0xb8: {  	s24 =	simm.s32 $0xE800  }
0xb9: {  	[hbm4b:s9+s3] =	stream.indirect_vreg.scatter [tilespmem:s24], [sflag:$0x4], $0x80, v5, vm0, $0xb8;
	[tilespmem:$0x18D80] =	vst v63  }
0xba: {  	v5 =	vld [tilespmem:$0x18410];
	_ =	sdelay $0x4  }
0xbb: {  	v6 =	vshrl.u32 v5, $0x3  }
0xbc: {  	v6 =	vmul.u32 $0x30, v6  }
0xbd: {  	v5 =	vand.u32 $0x7, v5  }
0xbe: {  	v5 =	vor.u32 v5, v6  }
0xbf: {  	v6 =	vperm.xlane v5, v2;
	_ =	sdelay $0x1  }
0xc0: {  	v6 =	vadd.s32 v3, v6;
	_ =	sdelay $0x3  }
0xc1: {  	s24 =	simm.s32 $0xF000;
	v5 =	vperm.xlane v5, v4  }
0xc2: {  	[hbm4b:s2+s3] =	stream.indirect_vreg.scatter [tilespmem:s24], [sflag:$0x4], $0x80, v6, vm0, $0xb8;
	[tilespmem:$0x18D80] =	vst v63  }
0xc3: {  	v5 =	vadd.s32 v3, v5;
	s24 =	simm.s32 $0xF800  }
0xc4: {  	[hbm4b:s8+s3] =	stream.indirect_vreg.scatter [tilespmem:s24], [sflag:$0x4], $0x80, v6, vm0, $0xb8;
	[tilespmem:$0x18D80] =	vst v63  }
0xc5: {  	s24 =	simm.s32 $0x10000  }
0xc6: {  	[hbm4b:s9+s3] =	stream.indirect_vreg.scatter [tilespmem:s24], [sflag:$0x4], $0x80, v6, vm0, $0xb8;
	[tilespmem:$0x18D80] =	vst v63  }
0xc7: {  	s24 =	simm.s32 $0x10800  }
0xc8: {  	[hbm4b:s2+s3] =	stream.indirect_vreg.scatter [tilespmem:s24], [sflag:$0x4], $0x80, v5, vm0, $0xb8;
	[tilespmem:$0x18D80] =	vst v63  }
0xc9: {  	_ = 	snop  }
0xca: {  	[hbm4b:s8+s3] =	stream.indirect_vreg.scatter [tilespmem:s25], [sflag:$0x4], $0x80, v5, vm0, $0xb8;
	[tilespmem:$0x18D80] =	vst v63  }
0xcb: {  	_ = 	snop  }
0xcc: {  	[hbm4b:s9+s3] =	stream.indirect_vreg.scatter [tilespmem:s26], [sflag:$0x4], $0x80, v5, vm0, $0xb8;
	[tilespmem:$0x18D80] =	vst v63  }
0xcd: {  	v5 =	vld [tilespmem:$0x18420];
	_ =	sdelay $0x4  }
0xce: {  	v6 =	vshrl.u32 v5, $0x3  }
0xcf: {  	v6 =	vmul.u32 $0x30, v6  }
0xd0: {  	v5 =	vand.u32 $0x7, v5  }
0xd1: {  	v5 =	vor.u32 v5, v6  }
0xd2: {  	v6 =	vperm.xlane v5, v2;
	_ =	sdelay $0x1  }
0xd3: {  	v6 =	vadd.s32 v3, v6;
	_ =	sdelay $0x3  }
0xd4: {  	v5 =	vperm.xlane v5, v4  }
0xd5: {  	[hbm4b:s2+s3] =	stream.indirect_vreg.scatter [tilespmem:s28], [sflag:$0x4], $0x80, v6, vm0, $0xb8;
	[tilespmem:$0x18D80] =	vst v63  }
0xd6: {  	v5 =	vadd.s32 v3, v5  }
0xd7: {  	[hbm4b:s8+s3] =	stream.indirect_vreg.scatter [tilespmem:s29], [sflag:$0x4], $0x80, v6, vm0, $0xb8;
	[tilespmem:$0x18D80] =	vst v63  }
0xd8: {  	_ = 	snop  }
0xd9: {  	[hbm4b:s9+s3] =	stream.indirect_vreg.scatter [tilespmem:s30], [sflag:$0x4], $0x80, v6, vm0, $0xb8;
	[tilespmem:$0x18D80] =	vst v63  }
0xda: {  	_ = 	snop  }
0xdb: {  	[hbm4b:s2+s3] =	stream.indirect_vreg.scatter [tilespmem:s31], [sflag:$0x4], $0x80, v5, vm0, $0xb8;
	[tilespmem:$0x18D80] =	vst v63  }
0xdc: {  	_ = 	snop  }
0xdd: {  	[hbm4b:s8+s3] =	stream.indirect_vreg.scatter [tilespmem:s1], [sflag:$0x4], $0x80, v5, vm0, $0xb8;
	[tilespmem:$0x18D80] =	vst v63  }
0xde: {  	_ = 	snop  }
0xdf: {  	[hbm4b:s9+s3] =	stream.indirect_vreg.scatter [tilespmem:s11], [sflag:$0x4], $0x80, v5, vm0, $0xb8;
	[tilespmem:$0x18D80] =	vst v63  }
0xe0: {  	v5 =	vld [tilespmem:$0x18430];
	_ =	sdelay $0x4  }
0xe1: {  	v6 =	vshrl.u32 v5, $0x3  }
0xe2: {  	v6 =	vmul.u32 $0x30, v6  }
0xe3: {  	v5 =	vand.u32 $0x7, v5  }
0xe4: {  	v5 =	vor.u32 v5, v6  }
0xe5: {  	v6 =	vperm.xlane v5, v2;
	_ =	sdelay $0x1  }
0xe6: {  	v6 =	vadd.s32 v3, v6;
	_ =	sdelay $0x3  }
0xe7: {  	v5 =	vperm.xlane v5, v4  }
0xe8: {  	[hbm4b:s2+s3] =	stream.indirect_vreg.scatter [tilespmem:s0], [sflag:$0x4], $0x80, v6, vm0, $0xb8;
	[tilespmem:$0x18D80] =	vst v63  }
0xe9: {  	v5 =	vadd.s32 v3, v5  }
0xea: {  	[hbm4b:s8+s3] =	stream.indirect_vreg.scatter [tilespmem:s16], [sflag:$0x4], $0x80, v6, vm0, $0xb8;
	[tilespmem:$0x18D80] =	vst v63  }
0xeb: {  	_ = 	snop  }
0xec: {  	[hbm4b:s9+s3] =	stream.indirect_vreg.scatter [tilespmem:s14], [sflag:$0x4], $0x80, v6, vm0, $0xb8;
	[tilespmem:$0x18D80] =	vst v63  }
0xed: {  	_ = 	snop  }
0xee: {  	[hbm4b:s2+s3] =	stream.indirect_vreg.scatter [tilespmem:s17], [sflag:$0x4], $0x80, v5, vm0, $0xb8;
	[tilespmem:$0x18D80] =	vst v63  }
0xef: {  	_ = 	snop  }
0xf0: {  	[hbm4b:s8+s3] =	stream.indirect_vreg.scatter [tilespmem:s15], [sflag:$0x4], $0x80, v5, vm0, $0xb8;
	[tilespmem:$0x18D80] =	vst v63  }
0xf1: {  	_ = 	snop  }
0xf2: {  	[hbm4b:s9+s3] =	stream.indirect_vreg.scatter [tilespmem:s18], [sflag:$0x4], $0x80, v5, vm0, $0xb8;
	[tilespmem:$0x18D80] =	vst v63  }
.LBB2_17:
0xf3: {  	s21 =	sadd.s32 $0x2, s21  }
0xf4: {  	p1 =	sne.s32 s21, $0x10  }
.Ltmp7:
0xf5: {  	_ = 	snop;
	(pc) =	sbr.rel @!p1 .LBB2_18-.Ltmp7, $2  }
0xf6: {  	_ =	sdelay $0x2  }
0xf7: {  	s13 =	sadd.s32 $0x80, s13;
	s22 =	sadd.s32 $0x80, s22  }
.LBB2_8:
0xf8: {  	s23 =	sadd.s32 $0xFFFFFFFE, s21  }
0xf9: {  	p1 =	sge.s32 s23, s10  }
.Ltmp8:
0xfa: {  	_ = 	snop;
	(pc) =	sbr.rel @p1 .LBB2_12-.Ltmp8, $1  }
0xfb: {  	_ =	sdelay $0x3  }
0xfc: {  	s24 =	sadd.s32 $0xFFFFFFFF, s21  }
0xfd: {  	p1 =	sge.u32 s24, s10  }
0xfe: {  	v5 =	vld @!p1 [tilespmem:s22+$0xFFFFFFE0];
	_ =	sdelay $0x4  }
0xff: {  	[tilespmem:$0x18500] =	vst @!p1 v5  }
0x100: {  	v5 =	vld @!p1 [tilespmem:s13+$0xFFFFFFE0];
	_ =	sdelay $0x4  }
0x101: {  	[tilespmem:$0x18400] =	vst @!p1 v5  }
0x102: {  	v5 =	vld @!p1 [tilespmem:s22+$0xFFFFFFF0];
	_ =	sdelay $0x4  }
0x103: {  	[tilespmem:$0x18510] =	vst @!p1 v5  }
0x104: {  	v5 =	vld @!p1 [tilespmem:s13+$0xFFFFFFF0];
	_ =	sdelay $0x4  }
0x105: {  	[tilespmem:$0x18410] =	vst @!p1 v5  }
0x106: {  	v5 =	vld @!p1 [tilespmem:s22+$0x0];
	_ =	sdelay $0x4  }
0x107: {  	[tilespmem:$0x18520] =	vst @!p1 v5  }
0x108: {  	v5 =	vld @!p1 [tilespmem:s13+$0x0];
	_ =	sdelay $0x4  }
0x109: {  	[tilespmem:$0x18420] =	vst @!p1 v5  }
0x10a: {  	v5 =	vld @!p1 [tilespmem:s22+$0x10];
	_ =	sdelay $0x4  }
0x10b: {  	[tilespmem:$0x18530] =	vst @!p1 v5  }
0x10c: {  	v5 =	vld @!p1 [tilespmem:s13+$0x10];
	_ =	sdelay $0x3  }
.Ltmp9:
0x10d: {  	p2 =	seq.s32 s21, $0x2;
	(pc) =	sbr.rel @p1 .LBB2_11-.Ltmp9, $4  }
0x10e: {  	s24 =	simm.s32 @!p2 $0x4;
	[tilespmem:$0x18430] =	vst @!p1 v5  }
0x10f: {  	_ =	swait.ge @!p2 [sflag:s24], $0xC000  }
0x110: {  	[sflag:s24] =	ssyncset.done @!p2 $0x0  }
0x111: {  	[sflag:s24] =	ssyncadd.s32 @!p2 $0xFFFF4000  }
0x112: {  	v5 =	vld [tilespmem:$0x18500];
	_ =	sdelay $0x4  }
0x113: {  	v6 =	vshrl.u32 v5, $0x3  }
0x114: {  	v6 =	vmul.u32 $0x30, v6  }
0x115: {  	v5 =	vand.u32 $0x7, v5  }
0x116: {  	v5 =	vor.u32 v5, v6  }
0x117: {  	v6 =	vperm.xlane v5, v2;
	_ =	sdelay $0x1  }
0x118: {  	v6 =	vadd.s32 v3, v6;
	_ =	sdelay $0x3  }
0x119: {  	s24 =	simm.s32 $0xC000;
	v5 =	vperm.xlane v5, v4  }
0x11a: {  	[tilespmem:s24], [sflag:$0x2] =	stream.indirect_vreg.gather [hbm4b:s4+s3], $0x80, v6, vm0, $0xb8;
	[tilespmem:$0x18D80] =	vst v63  }
0x11b: {  	v5 =	vadd.s32 v3, v5;
	s24 =	simm.s32 $0xC800  }
0x11c: {  	[tilespmem:s24], [sflag:$0x2] =	stream.indirect_vreg.gather [hbm4b:s6+s3], $0x80, v6, vm0, $0xb8;
	[tilespmem:$0x18D80] =	vst v63  }
0x11d: {  	s24 =	simm.s32 $0xD000  }
0x11e: {  	[tilespmem:s24], [sflag:$0x2] =	stream.indirect_vreg.gather [hbm4b:s7+s3], $0x80, v6, vm0, $0xb8;
	[tilespmem:$0x18D80] =	vst v63  }
0x11f: {  	s24 =	simm.s32 $0xD800  }
0x120: {  	[tilespmem:s24], [sflag:$0x2] =	stream.indirect_vreg.gather [hbm4b:s4+s3], $0x80, v5, vm0, $0xb8;
	[tilespmem:$0x18D80] =	vst v63  }
0x121: {  	s24 =	simm.s32 $0xE000  }
0x122: {  	[tilespmem:s24], [sflag:$0x2] =	stream.indirect_vreg.gather [hbm4b:s6+s3], $0x80, v5, vm0, $0xb8;
	[tilespmem:$0x18D80] =	vst v63  }
0x123: {  	s24 =	simm.s32 $0xE800  }
0x124: {  	[tilespmem:s24], [sflag:$0x2] =	stream.indirect_vreg.gather [hbm4b:s7+s3], $0x80, v5, vm0, $0xb8;
	[tilespmem:$0x18D80] =	vst v63  }
0x125: {  	v5 =	vld [tilespmem:$0x18510];
	_ =	sdelay $0x4  }
0x126: {  	v6 =	vshrl.u32 v5, $0x3  }
0x127: {  	v6 =	vmul.u32 $0x30, v6  }
0x128: {  	v5 =	vand.u32 $0x7, v5  }
0x129: {  	v5 =	vor.u32 v5, v6  }
0x12a: {  	v6 =	vperm.xlane v5, v2;
	_ =	sdelay $0x1  }
0x12b: {  	v6 =	vadd.s32 v3, v6;
	_ =	sdelay $0x3  }
0x12c: {  	s24 =	simm.s32 $0xF000;
	v5 =	vperm.xlane v5, v4  }
0x12d: {  	[tilespmem:s24], [sflag:$0x2] =	stream.indirect_vreg.gather [hbm4b:s4+s3], $0x80, v6, vm0, $0xb8;
	[tilespmem:$0x18D80] =	vst v63  }
0x12e: {  	v5 =	vadd.s32 v3, v5;
	s24 =	simm.s32 $0xF800  }
0x12f: {  	[tilespmem:s24], [sflag:$0x2] =	stream.indirect_vreg.gather [hbm4b:s6+s3], $0x80, v6, vm0, $0xb8;
	[tilespmem:$0x18D80] =	vst v63  }
0x130: {  	s24 =	simm.s32 $0x10000  }
0x131: {  	[tilespmem:s24], [sflag:$0x2] =	stream.indirect_vreg.gather [hbm4b:s7+s3], $0x80, v6, vm0, $0xb8;
	[tilespmem:$0x18D80] =	vst v63  }
0x132: {  	s24 =	simm.s32 $0x10800  }
0x133: {  	[tilespmem:s24], [sflag:$0x2] =	stream.indirect_vreg.gather [hbm4b:s4+s3], $0x80, v5, vm0, $0xb8;
	[tilespmem:$0x18D80] =	vst v63  }
0x134: {  	_ = 	snop  }
0x135: {  	[tilespmem:s25], [sflag:$0x2] =	stream.indirect_vreg.gather [hbm4b:s6+s3], $0x80, v5, vm0, $0xb8;
	[tilespmem:$0x18D80] =	vst v63  }
0x136: {  	_ = 	snop  }
0x137: {  	[tilespmem:s26], [sflag:$0x2] =	stream.indirect_vreg.gather [hbm4b:s7+s3], $0x80, v5, vm0, $0xb8;
	[tilespmem:$0x18D80] =	vst v63  }
0x138: {  	v5 =	vld [tilespmem:$0x18520];
	_ =	sdelay $0x4  }
0x139: {  	v6 =	vshrl.u32 v5, $0x3  }
0x13a: {  	v6 =	vmul.u32 $0x30, v6  }
0x13b: {  	v5 =	vand.u32 $0x7, v5  }
0x13c: {  	v5 =	vor.u32 v5, v6  }
0x13d: {  	v6 =	vperm.xlane v5, v2;
	_ =	sdelay $0x1  }
0x13e: {  	v6 =	vadd.s32 v3, v6;
	_ =	sdelay $0x3  }
0x13f: {  	v5 =	vperm.xlane v5, v4  }
0x140: {  	[tilespmem:s28], [sflag:$0x2] =	stream.indirect_vreg.gather [hbm4b:s4+s3], $0x80, v6, vm0, $0xb8;
	[tilespmem:$0x18D80] =	vst v63  }
0x141: {  	v5 =	vadd.s32 v3, v5  }
0x142: {  	[tilespmem:s29], [sflag:$0x2] =	stream.indirect_vreg.gather [hbm4b:s6+s3], $0x80, v6, vm0, $0xb8;
	[tilespmem:$0x18D80] =	vst v63  }
0x143: {  	_ = 	snop  }
0x144: {  	[tilespmem:s30], [sflag:$0x2] =	stream.indirect_vreg.gather [hbm4b:s7+s3], $0x80, v6, vm0, $0xb8;
	[tilespmem:$0x18D80] =	vst v63  }
0x145: {  	_ = 	snop  }
0x146: {  	[tilespmem:s31], [sflag:$0x2] =	stream.indirect_vreg.gather [hbm4b:s4+s3], $0x80, v5, vm0, $0xb8;
	[tilespmem:$0x18D80] =	vst v63  }
0x147: {  	_ = 	snop  }
0x148: {  	[tilespmem:s1], [sflag:$0x2] =	stream.indirect_vreg.gather [hbm4b:s6+s3], $0x80, v5, vm0, $0xb8;
	[tilespmem:$0x18D80] =	vst v63  }
0x149: {  	_ = 	snop  }
0x14a: {  	[tilespmem:s11], [sflag:$0x2] =	stream.indirect_vreg.gather [hbm4b:s7+s3], $0x80, v5, vm0, $0xb8;
	[tilespmem:$0x18D80] =	vst v63  }
0x14b: {  	v5 =	vld [tilespmem:$0x18530];
	_ =	sdelay $0x4  }
0x14c: {  	v6 =	vshrl.u32 v5, $0x3  }
0x14d: {  	v6 =	vmul.u32 $0x30, v6  }
0x14e: {  	v5 =	vand.u32 $0x7, v5  }
0x14f: {  	v5 =	vor.u32 v5, v6  }
0x150: {  	v6 =	vperm.xlane v5, v2;
	_ =	sdelay $0x1  }
0x151: {  	v6 =	vadd.s32 v3, v6;
	_ =	sdelay $0x3  }
0x152: {  	v5 =	vperm.xlane v5, v4  }
0x153: {  	[tilespmem:s0], [sflag:$0x2] =	stream.indirect_vreg.gather [hbm4b:s4+s3], $0x80, v6, vm0, $0xb8;
	[tilespmem:$0x18D80] =	vst v63  }
0x154: {  	v5 =	vadd.s32 v3, v5  }
0x155: {  	[tilespmem:s16], [sflag:$0x2] =	stream.indirect_vreg.gather [hbm4b:s6+s3], $0x80, v6, vm0, $0xb8;
	[tilespmem:$0x18D80] =	vst v63  }
0x156: {  	_ = 	snop  }
0x157: {  	[tilespmem:s14], [sflag:$0x2] =	stream.indirect_vreg.gather [hbm4b:s7+s3], $0x80, v6, vm0, $0xb8;
	[tilespmem:$0x18D80] =	vst v63  }
0x158: {  	_ = 	snop  }
0x159: {  	[tilespmem:s17], [sflag:$0x2] =	stream.indirect_vreg.gather [hbm4b:s4+s3], $0x80, v5, vm0, $0xb8;
	[tilespmem:$0x18D80] =	vst v63  }
0x15a: {  	_ = 	snop  }
0x15b: {  	[tilespmem:s15], [sflag:$0x2] =	stream.indirect_vreg.gather [hbm4b:s6+s3], $0x80, v5, vm0, $0xb8;
	[tilespmem:$0x18D80] =	vst v63  }
0x15c: {  	_ = 	snop  }
0x15d: {  	[tilespmem:s18], [sflag:$0x2] =	stream.indirect_vreg.gather [hbm4b:s7+s3], $0x80, v5, vm0, $0xb8;
	[tilespmem:$0x18D80] =	vst v63  }
.LBB2_11:
0x15e: {  	_ =	swait.ge [sflag:s12], $0xC000  }
0x15f: {  	[sflag:s12] =	ssyncset.done $0x0  }
0x160: {  	[sflag:s12] =	ssyncadd.s32 $0xFFFF4000  }
0x161: {  	v5 =	vld [tilespmem:$0x18380];
	_ =	sdelay $0x4  }
0x162: {  	v6 =	vshrl.u32 v5, $0x3  }
0x163: {  	v6 =	vmul.u32 $0x30, v6  }
0x164: {  	v5 =	vand.u32 $0x7, v5  }
0x165: {  	v5 =	vor.u32 v5, v6  }
0x166: {  	v6 =	vperm.xlane v5, v2;
	_ =	sdelay $0x1  }
0x167: {  	v6 =	vadd.s32 v3, v6;
	_ =	sdelay $0x3  }
0x168: {  	v5 =	vperm.xlane v5, v4  }
0x169: {  	[hbm4b:s2+s3] =	stream.indirect_vreg.scatter [tilespmem:s3], [sflag:$0x3], $0x80, v6, vm0, $0xb8;
	[tilespmem:$0x18D80] =	vst v63  }
0x16a: {  	s24 =	simm.s32 $0x800;
	v5 =	vadd.s32 v3, v5  }
0x16b: {  	[hbm4b:s8+s3] =	stream.indirect_vreg.scatter [tilespmem:s24], [sflag:$0x3], $0x80, v6, vm0, $0xb8;
	[tilespmem:$0x18D80] =	vst v63  }
0x16c: {  	s24 =	simm.s32 $0x1000  }
0x16d: {  	[hbm4b:s9+s3] =	stream.indirect_vreg.scatter [tilespmem:s24], [sflag:$0x3], $0x80, v6, vm0, $0xb8;
	[tilespmem:$0x18D80] =	vst v63  }
0x16e: {  	s24 =	simm.s32 $0x1800  }
0x16f: {  	[hbm4b:s2+s3] =	stream.indirect_vreg.scatter [tilespmem:s24], [sflag:$0x3], $0x80, v5, vm0, $0xb8;
	[tilespmem:$0x18D80] =	vst v63  }
0x170: {  	s24 =	simm.s32 $0x2000  }
0x171: {  	[hbm4b:s8+s3] =	stream.indirect_vreg.scatter [tilespmem:s24], [sflag:$0x3], $0x80, v5, vm0, $0xb8;
	[tilespmem:$0x18D80] =	vst v63  }
0x172: {  	s24 =	simm.s32 $0x2800  }
0x173: {  	[hbm4b:s9+s3] =	stream.indirect_vreg.scatter [tilespmem:s24], [sflag:$0x3], $0x80, v5, vm0, $0xb8;
	[tilespmem:$0x18D80] =	vst v63  }
0x174: {  	v5 =	vld [tilespmem:$0x18390];
	_ =	sdelay $0x4  }
0x175: {  	v6 =	vshrl.u32 v5, $0x3  }
0x176: {  	v6 =	vmul.u32 $0x30, v6  }
0x177: {  	v5 =	vand.u32 $0x7, v5  }
0x178: {  	v5 =	vor.u32 v5, v6  }
0x179: {  	v6 =	vperm.xlane v5, v2;
	_ =	sdelay $0x1  }
0x17a: {  	v6 =	vadd.s32 v3, v6;
	_ =	sdelay $0x3  }
0x17b: {  	s24 =	simm.s32 $0x3000;
	v5 =	vperm.xlane v5, v4  }
0x17c: {  	[hbm4b:s2+s3] =	stream.indirect_vreg.scatter [tilespmem:s24], [sflag:$0x3], $0x80, v6, vm0, $0xb8;
	[tilespmem:$0x18D80] =	vst v63  }
0x17d: {  	v5 =	vadd.s32 v3, v5;
	s24 =	simm.s32 $0x3800  }
0x17e: {  	[hbm4b:s8+s3] =	stream.indirect_vreg.scatter [tilespmem:s24], [sflag:$0x3], $0x80, v6, vm0, $0xb8;
	[tilespmem:$0x18D80] =	vst v63  }
0x17f: {  	s24 =	simm.s32 $0x4000  }
0x180: {  	[hbm4b:s9+s3] =	stream.indirect_vreg.scatter [tilespmem:s24], [sflag:$0x3], $0x80, v6, vm0, $0xb8;
	[tilespmem:$0x18D80] =	vst v63  }
0x181: {  	s24 =	simm.s32 $0x4800  }
0x182: {  	[hbm4b:s2+s3] =	stream.indirect_vreg.scatter [tilespmem:s24], [sflag:$0x3], $0x80, v5, vm0, $0xb8;
	[tilespmem:$0x18D80] =	vst v63  }
0x183: {  	s24 =	simm.s32 $0x5000  }
0x184: {  	[hbm4b:s8+s3] =	stream.indirect_vreg.scatter [tilespmem:s24], [sflag:$0x3], $0x80, v5, vm0, $0xb8;
	[tilespmem:$0x18D80] =	vst v63  }
0x185: {  	s24 =	simm.s32 $0x5800  }
0x186: {  	[hbm4b:s9+s3] =	stream.indirect_vreg.scatter [tilespmem:s24], [sflag:$0x3], $0x80, v5, vm0, $0xb8;
	[tilespmem:$0x18D80] =	vst v63  }
0x187: {  	v5 =	vld [tilespmem:$0x183A0];
	_ =	sdelay $0x4  }
0x188: {  	v6 =	vshrl.u32 v5, $0x3  }
0x189: {  	v6 =	vmul.u32 $0x30, v6  }
0x18a: {  	v5 =	vand.u32 $0x7, v5  }
0x18b: {  	v5 =	vor.u32 v5, v6  }
0x18c: {  	v6 =	vperm.xlane v5, v2;
	_ =	sdelay $0x1  }
0x18d: {  	v6 =	vadd.s32 v3, v6;
	_ =	sdelay $0x3  }
0x18e: {  	s24 =	simm.s32 $0x6000;
	v5 =	vperm.xlane v5, v4  }
0x18f: {  	[hbm4b:s2+s3] =	stream.indirect_vreg.scatter [tilespmem:s24], [sflag:$0x3], $0x80, v6, vm0, $0xb8;
	[tilespmem:$0x18D80] =	vst v63  }
0x190: {  	v5 =	vadd.s32 v3, v5;
	s24 =	simm.s32 $0x6800  }
0x191: {  	[hbm4b:s8+s3] =	stream.indirect_vreg.scatter [tilespmem:s24], [sflag:$0x3], $0x80, v6, vm0, $0xb8;
	[tilespmem:$0x18D80] =	vst v63  }
0x192: {  	s24 =	simm.s32 $0x7000  }
0x193: {  	[hbm4b:s9+s3] =	stream.indirect_vreg.scatter [tilespmem:s24], [sflag:$0x3], $0x80, v6, vm0, $0xb8;
	[tilespmem:$0x18D80] =	vst v63  }
0x194: {  	s24 =	simm.s32 $0x7800  }
0x195: {  	[hbm4b:s2+s3] =	stream.indirect_vreg.scatter [tilespmem:s24], [sflag:$0x3], $0x80, v5, vm0, $0xb8;
	[tilespmem:$0x18D80] =	vst v63  }
0x196: {  	s24 =	simm.s32 $0x8000  }
0x197: {  	[hbm4b:s8+s3] =	stream.indirect_vreg.scatter [tilespmem:s24], [sflag:$0x3], $0x80, v5, vm0, $0xb8;
	[tilespmem:$0x18D80] =	vst v63  }
0x198: {  	s24 =	simm.s32 $0x8800  }
0x199: {  	[hbm4b:s9+s3] =	stream.indirect_vreg.scatter [tilespmem:s24], [sflag:$0x3], $0x80, v5, vm0, $0xb8;
	[tilespmem:$0x18D80] =	vst v63  }
0x19a: {  	v5 =	vld [tilespmem:$0x183B0];
	_ =	sdelay $0x4  }
0x19b: {  	v6 =	vshrl.u32 v5, $0x3  }
0x19c: {  	v6 =	vmul.u32 $0x30, v6  }
0x19d: {  	v5 =	vand.u32 $0x7, v5  }
0x19e: {  	v5 =	vor.u32 v5, v6  }
0x19f: {  	v6 =	vperm.xlane v5, v2;
	_ =	sdelay $0x1  }
0x1a0: {  	v6 =	vadd.s32 v3, v6;
	_ =	sdelay $0x3  }
0x1a1: {  	s24 =	simm.s32 $0x9000;
	v5 =	vperm.xlane v5, v4  }
0x1a2: {  	[hbm4b:s2+s3] =	stream.indirect_vreg.scatter [tilespmem:s24], [sflag:$0x3], $0x80, v6, vm0, $0xb8;
	[tilespmem:$0x18D80] =	vst v63  }
0x1a3: {  	v5 =	vadd.s32 v3, v5;
	s24 =	simm.s32 $0x9800  }
0x1a4: {  	[hbm4b:s8+s3] =	stream.indirect_vreg.scatter [tilespmem:s24], [sflag:$0x3], $0x80, v6, vm0, $0xb8;
	[tilespmem:$0x18D80] =	vst v63  }
0x1a5: {  	s24 =	simm.s32 $0xA000  }
0x1a6: {  	[hbm4b:s9+s3] =	stream.indirect_vreg.scatter [tilespmem:s24], [sflag:$0x3], $0x80, v6, vm0, $0xb8;
	[tilespmem:$0x18D80] =	vst v63  }
0x1a7: {  	s24 =	simm.s32 $0xA800  }
0x1a8: {  	[hbm4b:s2+s3] =	stream.indirect_vreg.scatter [tilespmem:s24], [sflag:$0x3], $0x80, v5, vm0, $0xb8;
	[tilespmem:$0x18D80] =	vst v63  }
0x1a9: {  	s24 =	simm.s32 $0xB000  }
0x1aa: {  	[hbm4b:s8+s3] =	stream.indirect_vreg.scatter [tilespmem:s24], [sflag:$0x3], $0x80, v5, vm0, $0xb8;
	[tilespmem:$0x18D80] =	vst v63  }
0x1ab: {  	s24 =	simm.s32 $0xB800  }
0x1ac: {  	[hbm4b:s9+s3] =	stream.indirect_vreg.scatter [tilespmem:s24], [sflag:$0x3], $0x80, v5, vm0, $0xb8;
	[tilespmem:$0x18D80] =	vst v63  }
.LBB2_12:
0x1ad: {  	p1 =	sge.s32 s23, s20  }
.Ltmp10:
0x1ae: {  	_ = 	snop;
	(pc) =	sbr.rel @p1 .LBB2_17-.Ltmp10, $1  }
0x1af: {  	_ =	sdelay $0x3  }
0x1b0: {  	p1 =	sge.s32 s21, s10  }
.Ltmp11:
0x1b1: {  	_ = 	snop;
	(pc) =	sbr.rel @p1 .LBB2_15-.Ltmp11, $1  }
0x1b2: {  	_ =	sdelay $0x3  }
0x1b3: {  	v5 =	vld [tilespmem:s22+$0x20];
	_ =	sdelay $0x4  }
0x1b4: {  	[tilespmem:$0x18480] =	vst v5  }
0x1b5: {  	v5 =	vld [tilespmem:s13+$0x20];
	_ =	sdelay $0x4  }
0x1b6: {  	[tilespmem:$0x18380] =	vst v5  }
0x1b7: {  	v5 =	vld [tilespmem:s22+$0x30];
	_ =	sdelay $0x4  }
0x1b8: {  	[tilespmem:$0x18490] =	vst v5  }
0x1b9: {  	v5 =	vld [tilespmem:s13+$0x30];
	_ =	sdelay $0x4  }
0x1ba: {  	[tilespmem:$0x18390] =	vst v5  }
0x1bb: {  	v5 =	vld [tilespmem:s22+$0x40];
	_ =	sdelay $0x4  }
0x1bc: {  	[tilespmem:$0x184A0] =	vst v5  }
0x1bd: {  	v5 =	vld [tilespmem:s13+$0x40];
	_ =	sdelay $0x4  }
0x1be: {  	[tilespmem:$0x183A0] =	vst v5  }
0x1bf: {  	v5 =	vld [tilespmem:s22+$0x50];
	_ =	sdelay $0x4  }
0x1c0: {  	[tilespmem:$0x184B0] =	vst v5  }
0x1c1: {  	v5 =	vld [tilespmem:s13+$0x50];
	_ =	sdelay $0x4  }
0x1c2: {  	[tilespmem:$0x183B0] =	vst v5  }
0x1c3: {  	_ =	swait.ge [sflag:s19], $0xC000  }
0x1c4: {  	[sflag:s19] =	ssyncset.done $0x0  }
0x1c5: {  	[sflag:s19] =	ssyncadd.s32 $0xFFFF4000  }
0x1c6: {  	v5 =	vld [tilespmem:$0x18480];
	_ =	sdelay $0x4  }
0x1c7: {  	v6 =	vshrl.u32 v5, $0x3  }
0x1c8: {  	v6 =	vmul.u32 $0x30, v6  }
0x1c9: {  	v5 =	vand.u32 $0x7, v5  }
0x1ca: {  	v5 =	vor.u32 v5, v6  }
0x1cb: {  	v6 =	vperm.xlane v5, v2;
	_ =	sdelay $0x1  }
0x1cc: {  	v6 =	vadd.s32 v3, v6;
	_ =	sdelay $0x3  }
0x1cd: {  	v5 =	vperm.xlane v5, v4  }
0x1ce: {  	[tilespmem:s3], [sflag:$0x1] =	stream.indirect_vreg.gather [hbm4b:s4+s3], $0x80, v6, vm0, $0xb8;
	[tilespmem:$0x18D80] =	vst v63  }
0x1cf: {  	s23 =	simm.s32 $0x800;
	v5 =	vadd.s32 v3, v5  }
0x1d0: {  	[tilespmem:s23], [sflag:$0x1] =	stream.indirect_vreg.gather [hbm4b:s6+s3], $0x80, v6, vm0, $0xb8;
	[tilespmem:$0x18D80] =	vst v63  }
0x1d1: {  	s24 =	simm.s32 $0x1000  }
0x1d2: {  	[tilespmem:s24], [sflag:$0x1] =	stream.indirect_vreg.gather [hbm4b:s7+s3], $0x80, v6, vm0, $0xb8;
	[tilespmem:$0x18D80] =	vst v63  }
0x1d3: {  	s24 =	simm.s32 $0x1800  }
0x1d4: {  	[tilespmem:s24], [sflag:$0x1] =	stream.indirect_vreg.gather [hbm4b:s4+s3], $0x80, v5, vm0, $0xb8;
	[tilespmem:$0x18D80] =	vst v63  }
0x1d5: {  	s24 =	simm.s32 $0x2000  }
0x1d6: {  	[tilespmem:s24], [sflag:$0x1] =	stream.indirect_vreg.gather [hbm4b:s6+s3], $0x80, v5, vm0, $0xb8;
	[tilespmem:$0x18D80] =	vst v63  }
0x1d7: {  	s24 =	simm.s32 $0x2800  }
0x1d8: {  	[tilespmem:s24], [sflag:$0x1] =	stream.indirect_vreg.gather [hbm4b:s7+s3], $0x80, v5, vm0, $0xb8;
	[tilespmem:$0x18D80] =	vst v63  }
0x1d9: {  	v5 =	vld [tilespmem:$0x18490];
	_ =	sdelay $0x4  }
0x1da: {  	v6 =	vshrl.u32 v5, $0x3  }
0x1db: {  	v6 =	vmul.u32 $0x30, v6  }
0x1dc: {  	v5 =	vand.u32 $0x7, v5  }
0x1dd: {  	v5 =	vor.u32 v5, v6  }
0x1de: {  	v6 =	vperm.xlane v5, v2;
	_ =	sdelay $0x1  }
0x1df: {  	v6 =	vadd.s32 v3, v6;
	_ =	sdelay $0x3  }
0x1e0: {  	s24 =	simm.s32 $0x3000;
	v5 =	vperm.xlane v5, v4  }
0x1e1: {  	[tilespmem:s24], [sflag:$0x1] =	stream.indirect_vreg.gather [hbm4b:s4+s3], $0x80, v6, vm0, $0xb8;
	[tilespmem:$0x18D80] =	vst v63  }
0x1e2: {  	v5 =	vadd.s32 v3, v5;
	s24 =	simm.s32 $0x3800  }
0x1e3: {  	[tilespmem:s24], [sflag:$0x1] =	stream.indirect_vreg.gather [hbm4b:s6+s3], $0x80, v6, vm0, $0xb8;
	[tilespmem:$0x18D80] =	vst v63  }
0x1e4: {  	s24 =	simm.s32 $0x4000  }
0x1e5: {  	[tilespmem:s24], [sflag:$0x1] =	stream.indirect_vreg.gather [hbm4b:s7+s3], $0x80, v6, vm0, $0xb8;
	[tilespmem:$0x18D80] =	vst v63  }
0x1e6: {  	s24 =	simm.s32 $0x4800  }
0x1e7: {  	[tilespmem:s24], [sflag:$0x1] =	stream.indirect_vreg.gather [hbm4b:s4+s3], $0x80, v5, vm0, $0xb8;
	[tilespmem:$0x18D80] =	vst v63  }
0x1e8: {  	s24 =	simm.s32 $0x5000  }
0x1e9: {  	[tilespmem:s24], [sflag:$0x1] =	stream.indirect_vreg.gather [hbm4b:s6+s3], $0x80, v5, vm0, $0xb8;
	[tilespmem:$0x18D80] =	vst v63  }
0x1ea: {  	s24 =	simm.s32 $0x5800  }
0x1eb: {  	[tilespmem:s24], [sflag:$0x1] =	stream.indirect_vreg.gather [hbm4b:s7+s3], $0x80, v5, vm0, $0xb8;
	[tilespmem:$0x18D80] =	vst v63  }
0x1ec: {  	v5 =	vld [tilespmem:$0x184A0];
	_ =	sdelay $0x4  }
0x1ed: {  	v6 =	vshrl.u32 v5, $0x3  }
0x1ee: {  	v6 =	vmul.u32 $0x30, v6  }
0x1ef: {  	v5 =	vand.u32 $0x7, v5  }
0x1f0: {  	v5 =	vor.u32 v5, v6  }
0x1f1: {  	v6 =	vperm.xlane v5, v2;
	_ =	sdelay $0x1  }
0x1f2: {  	v6 =	vadd.s32 v3, v6;
	_ =	sdelay $0x3  }
0x1f3: {  	s24 =	simm.s32 $0x6000;
	v5 =	vperm.xlane v5, v4  }
0x1f4: {  	[tilespmem:s24], [sflag:$0x1] =	stream.indirect_vreg.gather [hbm4b:s4+s3], $0x80, v6, vm0, $0xb8;
	[tilespmem:$0x18D80] =	vst v63  }
0x1f5: {  	v5 =	vadd.s32 v3, v5;
	s24 =	simm.s32 $0x6800  }
0x1f6: {  	[tilespmem:s24], [sflag:$0x1] =	stream.indirect_vreg.gather [hbm4b:s6+s3], $0x80, v6, vm0, $0xb8;
	[tilespmem:$0x18D80] =	vst v63  }
0x1f7: {  	s24 =	simm.s32 $0x7000  }
0x1f8: {  	[tilespmem:s24], [sflag:$0x1] =	stream.indirect_vreg.gather [hbm4b:s7+s3], $0x80, v6, vm0, $0xb8;
	[tilespmem:$0x18D80] =	vst v63  }
0x1f9: {  	s24 =	simm.s32 $0x7800  }
0x1fa: {  	[tilespmem:s24], [sflag:$0x1] =	stream.indirect_vreg.gather [hbm4b:s4+s3], $0x80, v5, vm0, $0xb8;
	[tilespmem:$0x18D80] =	vst v63  }
0x1fb: {  	s24 =	simm.s32 $0x8000  }
0x1fc: {  	[tilespmem:s24], [sflag:$0x1] =	stream.indirect_vreg.gather [hbm4b:s6+s3], $0x80, v5, vm0, $0xb8;
	[tilespmem:$0x18D80] =	vst v63  }
0x1fd: {  	s24 =	simm.s32 $0x8800  }
0x1fe: {  	[tilespmem:s24], [sflag:$0x1] =	stream.indirect_vreg.gather [hbm4b:s7+s3], $0x80, v5, vm0, $0xb8;
	[tilespmem:$0x18D80] =	vst v63  }
0x1ff: {  	v5 =	vld [tilespmem:$0x184B0];
	_ =	sdelay $0x4  }
0x200: {  	v6 =	vshrl.u32 v5, $0x3  }
0x201: {  	v6 =	vmul.u32 $0x30, v6  }
0x202: {  	v5 =	vand.u32 $0x7, v5  }
0x203: {  	v5 =	vor.u32 v5, v6  }
0x204: {  	v6 =	vperm.xlane v5, v2;
	_ =	sdelay $0x1  }
0x205: {  	v6 =	vadd.s32 v3, v6;
	_ =	sdelay $0x3  }
0x206: {  	s24 =	simm.s32 $0x9000;
	v5 =	vperm.xlane v5, v4  }
0x207: {  	[tilespmem:s24], [sflag:$0x1] =	stream.indirect_vreg.gather [hbm4b:s4+s3], $0x80, v6, vm0, $0xb8;
	[tilespmem:$0x18D80] =	vst v63  }
0x208: {  	v5 =	vadd.s32 v3, v5;
	s24 =	simm.s32 $0x9800  }
0x209: {  	[tilespmem:s24], [sflag:$0x1] =	stream.indirect_vreg.gather [hbm4b:s6+s3], $0x80, v6, vm0, $0xb8;
	[tilespmem:$0x18D80] =	vst v63  }
0x20a: {  	s24 =	simm.s32 $0xA000  }
0x20b: {  	[tilespmem:s24], [sflag:$0x1] =	stream.indirect_vreg.gather [hbm4b:s7+s3], $0x80, v6, vm0, $0xb8;
	[tilespmem:$0x18D80] =	vst v63  }
0x20c: {  	s24 =	simm.s32 $0xA800  }
0x20d: {  	[tilespmem:s24], [sflag:$0x1] =	stream.indirect_vreg.gather [hbm4b:s4+s3], $0x80, v5, vm0, $0xb8;
	[tilespmem:$0x18D80] =	vst v63  }
.Ltmp12:
0x20e: {  	_ = 	snop;
	(pc) =	sbr.rel .LBB2_16-.Ltmp12, $4  }
0x20f: {  	s24 =	simm.s32 $0xB000  }
0x210: {  	[tilespmem:s24], [sflag:$0x1] =	stream.indirect_vreg.gather [hbm4b:s6+s3], $0x80, v5, vm0, $0xb8;
	[tilespmem:$0x18D80] =	vst v63  }
0x211: {  	s24 =	simm.s32 $0xB800  }
0x212: {  	[tilespmem:s24], [sflag:$0x1] =	stream.indirect_vreg.gather [hbm4b:s7+s3], $0x80, v5, vm0, $0xb8;
	[tilespmem:$0x18D80] =	vst v63  }
.LBB2_18:
0x213: {  	s10 =	sshrl.u32 s20, $0x1F  }
0x214: {  	s10 =	sadd.s32 s10, s20  }
0x215: {  	s10 =	sand.u32 $0xFFFFFFFE, s10  }
0x216: {  	s10 =	ssub.s32 s20, s10  }
0x217: {  	p1 =	seq.s32 s10, $0x0  }
0x218: {  	p1 =	por !p0, !p1  }
0x219: {  	p1 =	por !p1, !p1  }
0x21a: {  	p2 =	sne.s32 @!p1 s10, $0x1;
	p0 =	por @!p1 !p0, !p0  }
0x21b: {  	p0 =	por @!p1 p0, p2  }
0x21c: {  	p0 =	por p1, !p0  }
.Ltmp13:
0x21d: {  	_ = 	snop;
	(pc) =	sbr.rel @!p0 .LBB2_20-.Ltmp13, $2  }
0x21e: {  	_ =	sdelay $0x2  }
0x21f: {  	s13 =	rddreg [dreg:$0x6]  }
.Ltmp14:
0x220: {  	s10 =	simm.s32 @!p1 $0x4;
	(pc) =	sbr.rel .LBB2_20-.Ltmp14, $4  }
0x221: {  	s10 =	simm.s32 @p1 $0x3  }
0x222: {  	_ =	swait.ge [sflag:s10], $0xC000  }
0x223: {  	[sflag:s10] =	ssyncset.done $0x0  }
0x224: {  	[sflag:s10] =	ssyncadd.s32 $0xFFFF4000  }
.LBB2_21:
0x225: {  	_ =	sfence.sel $0x180000  }
0x226: {  	[bflag:$0x0] =	sbarrier.arrive $0xFFFF  }
0x227: {  	_ =	strace $0x9000004D  }
0x228: {  	s0 =	stileid.u32;
	[bflag:$0x2] =	sbarrier.arrive $0xFFFF  }
0x229: {  	p0 =	sne.s32 s0, $0x0;
	s0 =	rddreg [dreg:$0x2]  }
0x22a: {  	s0 =	sadd.s32 @!p0 $0x100000, s0  }
0x22b: {  	[sflag:s0] =	ssyncadd.tile.s32 @!p0 $0x1;
	_ =	shalt  }
.Lfunc_end2:
_tile_overlayer_lowered:
.L_overlay_start_2:
0x22c: {  	(tag) =	ssettag $0x2  }
0x22d: {  	s0 =	rddreg [dreg:$0x0];
	s2 =	stileid.u32  }
0x22e: {  	s1 =	rddreg [dreg:$0x1];
	p0 =	sne.s32 s2, $0x0  }
0x22f: {  	s3 =	rddreg [dreg:$0x2];
	[bflag:$0x3] =	sbarrier.arrive $0xFFFF;
	s2 =	simm.s32 @!p0 $0x1C05  }
0x230: {  	[timem:s3], [sflag:s2] =	dma.local @!p0 [hbm:s0], s1  }
0x231: {  	s0 =	simm.s32 @!p0 $0x5  }
0x232: {  	_ =	swait.ge @!p0 [sflag:s0], s1  }
0x233: {  	s1 =	ssub.s32 @!p0 $0x0, s1;
	[sflag:s0] =	ssyncset.done @!p0 $0x0  }
0x234: {  	[sflag:s0] =	ssyncadd.s32 @!p0 s1  }
0x235: {  	[bflag:$0x3] =	sbarrier.arrive $0xFFFF  }
0x236: {  	_ =	shalt  }

// kernel: kernel.6.cloned.1.call-start
scs
__scs_entry_jumppad:
0x0: {  	(pc) =	sbr.rel $0x88, $3  }
0x1: {  	(tag) =	ssettag $0x0;
	lr =	simm.s32 $0x1  }
0x2: {  	[smem:$0x3F9D] =	sst lr;
	_ =	strace $0xD0000000  }
0x3: {  	_ = 	snop  }
0x4: {  	_ = 	snop  }
0x5: {  	_ = 	snop  }
0x6: {  	_ = 	snop  }
0x7: {  	_ = 	snop  }
__scs_overlays_trampoline_lowered:
0x8: {  	[smem:$0x3FAC] =	sst s0  }
0x9: {  	[smem:$0x3FAD] =	sst s1  }
0xa: {  	[smem:$0x3FAE] =	sst s2  }
0xb: {  	[smem:$0x3FAF] =	sst s3  }
0xc: {  	[smem:$0x3FB0] =	sst s4  }
0xd: {  	[smem:$0x3FB1] =	sst s5  }
0xe: {  	[smem:$0x3FB2] =	sst s6  }
0xf: {  	[smem:$0x3FB3] =	sst s7  }
0x10: {  	[smem:$0x3FB4] =	sst s8  }
0x11: {  	[smem:$0x3FB5] =	sst s9;
	s0 =	simm.s32 @!p0 $0x0  }
0x12: {  	s1 =	sld [smem:$0x3F9B];
	s0 =	simm.s32 @p0 $0x1  }
0x13: {  	[smem:$0x3FB6] =	sst s0;
	s0 =	simm.s32 @!p1 $0x0  }
0x14: {  	s2 =	sld [smem:$0x3F9A];
	s0 =	simm.s32 @p1 $0x1  }
0x15: {  	[smem:$0x3FB7] =	sst s0;
	s0 =	simm.s32 @!p2 $0x0  }
0x16: {  	s3 =	sld [smem:$0x3FDB];
	s0 =	simm.s32 @p2 $0x1  }
0x17: {  	s4 =	simm.s32 $0x1BF5;
	[smem:$0x3FB9] =	sst s0  }
0x18: {  	s0 =	sld [smem:$0x3F9C];
	_ =	swait.ge [sflag:s4], $0x0  }
0x19: {  	s7 =	sld [smem:$0x3F9D]  }
0x1a: {  	s8 =	sadd.s32 $0xFFFFE003, lr  }
0x1b: {  	s9 =	sadd.s32 $0xFFFFFEF7, lr;
	s5 =	simm.s32 $0xFFFFFFFF;
	p2 =	slt.u32 s8, $0xFFFFF086  }
0x1c: {  	p1 =	slt.u32 s9, $0xF7A;
	s5 =	simm.s32 @!p2 $0x0  }
0x1d: {  	s5 =	simm.s32 @p1 $0x1;
	p0 =	seq.s32 s7, s2  }
0x1e: {  	s7 =	smul.u32 @!p0 $0xF7A, s2;
	p2 =	seq.s32 @!p0 s5, $0x0  }
0x1f: {  	s9 =	smul.u32 $0xF7A, s1;
	s8 =	simm.s32 @!p0 $0x1BF5;
	p2 =	por !p2, p0  }
0x20: {  	[sflag:s8] =	ssyncset.s32 @!p0 $0xFFFFF086;
	s6 =	sadd.s32 @!p0 s3, s7;
	s7 =	simm.s32 @!p0 $0x108  }
0x21: {  	s3 =	sadd.s32 s3, s9;
	s6 =	sadd.s32 @!p0 $0x88, s6;
	s7 =	simm.s32 @p2 $0x1082  }
0x22: {  	[simem:s7], [sflag:s8] =	dma.local @!p0 [hbm:s6], $0xF7A  }
0x23: {  	s9 =	sor.u32 $0xD0000000, s2;
	s6 =	simm.s32 $0x108;
	_ =	swait.ge @!p0 [sflag:s8], $0x0  }
0x24: {  	s3 =	sadd.s32 $0x88, s3;
	s6 =	simm.s32 @!p1 $0x1082;
	[sflag:s4] =	ssyncset.s32 $0xFFFFF086  }
0x25: {  	[simem:s6], [sflag:s4] =	dma.local [hbm:s3], $0xF7A  }
0x26: {  	[smem:$0x3F9D] =	sst s1;
	(tag) =	ssettag s2;
	_ =	strace s9  }
0x27: {  	s1 =	sld [smem:$0x3FAD]  }
0x28: {  	s2 =	sld [smem:$0x3FAE]  }
0x29: {  	s4 =	sld [smem:$0x3FB0]  }
0x2a: {  	p0 =	seq.s32 s5, $0x0;
	s5 =	sld [smem:$0x3FB1]  }
0x2b: {  	s6 =	sld [smem:$0x3FB2]  }
0x2c: {  	s7 =	sld [smem:$0x3FB3]  }
0x2d: {  	s3 =	simm.s32 $0x108;
	s8 =	sld [smem:$0x3FB4]  }
0x2e: {  	s3 =	simm.s32 @!p0 $0x1082;
	s9 =	sld [smem:$0x3FB5]  }
0x2f: {  	lr =	sadd.s32 s0, s3;
	s0 =	sld [smem:$0x3FAC]  }
0x30: {  	s3 =	sld [smem:$0x3FAF]  }
0x31: {  	[smem:$0x3FB8] =	sst s10  }
0x32: {  	s10 =	sld [smem:$0x3FB6];
	_ =	sdelay $0x3  }
0x33: {  	p0 =	seq.s32 s10, $0x1;
	s10 =	sld [smem:$0x3FB8];
	_ =	sdelay $0x3  }
0x34: {  	[smem:$0x3FB8] =	sst s10  }
0x35: {  	s10 =	sld [smem:$0x3FB7];
	_ =	sdelay $0x3  }
0x36: {  	p1 =	seq.s32 s10, $0x1;
	s10 =	sld [smem:$0x3FB8];
	_ =	sdelay $0x3  }
0x37: {  	[smem:$0x3FB8] =	sst s10  }
0x38: {  	s10 =	sld [smem:$0x3FB9]  }
0x39: {  	_ = 	snop;
	(pc) =	sbr.ind lr, $3  }
0x3a: {  	_ = 	snop  }
0x3b: {  	_ = 	snop  }
0x3c: {  	p2 =	seq.s32 s10, $0x1;
	s10 =	sld [smem:$0x3FB8]  }
0x3d: {  	_ =	shalt  }
0x3e: {  	_ =	shalt  }
0x3f: {  	_ =	shalt  }
0x40: {  	_ =	shalt  }
0x41: {  	_ =	shalt  }
0x42: {  	_ =	shalt  }
0x43: {  	_ =	shalt  }
0x44: {  	_ =	shalt  }
0x45: {  	_ =	shalt  }
0x46: {  	_ =	shalt  }
0x47: {  	_ =	shalt  }
0x48: {  	_ =	shalt  }
0x49: {  	_ =	shalt  }
0x4a: {  	_ =	shalt  }
0x4b: {  	_ =	shalt  }
0x4c: {  	_ =	shalt  }
0x4d: {  	_ =	shalt  }
0x4e: {  	_ =	shalt  }
0x4f: {  	_ =	shalt  }
0x50: {  	_ =	shalt  }
0x51: {  	_ =	shalt  }
0x52: {  	_ =	shalt  }
0x53: {  	_ =	shalt  }
0x54: {  	_ =	shalt  }
0x55: {  	_ =	shalt  }
0x56: {  	_ =	shalt  }
0x57: {  	_ =	shalt  }
0x58: {  	_ =	shalt  }
0x59: {  	_ =	shalt  }
0x5a: {  	_ =	shalt  }
0x5b: {  	_ =	shalt  }
0x5c: {  	_ =	shalt  }
0x5d: {  	_ =	shalt  }
0x5e: {  	_ =	shalt  }
0x5f: {  	_ =	shalt  }
0x60: {  	_ =	shalt  }
0x61: {  	_ =	shalt  }
0x62: {  	_ =	shalt  }
0x63: {  	_ =	shalt  }
0x64: {  	_ =	shalt  }
0x65: {  	_ =	shalt  }
0x66: {  	_ =	shalt  }
0x67: {  	_ =	shalt  }
0x68: {  	_ =	shalt  }
0x69: {  	_ =	shalt  }
0x6a: {  	_ =	shalt  }
0x6b: {  	_ =	shalt  }
0x6c: {  	_ =	shalt  }
0x6d: {  	_ =	shalt  }
0x6e: {  	_ =	shalt  }
0x6f: {  	_ =	shalt  }
0x70: {  	_ =	shalt  }
0x71: {  	_ =	shalt  }
0x72: {  	_ =	shalt  }
0x73: {  	_ =	shalt  }
0x74: {  	_ =	shalt  }
0x75: {  	_ =	shalt  }
0x76: {  	_ =	shalt  }
0x77: {  	_ =	shalt  }
0x78: {  	_ =	shalt  }
0x79: {  	_ =	shalt  }
0x7a: {  	_ =	shalt  }
0x7b: {  	_ =	shalt  }
0x7c: {  	_ =	shalt  }
0x7d: {  	_ =	shalt  }
0x7e: {  	_ =	shalt  }
0x7f: {  	_ =	shalt  }
0x80: {  	_ =	shalt  }
0x81: {  	_ =	shalt  }
0x82: {  	_ =	shalt  }
0x83: {  	_ =	shalt  }
0x84: {  	_ =	shalt  }
0x85: {  	_ =	shalt  }
0x86: {  	_ =	shalt  }
0x87: {  	_ =	shalt  }
.Lfunc_end0:
.L_simem_size_0:
called_computation_lowered:
.L_overlay_start_0:
0x88: {  	s2 =	sld [smem:$0x3FD9]  }
0x89: {  	s3 =	sld [smem:$0x3FFE];
	_ =	sdelay $0x1  }
0x8a: {  	s1 =	srdreg.scid  }
0x8b: {  	s0 =	sand.u32 $0x1, s1  }
0x8c: {  	s17 =	sshll.u32 s0, $0xA;
	s2 =	sadd.s32 s3, s2  }
0x8d: {  	s2 =	sadd.s32 s2, s17  }
0x8e: {  	[smem:$0x3FC4] =	sst s2  }
0x8f: {  	_ = 	snop  }
0x90: {  	s2 =	sld [smem:$0x3FC9]  }
0x91: {  	s18 =	sld [smem:$0x3FC8]  }
0x92: {  	s4 =	sld [smem:$0x3FC7];
	(tm) =	ssettm $0x1  }
0x93: {  	s5 =	sld [smem:$0x3FFB];
	_ =	sdelay $0x3  }
0x94: {  	_ =	strace s5  }
0x95: {  	s5 =	sld [smem:$0x3FFC];
	_ =	sdelay $0x3  }
0x96: {  	_ =	strace s5  }
0x97: {  	s5 =	sld [smem:$0x3FFD];
	_ =	sdelay $0x3  }
0x98: {  	_ =	strace s5  }
0x99: {  	_ =	strace $0x8FFFFFFF  }
0x9a: {  	s19 =	sld [smem:$0x3FDB];
	_ =	sdelay $0x1  }
0x9b: {  	s6 =	simm.s32 $_scs_section_size  }
0x9c: {  	s7 =	simm.s32 $_size__tile_overlayer_lowered;
	s8 =	simm.s32 $_tile_overlayer_lowered  }
0x9d: {  	s22 =	simm.s32 $0x1BFF;
	s21 =	sshll.u32 s8, $0x1;
	s5 =	sadd.s32 s6, s19  }
0x9e: {  	s9 =	simm.s32 $0x0;
	s20 =	sshll.u32 s7, $0x1;
	s7 =	sadd.s32 s21, s5  }
0x9f: {  	[timem:s9], [sflag:s22] =	dma.local [hbm:s7], s20  }
0xa0: {  	_ =	swait.ge [sflag:s22], s20  }
0xa1: {  	s6 =	ssub.s32 $0x0, s20;
	[sflag:s22] =	ssyncset.done $0x0  }
0xa2: {  	[sflag:s22] =	ssyncadd.s32 s6;
	_ =	sdelay $0x1  }
0xa3: {  	s23 =	simm.s32 $0x1B8B  }
0xa4: {  	_ =	swait.ge [sflag:s23], $0x1  }
0xa5: {  	[sflag:s23] =	ssyncset.done $0x0  }
0xa6: {  	s25 =	simm.s32 $0x1B8E;
	s24 =	sld [smem:$0x3FFE];
	[sflag:s23] =	ssyncadd.s32 $0xFFFFFFFF  }
0xa7: {  	s26 =	simm.s32 $execute0_lowered;
	[smem:$0x3FD2] =	sst s25  }
0xa8: {  	s7 =	sshll.u32 s26, $0x1;
	_ =	strace $0x80000046;
	[dreg:$0x1] =	wrdreg $0xFFFFFFFF  }
0xa9: {  	s28 =	simm.s32 $_size_execute0_lowered;
	s5 =	sadd.s32 s5, s7;
	[dreg:$0x0] =	wrdreg $0x0  }
0xaa: {  	s7 =	sshll.u32 s28, $0x1;
	[dreg:$0x2] =	wrdreg s5  }
0xab: {  	[dreg:$0x3] =	wrdreg s7  }
0xac: {  	[dreg:$0x4] =	wrdreg $0xC0  }
0xad: {  	_ =	task [dreg:s9], $0x5FFFF  }
0xae: {  	[dreg:$0x1] =	wrdreg $0xFFFFFFFF  }
0xaf: {  	[dreg:$0x0] =	wrdreg $0x60  }
0xb0: {  	[dreg:$0x2] =	wrdreg s2  }
0xb1: {  	[dreg:$0x3] =	wrdreg s4  }
0xb2: {  	[dreg:$0x4] =	wrdreg s18  }
0xb3: {  	[dreg:$0x5] =	wrdreg s24  }
0xb4: {  	[dreg:$0x6] =	wrdreg $0x1E5000  }
0xb5: {  	[dreg:$0x7] =	wrdreg $0x1ED000  }
0xb6: {  	[dreg:$0x8] =	wrdreg $0x9  }
0xb7: {  	_ =	task.clear_ibuf [dreg:s9], $0x9FFFF;
	_ =	strace $0x90000046  }
0xb8: {  	s29 =	simm.s32 $0x9;
	_ =	strace $0x80000048  }
0xb9: {  	_ =	swait.ge [sflag:s29], $0x1  }
0xba: {  	[sflag:s29] =	ssyncadd.s32 $0xFFFFFFFF  }
0xbb: {  	_ =	strace $0x90000048  }
0xbc: {  	_ =	sfence  }
0xbd: {  	s30 =	sld [smem:$0x0];
	_ =	sdelay $0x2  }
0xbe: {  	s31 =	sshll.u32 s1, $0xD;
	s1 =	sshrl.u32 s1, $0x2  }
0xbf: {  	s3 =	sand.u32 $0x4000, s31;
	s1 =	sadd.s32 s1, s30  }
0xc0: {  	s0 =	sor.u32 s3, s0;
	s1 =	sshll.u32 s1, $0x11  }
0xc1: {  	s0 =	sor.u32 s1, s0  }
0xc2: {  	s0 =	sadd.s32 $0x8F2B, s0  }
0xc3: {  	[sflag:s0] =	ssyncadd.remote.s32 $0x1  }
0xc4: {  	_ =	sfence.sel $0xFFFF  }
0xc5: {  	[dreg:$0x0] =	wrdreg $0xFFFFFFFF;
	(pc) =	sbr.abs _section_cstart, $3  }
0xc6: {  	[dreg:$0x1] =	wrdreg $0xFFFFFFFF  }
0xc7: {  	_ =	task.clear_ibuf [dreg:s9], $0x2FFFF;
	_ =	strace $0x9FFFFFFF  }
0xc8: {  	(tm) =	ssettm $0x7FFFFFFF  }
0xc9: {  	_ =	shalt  }
tec
execute0_lowered:
.L_overlay_start_1:
0x0: {  	(tag) =	ssettag $0x1  }
0x1: {  	s1 =	rddreg [dreg:$0x0]  }
0x2: {  	s0 =	rddreg [dreg:$0x2]  }
0x3: {  	s2 =	rddreg [dreg:$0x3]  }
0x4: {  	s16 =	rddreg [dreg:$0x4]  }
0x5: {  	s17 =	rddreg [dreg:$0x5];
	s6 =	simm.s32 $0x0  }
0x6: {  	s3 =	srdreg.scid;
	s8 =	stileid.u32;
	s29 =	simm.s32 $0x3  }
0x7: {  	s30 =	simm.s32 $0x2;
	s31 =	simm.s32 $0x4;
	[smem:$0x7FF] =	sst s6  }
0x8: {  	s3 =	sand.u32 $0x1, s3;
	s4 =	sshll.u32 s8, $0x1;
	s5 =	sadd.s32 $0x1800, s2  }
0x9: {  	s11 =	sadd.s32 $0x61800, s2;
	s23 =	sshll.u32 s8, $0xB;
	s8 =	sadd.s32 $0x100, s1  }
0xa: {  	s9 =	sadd.s32 $0x200, s1;
	_ =	strace $0x80000047;
	s4 =	sor.u32 s3, s4  }
0xb: {  	s3 =	ssub.s32 $0x2, s3;
	s28 =	sadd.s32 $0x800, s23;
	s21 =	sadd.s32 s23, s16  }
0xc: {  	s22 =	sadd.s32 s23, s17;
	s16 =	simm.s32 $0x1B900;
	s17 =	simm.s32 $0x1C100  }
0xd: {  	v0 =	vmov s23;
	s23 =	simm.s32 $0x1000;
	s7 =	sshll.u32 s4, $0x4;
	s10 =	smul.u32 $0x70, s4  }
0xe: {  	s24 =	sshrl.u32 s3, $0x1;
	s13 =	smul.u32 $0x3000, s4;
	[dreg:$0xf] =	wrdreg s21  }
0xf: {  	[dreg:$0x11] =	wrdreg s22;
	s22 =	simm.s32 $0x18900;
	v2 =	vmov s28;
	s28 =	simm.s32 $0x1  }
0x10: {  	s12 =	sadd.s32 s7, s2;
	s3 =	ssub.s32 s3, s24;
	s7 =	sshll.u32 s4, $0x7  }
0x11: {  	s4 =	smul.u32 $0x18000, s4;
	s2 =	sadd.s32 s10, s2;
	s14 =	sadd.s32 s5, s13  }
0x12: {  	s25 =	sor.u32 $0xC00, s13;
	s0 =	sadd.s32 s0, s10;
	s24 =	sadd.s32 $0x1600, s12  }
0x13: {  	s10 =	simm.s32 $0x12900;
	s12 =	simm.s32 $0x19100;
	[dreg:$0x7] =	wrdreg s14  }
0x14: {  	s4 =	sshrl.u32 s4, $0x3;
	s15 =	sadd.s32 s5, s25;
	[dreg:$0x10] =	wrdreg s0  }
0x15: {  	s19 =	sadd.s32 s11, s25;
	[dreg:$0x12] =	wrdreg s24;
	s25 =	sadd.s32 $0xC1800, s2  }
0x16: {  	s24 =	simm.s32 $0x5;
	s14 =	simm.s32 $0x1A900;
	[dreg:$0x8] =	wrdreg s15  }
0x17: {  	s0 =	simm.s32 $0x2000;
	s26 =	sadd.s32 $0x1800, s4;
	[dreg:$0xc] =	wrdreg s19  }
0x18: {  	s4 =	sadd.s32 $0x2400, s4;
	[dreg:$0x13] =	wrdreg s25;
	s18 =	sadd.s32 s5, s26  }
0x19: {  	s2 =	simm.s32 $0x0;
	s5 =	sadd.s32 s5, s4;
	[dreg:$0x9] =	wrdreg s18  }
0x1a: {  	s25 =	simm.s32 $0x12100;
	s20 =	sadd.s32 s11, s26;
	[dreg:$0xa] =	wrdreg s5  }
0x1b: {  	s15 =	simm.s32 $0x1B100;
	s4 =	sadd.s32 s11, s4;
	[dreg:$0xd] =	wrdreg s20  }
0x1c: {  	s19 =	simm.s32 $0x1D100;
	s26 =	smax.u32 s3, $0x1;
	[dreg:$0xe] =	wrdreg s4  }
0x1d: {  	v1 =	vlaneseq.u32;
	vm0 =	vmmov $0xffff;
	v6 =	vimm.s32 $0x1000;
	s18 =	sadd.s32 s11, s13;
	[dreg:$0x14] =	wrdreg s26;
	s11 =	simm.s32 $0x18100  }
0x1e: {  	v7 =	vimm.s32 $0x0;
	v8 =	vimm.s32 $0x1;
	v4 =	vshrl.u32 v1, $0x3;
	s4 =	simm.s32 $0x19900;
	s13 =	simm.s32 $0x1A100;
	s20 =	simm.s32 $0x1D900  }
0x1f: {  	v3 =	vand.u32 $0x7, v1;
	v5 =	vor.u32 $0x8, v1;
	v4 =	vmul.u32 $0x8, v4;
	s26 =	simm.s32 $0x1800;
	[dreg:$0xb] =	wrdreg s18;
	s18 =	simm.s32 $0x1C900  }
.LBB2_1:
0x20: {  	s3 =	rddreg [dreg:$0x1]  }
0x21: {  	[tilespmem:s6], [sflag:$0x5] =	stream.linear.gather [hbm4b:s3+s6], $0x1000, $0x38;
	[tilespmem:$0x1F500] =	vst v63  }
0x22: {  	_ =	swait.ge [sflag:s24], $0x1000  }
0x23: {  	[sflag:s24] =	ssyncset.done $0x0  }
0x24: {  	[sflag:s24] =	ssyncadd.s32 $0xFFFFF000  }
0x25: {  	v9 =	vld [tilespmem:s7+$0x0];
	_ =	sdelay $0x4  }
0x26: {  	v10 =	vshrl.u32 v9, $0x3  }
0x27: {  	v10 =	vmul.u32 $0x30, v10  }
0x28: {  	v11 =	vand.u32 $0x7, v9  }
0x29: {  	v10 =	vor.u32 v11, v10  }
0x2a: {  	[tilespmem:$0x12000] =	vst v9;
	v9 =	vperm.xlane v10, v3  }
0x2b: {  	v11 =	vld [tilespmem:s7+$0x10]  }
0x2c: {  	v9 =	vadd.s32 v4, v9;
	_ =	sdelay $0x3  }
0x2d: {  	v10 =	vperm.xlane v10, v5;
	[tilespmem:$0x12010] =	vst v11  }
0x2e: {  	[tilespmem:s25], [sflag:$0x1] =	stream.indirect_vreg.gather [hbm4b:s1+s6], $0x80, v9, vm0, $0xb8;
	[tilespmem:$0x1F500] =	vst v63  }
0x2f: {  	v10 =	vadd.s32 v4, v10  }
0x30: {  	[tilespmem:s10], [sflag:$0x1] =	stream.indirect_vreg.gather [hbm4b:s8+s6], $0x80, v9, vm0, $0xb8;
	[tilespmem:$0x1F500] =	vst v63  }
0x31: {  	s21 =	simm.s32 $0x13100  }
0x32: {  	[tilespmem:s21], [sflag:$0x1] =	stream.indirect_vreg.gather [hbm4b:s9+s6], $0x80, v9, vm0, $0xb8;
	[tilespmem:$0x1F500] =	vst v63  }
0x33: {  	s5 =	simm.s32 $0x13900  }
0x34: {  	[tilespmem:s5], [sflag:$0x1] =	stream.indirect_vreg.gather [hbm4b:s1+s6], $0x80, v10, vm0, $0xb8;
	[tilespmem:$0x1F500] =	vst v63  }
0x35: {  	s10 =	simm.s32 $0x14100  }
0x36: {  	[tilespmem:s10], [sflag:$0x1] =	stream.indirect_vreg.gather [hbm4b:s8+s6], $0x80, v10, vm0, $0xb8;
	[tilespmem:$0x1F500] =	vst v63  }
0x37: {  	s21 =	simm.s32 $0x14900  }
0x38: {  	[tilespmem:s21], [sflag:$0x1] =	stream.indirect_vreg.gather [hbm4b:s9+s6], $0x80, v10, vm0, $0xb8;
	[tilespmem:$0x1F500] =	vst v63  }
0x39: {  	v9 =	vld [tilespmem:$0x12010];
	_ =	sdelay $0x4  }
0x3a: {  	v10 =	vshrl.u32 v9, $0x3  }
0x3b: {  	v10 =	vmul.u32 $0x30, v10  }
0x3c: {  	v9 =	vand.u32 $0x7, v9  }
0x3d: {  	v9 =	vor.u32 v9, v10  }
0x3e: {  	v10 =	vperm.xlane v9, v3;
	_ =	sdelay $0x1  }
0x3f: {  	v10 =	vadd.s32 v4, v10;
	_ =	sdelay $0x3  }
0x40: {  	s5 =	simm.s32 $0x15100;
	v9 =	vperm.xlane v9, v5  }
0x41: {  	[tilespmem:s5], [sflag:$0x1] =	stream.indirect_vreg.gather [hbm4b:s1+s6], $0x80, v10, vm0, $0xb8;
	[tilespmem:$0x1F500] =	vst v63  }
0x42: {  	s10 =	simm.s32 $0x15900;
	v9 =	vadd.s32 v4, v9  }
0x43: {  	[tilespmem:s10], [sflag:$0x1] =	stream.indirect_vreg.gather [hbm4b:s8+s6], $0x80, v10, vm0, $0xb8;
	[tilespmem:$0x1F500] =	vst v63  }
0x44: {  	s21 =	simm.s32 $0x16100  }
0x45: {  	[tilespmem:s21], [sflag:$0x1] =	stream.indirect_vreg.gather [hbm4b:s9+s6], $0x80, v10, vm0, $0xb8;
	[tilespmem:$0x1F500] =	vst v63  }
0x46: {  	s5 =	simm.s32 $0x16900  }
0x47: {  	[tilespmem:s5], [sflag:$0x1] =	stream.indirect_vreg.gather [hbm4b:s1+s6], $0x80, v9, vm0, $0xb8;
	[tilespmem:$0x1F500] =	vst v63  }
0x48: {  	s10 =	simm.s32 $0x17100  }
0x49: {  	[tilespmem:s10], [sflag:$0x1] =	stream.indirect_vreg.gather [hbm4b:s8+s6], $0x80, v9, vm0, $0xb8;
	[tilespmem:$0x1F500] =	vst v63  }
0x4a: {  	s21 =	simm.s32 $0x17900  }
0x4b: {  	[tilespmem:s21], [sflag:$0x1] =	stream.indirect_vreg.gather [hbm4b:s9+s6], $0x80, v9, vm0, $0xb8;
	[tilespmem:$0x1F500] =	vst v63  }
0x4c: {  	v9 =	vld [tilespmem:s7+$0x20];
	_ =	sdelay $0x4  }
0x4d: {  	v10 =	vshrl.u32 v9, $0x3  }
0x4e: {  	v10 =	vmul.u32 $0x30, v10  }
0x4f: {  	v11 =	vand.u32 $0x7, v9  }
0x50: {  	v10 =	vor.u32 v11, v10  }
0x51: {  	[tilespmem:$0x12080] =	vst v9;
	v9 =	vperm.xlane v10, v3  }
0x52: {  	v11 =	vld [tilespmem:s7+$0x30]  }
0x53: {  	v9 =	vadd.s32 v4, v9;
	_ =	sdelay $0x3  }
0x54: {  	v10 =	vperm.xlane v10, v5;
	[tilespmem:$0x12090] =	vst v11  }
0x55: {  	[tilespmem:s11], [sflag:$0x2] =	stream.indirect_vreg.gather [hbm4b:s1+s6], $0x80, v9, vm0, $0xb8;
	[tilespmem:$0x1F500] =	vst v63  }
0x56: {  	v10 =	vadd.s32 v4, v10  }
0x57: {  	[tilespmem:s22], [sflag:$0x2] =	stream.indirect_vreg.gather [hbm4b:s8+s6], $0x80, v9, vm0, $0xb8;
	[tilespmem:$0x1F500] =	vst v63  }
0x58: {  	_ = 	snop  }
0x59: {  	[tilespmem:s12], [sflag:$0x2] =	stream.indirect_vreg.gather [hbm4b:s9+s6], $0x80, v9, vm0, $0xb8;
	[tilespmem:$0x1F500] =	vst v63  }
0x5a: {  	_ = 	snop  }
0x5b: {  	[tilespmem:s4], [sflag:$0x2] =	stream.indirect_vreg.gather [hbm4b:s1+s6], $0x80, v10, vm0, $0xb8;
	[tilespmem:$0x1F500] =	vst v63  }
0x5c: {  	_ = 	snop  }
0x5d: {  	[tilespmem:s13], [sflag:$0x2] =	stream.indirect_vreg.gather [hbm4b:s8+s6], $0x80, v10, vm0, $0xb8;
	[tilespmem:$0x1F500] =	vst v63  }
0x5e: {  	_ = 	snop  }
0x5f: {  	[tilespmem:s14], [sflag:$0x2] =	stream.indirect_vreg.gather [hbm4b:s9+s6], $0x80, v10, vm0, $0xb8;
	[tilespmem:$0x1F500] =	vst v63  }
0x60: {  	v9 =	vld [tilespmem:$0x12090];
	_ =	sdelay $0x4  }
0x61: {  	v10 =	vshrl.u32 v9, $0x3  }
0x62: {  	v10 =	vmul.u32 $0x30, v10  }
0x63: {  	v9 =	vand.u32 $0x7, v9  }
0x64: {  	v9 =	vor.u32 v9, v10  }
0x65: {  	v10 =	vperm.xlane v9, v3;
	_ =	sdelay $0x1  }
0x66: {  	v10 =	vadd.s32 v4, v10;
	_ =	sdelay $0x3  }
0x67: {  	v9 =	vperm.xlane v9, v5  }
0x68: {  	[tilespmem:s15], [sflag:$0x2] =	stream.indirect_vreg.gather [hbm4b:s1+s6], $0x80, v10, vm0, $0xb8;
	[tilespmem:$0x1F500] =	vst v63  }
0x69: {  	v9 =	vadd.s32 v4, v9  }
0x6a: {  	[tilespmem:s16], [sflag:$0x2] =	stream.indirect_vreg.gather [hbm4b:s8+s6], $0x80, v10, vm0, $0xb8;
	[tilespmem:$0x1F500] =	vst v63  }
0x6b: {  	_ = 	snop  }
0x6c: {  	[tilespmem:s17], [sflag:$0x2] =	stream.indirect_vreg.gather [hbm4b:s9+s6], $0x80, v10, vm0, $0xb8;
	[tilespmem:$0x1F500] =	vst v63  }
0x6d: {  	_ = 	snop  }
0x6e: {  	[tilespmem:s18], [sflag:$0x2] =	stream.indirect_vreg.gather [hbm4b:s1+s6], $0x80, v9, vm0, $0xb8;
	[tilespmem:$0x1F500] =	vst v63  }
0x6f: {  	_ = 	snop  }
0x70: {  	[tilespmem:s19], [sflag:$0x2] =	stream.indirect_vreg.gather [hbm4b:s8+s6], $0x80, v9, vm0, $0xb8;
	[tilespmem:$0x1F500] =	vst v63  }
0x71: {  	s3 =	simm.s32 $0x0  }
0x72: {  	[tilespmem:s20], [sflag:$0x2] =	stream.indirect_vreg.gather [hbm4b:s9+s6], $0x80, v9, vm0, $0xb8;
	[tilespmem:$0x1F500] =	vst v63  }
.LBB2_2:
0x73: {  	p0 =	sne.s32 s3, $0x1FC0  }
.Ltmp0:
0x74: {  	_ = 	snop;
	(pc) =	sbr.rel @p0 .LBB2_2-.Ltmp0, $4  }
0x75: {  	_ = 	snop  }
0x76: {  	s5 =	sshra.s32 s3, $0x2  }
0x77: {  	[tilespmem:s5+$0x1000] =	vst v6  }
0x78: {  	s3 =	sadd.s32 $0x40, s3;
	[tilespmem:s5+$0x1800] =	vst v7  }
0x79: {  	s3 =	simm.s32 $0x0  }
0x7a: {  	v9 =	vld [tilespmem:s3+$0x0]  }
0x7b: {  	s5 =	simm.s32 $0x10;
	s10 =	simm.s32 $0x0  }
.LBB2_4:
0x7c: {  	p0 =	sne.s32 s5, $0xFF0;
	_ =	sdelay $0x2  }
0x7d: {  	v9 =	vadd.s32 $0x1, v9  }
0x7e: {  	vm1 =	vge.s32 v9, v0;
	vm2 =	vlt.s32 v9, v2  }
0x7f: {  	v9 =	vsub.s32 v9, v0;
	vm1 =	vmand vm1, vm2  }
0x80: {  	v9 =	vnsel vm1, $0x0, v9;
	_ =	sdelay $0x3  }
.Ltmp1:
0x81: {  	v10 =	vor.u32 s3, v1;
	s3 =	smov.u32 s5;
	(pc) =	sbr.rel @p0 .LBB2_4-.Ltmp1, $4  }
0x82: {  	[tilespmem:v9+s23+$0x0] =	vst.idx.msk vm1, v10  }
0x83: {  	s10 =	sadd.s32 $0x10, s10;
	[tilespmem:v9+s26+$0x0] =	vst.idx.add.s32.msk vm1, v8  }
0x84: {  	v9 =	vld [tilespmem:s10+$0x0]  }
0x85: {  	s5 =	sadd.s32 $0x10, s5  }
0x86: {  	_ =	sdelay $0x2  }
0x87: {  	v9 =	vadd.s32 $0x1, v9  }
0x88: {  	vm1 =	vge.s32 v9, v0;
	vm2 =	vlt.s32 v9, v2  }
0x89: {  	v9 =	vsub.s32 v9, v0;
	vm1 =	vmand vm1, vm2  }
0x8a: {  	v9 =	vnsel vm1, $0x0, v9;
	_ =	sdelay $0x3  }
0x8b: {  	v10 =	vor.u32 s3, v1  }
0x8c: {  	[tilespmem:v9+s23+$0x0] =	vst.idx.msk vm1, v10  }
0x8d: {  	[tilespmem:v9+s26+$0x0] =	vst.idx.add.s32.msk vm1, v8  }
0x8e: {  	_ =	swait.ge [sflag:s28], $0x6000  }
0x8f: {  	[sflag:s28] =	ssyncset.done $0x0  }
0x90: {  	s3 =	simm.s32 $0x0;
	s5 =	rddreg [dreg:$0x7];
	[sflag:s28] =	ssyncadd.s32 $0xFFFFA000  }
0x91: {  	[hbm4b:s5+s3] =	stream.linear.scatter [tilespmem:s25], [sflag:$0x3], $0x6000, $0x38;
	[tilespmem:$0x1F500] =	vst v63  }
0x92: {  	v9 =	vld [tilespmem:s7+$0x40];
	_ =	sdelay $0x4  }
0x93: {  	v10 =	vshrl.u32 v9, $0x3  }
0x94: {  	[tilespmem:$0x12000] =	vst v9;
	v10 =	vmul.u32 $0x30, v10  }
0x95: {  	v9 =	vand.u32 $0x7, v9;
	v11 =	vld [tilespmem:s7+$0x50]  }
0x96: {  	v9 =	vor.u32 v9, v10  }
0x97: {  	v10 =	vperm.xlane v9, v3;
	_ =	sdelay $0x1  }
0x98: {  	v10 =	vadd.s32 v4, v10  }
0x99: {  	[tilespmem:$0x12010] =	vst v11  }
0x9a: {  	_ =	swait.ge [sflag:s29], $0x6000  }
0x9b: {  	[sflag:s29] =	ssyncset.done $0x0  }
0x9c: {  	v9 =	vperm.xlane v9, v5;
	[sflag:s29] =	ssyncadd.s32 $0xFFFFA000  }
0x9d: {  	[tilespmem:s25], [sflag:$0x1] =	stream.indirect_vreg.gather [hbm4b:s1+s3], $0x80, v10, vm0, $0xb8;
	[tilespmem:$0x1F500] =	vst v63  }
0x9e: {  	s10 =	simm.s32 $0x12900;
	v9 =	vadd.s32 v4, v9  }
0x9f: {  	[tilespmem:s10], [sflag:$0x1] =	stream.indirect_vreg.gather [hbm4b:s8+s3], $0x80, v10, vm0, $0xb8;
	[tilespmem:$0x1F500] =	vst v63  }
0xa0: {  	s13 =	simm.s32 $0x13100  }
0xa1: {  	[tilespmem:s13], [sflag:$0x1] =	stream.indirect_vreg.gather [hbm4b:s9+s3], $0x80, v10, vm0, $0xb8;
	[tilespmem:$0x1F500] =	vst v63  }
0xa2: {  	s14 =	simm.s32 $0x13900  }
0xa3: {  	[tilespmem:s14], [sflag:$0x1] =	stream.indirect_vreg.gather [hbm4b:s1+s3], $0x80, v9, vm0, $0xb8;
	[tilespmem:$0x1F500] =	vst v63  }
0xa4: {  	s15 =	simm.s32 $0x14100  }
0xa5: {  	[tilespmem:s15], [sflag:$0x1] =	stream.indirect_vreg.gather [hbm4b:s8+s3], $0x80, v9, vm0, $0xb8;
	[tilespmem:$0x1F500] =	vst v63  }
0xa6: {  	s16 =	simm.s32 $0x14900  }
0xa7: {  	[tilespmem:s16], [sflag:$0x1] =	stream.indirect_vreg.gather [hbm4b:s9+s3], $0x80, v9, vm0, $0xb8;
	[tilespmem:$0x1F500] =	vst v63  }
0xa8: {  	v9 =	vld [tilespmem:$0x12010];
	_ =	sdelay $0x4  }
0xa9: {  	v10 =	vshrl.u32 v9, $0x3  }
0xaa: {  	v10 =	vmul.u32 $0x30, v10  }
0xab: {  	v9 =	vand.u32 $0x7, v9  }
0xac: {  	v9 =	vor.u32 v9, v10  }
0xad: {  	v10 =	vperm.xlane v9, v3;
	_ =	sdelay $0x1  }
0xae: {  	v10 =	vadd.s32 v4, v10;
	_ =	sdelay $0x3  }
0xaf: {  	s17 =	simm.s32 $0x15100;
	v9 =	vperm.xlane v9, v5  }
0xb0: {  	[tilespmem:s17], [sflag:$0x1] =	stream.indirect_vreg.gather [hbm4b:s1+s3], $0x80, v10, vm0, $0xb8;
	[tilespmem:$0x1F500] =	vst v63  }
0xb1: {  	s18 =	simm.s32 $0x15900;
	v9 =	vadd.s32 v4, v9  }
0xb2: {  	[tilespmem:s18], [sflag:$0x1] =	stream.indirect_vreg.gather [hbm4b:s8+s3], $0x80, v10, vm0, $0xb8;
	[tilespmem:$0x1F500] =	vst v63  }
0xb3: {  	s19 =	simm.s32 $0x16100  }
0xb4: {  	[tilespmem:s19], [sflag:$0x1] =	stream.indirect_vreg.gather [hbm4b:s9+s3], $0x80, v10, vm0, $0xb8;
	[tilespmem:$0x1F500] =	vst v63  }
0xb5: {  	s20 =	simm.s32 $0x16900  }
0xb6: {  	[tilespmem:s20], [sflag:$0x1] =	stream.indirect_vreg.gather [hbm4b:s1+s3], $0x80, v9, vm0, $0xb8;
	[tilespmem:$0x1F500] =	vst v63  }
0xb7: {  	s21 =	simm.s32 $0x17100  }
0xb8: {  	[tilespmem:s21], [sflag:$0x1] =	stream.indirect_vreg.gather [hbm4b:s8+s3], $0x80, v9, vm0, $0xb8;
	[tilespmem:$0x1F500] =	vst v63  }
0xb9: {  	s22 =	simm.s32 $0x17900  }
0xba: {  	[tilespmem:s22], [sflag:$0x1] =	stream.indirect_vreg.gather [hbm4b:s9+s3], $0x80, v9, vm0, $0xb8;
	[tilespmem:$0x1F500] =	vst v63  }
0xbb: {  	_ =	swait.ge [sflag:s30], $0x6000  }
0xbc: {  	[sflag:s30] =	ssyncset.done $0x0  }
0xbd: {  	s4 =	rddreg [dreg:$0x8];
	[sflag:s30] =	ssyncadd.s32 $0xFFFFA000  }
0xbe: {  	[hbm4b:s4+s3] =	stream.linear.scatter [tilespmem:s11], [sflag:$0x4], $0x6000, $0x38;
	[tilespmem:$0x1F500] =	vst v63  }
0xbf: {  	v9 =	vld [tilespmem:s7+$0x60];
	_ =	sdelay $0x4  }
0xc0: {  	v10 =	vshrl.u32 v9, $0x3  }
0xc1: {  	[tilespmem:$0x12080] =	vst v9;
	v10 =	vmul.u32 $0x30, v10  }
0xc2: {  	v9 =	vand.u32 $0x7, v9;
	v11 =	vld [tilespmem:s7+$0x70]  }
0xc3: {  	v9 =	vor.u32 v9, v10  }
0xc4: {  	v10 =	vperm.xlane v9, v3;
	_ =	sdelay $0x1  }
0xc5: {  	v10 =	vadd.s32 v4, v10  }
0xc6: {  	[tilespmem:$0x12090] =	vst v11  }
0xc7: {  	_ =	swait.ge [sflag:s31], $0x6000  }
0xc8: {  	[sflag:s31] =	ssyncset.done $0x0  }
0xc9: {  	v9 =	vperm.xlane v9, v5;
	[sflag:s31] =	ssyncadd.s32 $0xFFFFA000  }
0xca: {  	[tilespmem:s11], [sflag:$0x2] =	stream.indirect_vreg.gather [hbm4b:s1+s3], $0x80, v10, vm0, $0xb8;
	[tilespmem:$0x1F500] =	vst v63  }
0xcb: {  	s25 =	simm.s32 $0x18900;
	v9 =	vadd.s32 v4, v9  }
0xcc: {  	[tilespmem:s25], [sflag:$0x2] =	stream.indirect_vreg.gather [hbm4b:s8+s3], $0x80, v10, vm0, $0xb8;
	[tilespmem:$0x1F500] =	vst v63  }
0xcd: {  	s11 =	simm.s32 $0x19100  }
0xce: {  	[tilespmem:s11], [sflag:$0x2] =	stream.indirect_vreg.gather [hbm4b:s9+s3], $0x80, v10, vm0, $0xb8;
	[tilespmem:$0x1F500] =	vst v63  }
0xcf: {  	s5 =	simm.s32 $0x19900  }
0xd0: {  	[tilespmem:s5], [sflag:$0x2] =	stream.indirect_vreg.gather [hbm4b:s1+s3], $0x80, v9, vm0, $0xb8;
	[tilespmem:$0x1F500] =	vst v63  }
0xd1: {  	s5 =	simm.s32 $0x1A100  }
0xd2: {  	[tilespmem:s5], [sflag:$0x2] =	stream.indirect_vreg.gather [hbm4b:s8+s3], $0x80, v9, vm0, $0xb8;
	[tilespmem:$0x1F500] =	vst v63  }
0xd3: {  	s5 =	simm.s32 $0x1A900  }
0xd4: {  	[tilespmem:s5], [sflag:$0x2] =	stream.indirect_vreg.gather [hbm4b:s9+s3], $0x80, v9, vm0, $0xb8;
	[tilespmem:$0x1F500] =	vst v63  }
0xd5: {  	v9 =	vld [tilespmem:$0x12090];
	_ =	sdelay $0x4  }
0xd6: {  	v10 =	vshrl.u32 v9, $0x3  }
0xd7: {  	v10 =	vmul.u32 $0x30, v10  }
0xd8: {  	v9 =	vand.u32 $0x7, v9  }
0xd9: {  	v9 =	vor.u32 v9, v10  }
0xda: {  	v10 =	vperm.xlane v9, v3;
	_ =	sdelay $0x1  }
0xdb: {  	v10 =	vadd.s32 v4, v10;
	_ =	sdelay $0x3  }
0xdc: {  	s5 =	simm.s32 $0x1B100;
	v9 =	vperm.xlane v9, v5  }
0xdd: {  	[tilespmem:s5], [sflag:$0x2] =	stream.indirect_vreg.gather [hbm4b:s1+s3], $0x80, v10, vm0, $0xb8;
	[tilespmem:$0x1F500] =	vst v63  }
0xde: {  	v9 =	vadd.s32 v4, v9;
	s5 =	simm.s32 $0x1B900  }
0xdf: {  	[tilespmem:s5], [sflag:$0x2] =	stream.indirect_vreg.gather [hbm4b:s8+s3], $0x80, v10, vm0, $0xb8;
	[tilespmem:$0x1F500] =	vst v63  }
0xe0: {  	s5 =	simm.s32 $0x1C100  }
0xe1: {  	[tilespmem:s5], [sflag:$0x2] =	stream.indirect_vreg.gather [hbm4b:s9+s3], $0x80, v10, vm0, $0xb8;
	[tilespmem:$0x1F500] =	vst v63  }
0xe2: {  	s5 =	simm.s32 $0x1C900  }
0xe3: {  	[tilespmem:s5], [sflag:$0x2] =	stream.indirect_vreg.gather [hbm4b:s1+s3], $0x80, v9, vm0, $0xb8;
	[tilespmem:$0x1F500] =	vst v63  }
0xe4: {  	s5 =	simm.s32 $0x1D100  }
0xe5: {  	[tilespmem:s5], [sflag:$0x2] =	stream.indirect_vreg.gather [hbm4b:s8+s3], $0x80, v9, vm0, $0xb8;
	[tilespmem:$0x1F500] =	vst v63  }
0xe6: {  	s5 =	simm.s32 $0x1D900  }
0xe7: {  	[tilespmem:s5], [sflag:$0x2] =	stream.indirect_vreg.gather [hbm4b:s9+s3], $0x80, v9, vm0, $0xb8;
	[tilespmem:$0x1F500] =	vst v63  }
0xe8: {  	_ =	swait.ge [sflag:s28], $0x6000  }
0xe9: {  	[sflag:s28] =	ssyncset.done $0x0  }
0xea: {  	s12 =	simm.s32 $0x12100;
	s5 =	rddreg [dreg:$0x9];
	[sflag:s28] =	ssyncadd.s32 $0xFFFFA000  }
0xeb: {  	[hbm4b:s5+s3] =	stream.linear.scatter [tilespmem:s12], [sflag:$0x3], $0x6000, $0x38;
	[tilespmem:$0x1F500] =	vst v63  }
0xec: {  	v9 =	vld [tilespmem:s7+$0x0];
	_ =	sdelay $0x4  }
0xed: {  	v9 =	vadd.s32 $0x1, v9  }
0xee: {  	[tilespmem:$0x12000] =	vst v9;
	v10 =	vshrl.u32 v9, $0x3  }
0xef: {  	v11 =	vld [tilespmem:s7+$0x10];
	v10 =	vmul.u32 $0x30, v10  }
0xf0: {  	v9 =	vand.u32 $0x7, v9  }
0xf1: {  	v9 =	vor.u32 v9, v10  }
0xf2: {  	v10 =	vperm.xlane v9, v3;
	_ =	sdelay $0x1  }
0xf3: {  	v11 =	vadd.s32 $0x1, v11;
	v10 =	vadd.s32 v4, v10  }
0xf4: {  	[tilespmem:$0x12010] =	vst v11  }
0xf5: {  	_ =	swait.ge [sflag:s29], $0x6000  }
0xf6: {  	[sflag:s29] =	ssyncset.done $0x0  }
0xf7: {  	v9 =	vperm.xlane v9, v5;
	[sflag:s29] =	ssyncadd.s32 $0xFFFFA000  }
0xf8: {  	[tilespmem:s12], [sflag:$0x1] =	stream.indirect_vreg.gather [hbm4b:s1+s3], $0x80, v10, vm0, $0xb8;
	[tilespmem:$0x1F500] =	vst v63  }
0xf9: {  	v9 =	vadd.s32 v4, v9  }
0xfa: {  	[tilespmem:s10], [sflag:$0x1] =	stream.indirect_vreg.gather [hbm4b:s8+s3], $0x80, v10, vm0, $0xb8;
	[tilespmem:$0x1F500] =	vst v63  }
0xfb: {  	_ = 	snop  }
0xfc: {  	[tilespmem:s13], [sflag:$0x1] =	stream.indirect_vreg.gather [hbm4b:s9+s3], $0x80, v10, vm0, $0xb8;
	[tilespmem:$0x1F500] =	vst v63  }
0xfd: {  	_ = 	snop  }
0xfe: {  	[tilespmem:s14], [sflag:$0x1] =	stream.indirect_vreg.gather [hbm4b:s1+s3], $0x80, v9, vm0, $0xb8;
	[tilespmem:$0x1F500] =	vst v63  }
0xff: {  	_ = 	snop  }
0x100: {  	[tilespmem:s15], [sflag:$0x1] =	stream.indirect_vreg.gather [hbm4b:s8+s3], $0x80, v9, vm0, $0xb8;
	[tilespmem:$0x1F500] =	vst v63  }
0x101: {  	_ = 	snop  }
0x102: {  	[tilespmem:s16], [sflag:$0x1] =	stream.indirect_vreg.gather [hbm4b:s9+s3], $0x80, v9, vm0, $0xb8;
	[tilespmem:$0x1F500] =	vst v63  }
0x103: {  	v9 =	vld [tilespmem:$0x12010];
	_ =	sdelay $0x4  }
0x104: {  	v10 =	vshrl.u32 v9, $0x3  }
0x105: {  	v10 =	vmul.u32 $0x30, v10  }
0x106: {  	v9 =	vand.u32 $0x7, v9  }
0x107: {  	v9 =	vor.u32 v9, v10  }
0x108: {  	v10 =	vperm.xlane v9, v3;
	_ =	sdelay $0x1  }
0x109: {  	v10 =	vadd.s32 v4, v10;
	_ =	sdelay $0x3  }
0x10a: {  	v9 =	vperm.xlane v9, v5  }
0x10b: {  	[tilespmem:s17], [sflag:$0x1] =	stream.indirect_vreg.gather [hbm4b:s1+s3], $0x80, v10, vm0, $0xb8;
	[tilespmem:$0x1F500] =	vst v63  }
0x10c: {  	v9 =	vadd.s32 v4, v9  }
0x10d: {  	[tilespmem:s18], [sflag:$0x1] =	stream.indirect_vreg.gather [hbm4b:s8+s3], $0x80, v10, vm0, $0xb8;
	[tilespmem:$0x1F500] =	vst v63  }
0x10e: {  	_ = 	snop  }
0x10f: {  	[tilespmem:s19], [sflag:$0x1] =	stream.indirect_vreg.gather [hbm4b:s9+s3], $0x80, v10, vm0, $0xb8;
	[tilespmem:$0x1F500] =	vst v63  }
0x110: {  	_ = 	snop  }
0x111: {  	[tilespmem:s20], [sflag:$0x1] =	stream.indirect_vreg.gather [hbm4b:s1+s3], $0x80, v9, vm0, $0xb8;
	[tilespmem:$0x1F500] =	vst v63  }
0x112: {  	_ = 	snop  }
0x113: {  	[tilespmem:s21], [sflag:$0x1] =	stream.indirect_vreg.gather [hbm4b:s8+s3], $0x80, v9, vm0, $0xb8;
	[tilespmem:$0x1F500] =	vst v63  }
0x114: {  	_ = 	snop  }
0x115: {  	[tilespmem:s22], [sflag:$0x1] =	stream.indirect_vreg.gather [hbm4b:s9+s3], $0x80, v9, vm0, $0xb8;
	[tilespmem:$0x1F500] =	vst v63  }
0x116: {  	_ =	swait.ge [sflag:s30], $0x6000  }
0x117: {  	[sflag:s30] =	ssyncset.done $0x0  }
0x118: {  	s4 =	simm.s32 $0x18100;
	s5 =	rddreg [dreg:$0xa];
	[sflag:s30] =	ssyncadd.s32 $0xFFFFA000  }
0x119: {  	[hbm4b:s5+s3] =	stream.linear.scatter [tilespmem:s4], [sflag:$0x4], $0x6000, $0x38;
	[tilespmem:$0x1F500] =	vst v63  }
0x11a: {  	v9 =	vld [tilespmem:s7+$0x20];
	_ =	sdelay $0x4  }
0x11b: {  	v9 =	vadd.s32 $0x1, v9  }
0x11c: {  	[tilespmem:$0x12080] =	vst v9;
	v10 =	vshrl.u32 v9, $0x3  }
0x11d: {  	v11 =	vld [tilespmem:s7+$0x30];
	v10 =	vmul.u32 $0x30, v10  }
0x11e: {  	v9 =	vand.u32 $0x7, v9  }
0x11f: {  	v9 =	vor.u32 v9, v10  }
0x120: {  	v10 =	vperm.xlane v9, v3;
	_ =	sdelay $0x1  }
0x121: {  	v11 =	vadd.s32 $0x1, v11;
	v10 =	vadd.s32 v4, v10  }
0x122: {  	[tilespmem:$0x12090] =	vst v11  }
0x123: {  	_ =	swait.ge [sflag:s31], $0x6000  }
0x124: {  	[sflag:s31] =	ssyncset.done $0x0  }
0x125: {  	v9 =	vperm.xlane v9, v5;
	[sflag:s31] =	ssyncadd.s32 $0xFFFFA000  }
0x126: {  	[tilespmem:s4], [sflag:$0x2] =	stream.indirect_vreg.gather [hbm4b:s1+s3], $0x80, v10, vm0, $0xb8;
	[tilespmem:$0x1F500] =	vst v63  }
0x127: {  	v9 =	vadd.s32 v4, v9  }
0x128: {  	[tilespmem:s25], [sflag:$0x2] =	stream.indirect_vreg.gather [hbm4b:s8+s3], $0x80, v10, vm0, $0xb8;
	[tilespmem:$0x1F500] =	vst v63  }
0x129: {  	_ = 	snop  }
0x12a: {  	[tilespmem:s11], [sflag:$0x2] =	stream.indirect_vreg.gather [hbm4b:s9+s3], $0x80, v10, vm0, $0xb8;
	[tilespmem:$0x1F500] =	vst v63  }
0x12b: {  	s5 =	simm.s32 $0x19900  }
0x12c: {  	[tilespmem:s5], [sflag:$0x2] =	stream.indirect_vreg.gather [hbm4b:s1+s3], $0x80, v9, vm0, $0xb8;
	[tilespmem:$0x1F500] =	vst v63  }
0x12d: {  	s5 =	simm.s32 $0x1A100  }
0x12e: {  	[tilespmem:s5], [sflag:$0x2] =	stream.indirect_vreg.gather [hbm4b:s8+s3], $0x80, v9, vm0, $0xb8;
	[tilespmem:$0x1F500] =	vst v63  }
0x12f: {  	s5 =	simm.s32 $0x1A900  }
0x130: {  	[tilespmem:s5], [sflag:$0x2] =	stream.indirect_vreg.gather [hbm4b:s9+s3], $0x80, v9, vm0, $0xb8;
	[tilespmem:$0x1F500] =	vst v63  }
0x131: {  	v9 =	vld [tilespmem:$0x12090];
	_ =	sdelay $0x4  }
0x132: {  	v10 =	vshrl.u32 v9, $0x3  }
0x133: {  	v10 =	vmul.u32 $0x30, v10  }
0x134: {  	v9 =	vand.u32 $0x7, v9  }
0x135: {  	v9 =	vor.u32 v9, v10  }
0x136: {  	v10 =	vperm.xlane v9, v3;
	_ =	sdelay $0x1  }
0x137: {  	v10 =	vadd.s32 v4, v10;
	_ =	sdelay $0x3  }
0x138: {  	s5 =	simm.s32 $0x1B100;
	v9 =	vperm.xlane v9, v5  }
0x139: {  	[tilespmem:s5], [sflag:$0x2] =	stream.indirect_vreg.gather [hbm4b:s1+s3], $0x80, v10, vm0, $0xb8;
	[tilespmem:$0x1F500] =	vst v63  }
0x13a: {  	v9 =	vadd.s32 v4, v9;
	s5 =	simm.s32 $0x1B900  }
0x13b: {  	[tilespmem:s5], [sflag:$0x2] =	stream.indirect_vreg.gather [hbm4b:s8+s3], $0x80, v10, vm0, $0xb8;
	[tilespmem:$0x1F500] =	vst v63  }
0x13c: {  	s5 =	simm.s32 $0x1C100  }
0x13d: {  	[tilespmem:s5], [sflag:$0x2] =	stream.indirect_vreg.gather [hbm4b:s9+s3], $0x80, v10, vm0, $0xb8;
	[tilespmem:$0x1F500] =	vst v63  }
0x13e: {  	s5 =	simm.s32 $0x1C900  }
0x13f: {  	[tilespmem:s5], [sflag:$0x2] =	stream.indirect_vreg.gather [hbm4b:s1+s3], $0x80, v9, vm0, $0xb8;
	[tilespmem:$0x1F500] =	vst v63  }
0x140: {  	s5 =	simm.s32 $0x1D100  }
0x141: {  	[tilespmem:s5], [sflag:$0x2] =	stream.indirect_vreg.gather [hbm4b:s8+s3], $0x80, v9, vm0, $0xb8;
	[tilespmem:$0x1F500] =	vst v63  }
0x142: {  	s5 =	simm.s32 $0x1D900  }
0x143: {  	[tilespmem:s5], [sflag:$0x2] =	stream.indirect_vreg.gather [hbm4b:s9+s3], $0x80, v9, vm0, $0xb8;
	[tilespmem:$0x1F500] =	vst v63  }
0x144: {  	_ =	swait.ge [sflag:s28], $0x6000  }
0x145: {  	[sflag:s28] =	ssyncset.done $0x0  }
0x146: {  	s5 =	rddreg [dreg:$0xb];
	[sflag:s28] =	ssyncadd.s32 $0xFFFFA000  }
0x147: {  	[hbm4b:s5+s3] =	stream.linear.scatter [tilespmem:s12], [sflag:$0x3], $0x6000, $0x38;
	[tilespmem:$0x1F500] =	vst v63  }
0x148: {  	v9 =	vld [tilespmem:s7+$0x40];
	_ =	sdelay $0x4  }
0x149: {  	v9 =	vadd.s32 $0x1, v9  }
0x14a: {  	[tilespmem:$0x12000] =	vst v9;
	v10 =	vshrl.u32 v9, $0x3  }
0x14b: {  	v11 =	vld [tilespmem:s7+$0x50];
	v10 =	vmul.u32 $0x30, v10  }
0x14c: {  	v9 =	vand.u32 $0x7, v9  }
0x14d: {  	v9 =	vor.u32 v9, v10  }
0x14e: {  	v10 =	vperm.xlane v9, v3;
	_ =	sdelay $0x1  }
0x14f: {  	v11 =	vadd.s32 $0x1, v11;
	v10 =	vadd.s32 v4, v10  }
0x150: {  	[tilespmem:$0x12010] =	vst v11  }
0x151: {  	_ =	swait.ge [sflag:s29], $0x6000  }
0x152: {  	[sflag:s29] =	ssyncset.done $0x0  }
0x153: {  	v9 =	vperm.xlane v9, v5;
	[sflag:s29] =	ssyncadd.s32 $0xFFFFA000  }
0x154: {  	[tilespmem:s12], [sflag:$0x1] =	stream.indirect_vreg.gather [hbm4b:s1+s3], $0x80, v10, vm0, $0xb8;
	[tilespmem:$0x1F500] =	vst v63  }
0x155: {  	v9 =	vadd.s32 v4, v9  }
0x156: {  	[tilespmem:s10], [sflag:$0x1] =	stream.indirect_vreg.gather [hbm4b:s8+s3], $0x80, v10, vm0, $0xb8;
	[tilespmem:$0x1F500] =	vst v63  }
0x157: {  	_ = 	snop  }
0x158: {  	[tilespmem:s13], [sflag:$0x1] =	stream.indirect_vreg.gather [hbm4b:s9+s3], $0x80, v10, vm0, $0xb8;
	[tilespmem:$0x1F500] =	vst v63  }
0x159: {  	_ = 	snop  }
0x15a: {  	[tilespmem:s14], [sflag:$0x1] =	stream.indirect_vreg.gather [hbm4b:s1+s3], $0x80, v9, vm0, $0xb8;
	[tilespmem:$0x1F500] =	vst v63  }
0x15b: {  	_ = 	snop  }
0x15c: {  	[tilespmem:s15], [sflag:$0x1] =	stream.indirect_vreg.gather [hbm4b:s8+s3], $0x80, v9, vm0, $0xb8;
	[tilespmem:$0x1F500] =	vst v63  }
0x15d: {  	_ = 	snop  }
0x15e: {  	[tilespmem:s16], [sflag:$0x1] =	stream.indirect_vreg.gather [hbm4b:s9+s3], $0x80, v9, vm0, $0xb8;
	[tilespmem:$0x1F500] =	vst v63  }
0x15f: {  	v9 =	vld [tilespmem:$0x12010];
	_ =	sdelay $0x4  }
0x160: {  	v10 =	vshrl.u32 v9, $0x3  }
0x161: {  	v10 =	vmul.u32 $0x30, v10  }
0x162: {  	v9 =	vand.u32 $0x7, v9  }
0x163: {  	v9 =	vor.u32 v9, v10  }
0x164: {  	v10 =	vperm.xlane v9, v3;
	_ =	sdelay $0x1  }
0x165: {  	v10 =	vadd.s32 v4, v10;
	_ =	sdelay $0x3  }
0x166: {  	v9 =	vperm.xlane v9, v5  }
0x167: {  	[tilespmem:s17], [sflag:$0x1] =	stream.indirect_vreg.gather [hbm4b:s1+s3], $0x80, v10, vm0, $0xb8;
	[tilespmem:$0x1F500] =	vst v63  }
0x168: {  	v9 =	vadd.s32 v4, v9  }
0x169: {  	[tilespmem:s18], [sflag:$0x1] =	stream.indirect_vreg.gather [hbm4b:s8+s3], $0x80, v10, vm0, $0xb8;
	[tilespmem:$0x1F500] =	vst v63  }
0x16a: {  	_ = 	snop  }
0x16b: {  	[tilespmem:s19], [sflag:$0x1] =	stream.indirect_vreg.gather [hbm4b:s9+s3], $0x80, v10, vm0, $0xb8;
	[tilespmem:$0x1F500] =	vst v63  }
0x16c: {  	_ = 	snop  }
0x16d: {  	[tilespmem:s20], [sflag:$0x1] =	stream.indirect_vreg.gather [hbm4b:s1+s3], $0x80, v9, vm0, $0xb8;
	[tilespmem:$0x1F500] =	vst v63  }
0x16e: {  	_ = 	snop  }
0x16f: {  	[tilespmem:s21], [sflag:$0x1] =	stream.indirect_vreg.gather [hbm4b:s8+s3], $0x80, v9, vm0, $0xb8;
	[tilespmem:$0x1F500] =	vst v63  }
0x170: {  	_ = 	snop  }
0x171: {  	[tilespmem:s22], [sflag:$0x1] =	stream.indirect_vreg.gather [hbm4b:s9+s3], $0x80, v9, vm0, $0xb8;
	[tilespmem:$0x1F500] =	vst v63  }
0x172: {  	_ =	swait.ge [sflag:s30], $0x6000  }
0x173: {  	[sflag:s30] =	ssyncset.done $0x0  }
0x174: {  	s12 =	rddreg [dreg:$0xc];
	[sflag:s30] =	ssyncadd.s32 $0xFFFFA000  }
0x175: {  	[hbm4b:s12+s3] =	stream.linear.scatter [tilespmem:s4], [sflag:$0x4], $0x6000, $0x38;
	[tilespmem:$0x1F500] =	vst v63  }
0x176: {  	v9 =	vld [tilespmem:s7+$0x60];
	_ =	sdelay $0x4  }
0x177: {  	v9 =	vadd.s32 $0x1, v9  }
0x178: {  	[tilespmem:$0x12080] =	vst v9;
	v10 =	vshrl.u32 v9, $0x3  }
0x179: {  	v11 =	vld [tilespmem:s7+$0x70];
	v10 =	vmul.u32 $0x30, v10  }
0x17a: {  	v9 =	vand.u32 $0x7, v9  }
0x17b: {  	v9 =	vor.u32 v9, v10  }
0x17c: {  	v10 =	vperm.xlane v9, v3;
	_ =	sdelay $0x1  }
0x17d: {  	v11 =	vadd.s32 $0x1, v11;
	v10 =	vadd.s32 v4, v10  }
0x17e: {  	[tilespmem:$0x12090] =	vst v11  }
0x17f: {  	_ =	swait.ge [sflag:s31], $0x6000  }
0x180: {  	[sflag:s31] =	ssyncset.done $0x0  }
0x181: {  	v9 =	vperm.xlane v9, v5;
	[sflag:s31] =	ssyncadd.s32 $0xFFFFA000  }
0x182: {  	[tilespmem:s4], [sflag:$0x2] =	stream.indirect_vreg.gather [hbm4b:s1+s3], $0x80, v10, vm0, $0xb8;
	[tilespmem:$0x1F500] =	vst v63  }
0x183: {  	v9 =	vadd.s32 v4, v9  }
0x184: {  	[tilespmem:s25], [sflag:$0x2] =	stream.indirect_vreg.gather [hbm4b:s8+s3], $0x80, v10, vm0, $0xb8;
	[tilespmem:$0x1F500] =	vst v63  }
0x185: {  	_ = 	snop  }
0x186: {  	[tilespmem:s11], [sflag:$0x2] =	stream.indirect_vreg.gather [hbm4b:s9+s3], $0x80, v10, vm0, $0xb8;
	[tilespmem:$0x1F500] =	vst v63  }
0x187: {  	s13 =	simm.s32 $0x19900  }
0x188: {  	[tilespmem:s13], [sflag:$0x2] =	stream.indirect_vreg.gather [hbm4b:s1+s3], $0x80, v9, vm0, $0xb8;
	[tilespmem:$0x1F500] =	vst v63  }
0x189: {  	s14 =	simm.s32 $0x1A100  }
0x18a: {  	[tilespmem:s14], [sflag:$0x2] =	stream.indirect_vreg.gather [hbm4b:s8+s3], $0x80, v9, vm0, $0xb8;
	[tilespmem:$0x1F500] =	vst v63  }
0x18b: {  	s15 =	simm.s32 $0x1A900  }
0x18c: {  	[tilespmem:s15], [sflag:$0x2] =	stream.indirect_vreg.gather [hbm4b:s9+s3], $0x80, v9, vm0, $0xb8;
	[tilespmem:$0x1F500] =	vst v63  }
0x18d: {  	v9 =	vld [tilespmem:$0x12090];
	_ =	sdelay $0x4  }
0x18e: {  	v10 =	vshrl.u32 v9, $0x3  }
0x18f: {  	v10 =	vmul.u32 $0x30, v10  }
0x190: {  	v9 =	vand.u32 $0x7, v9  }
0x191: {  	v9 =	vor.u32 v9, v10  }
0x192: {  	v10 =	vperm.xlane v9, v3;
	_ =	sdelay $0x1  }
0x193: {  	v10 =	vadd.s32 v4, v10;
	_ =	sdelay $0x3  }
0x194: {  	s16 =	simm.s32 $0x1B100;
	v9 =	vperm.xlane v9, v5  }
0x195: {  	[tilespmem:s16], [sflag:$0x2] =	stream.indirect_vreg.gather [hbm4b:s1+s3], $0x80, v10, vm0, $0xb8;
	[tilespmem:$0x1F500] =	vst v63  }
0x196: {  	s17 =	simm.s32 $0x1B900;
	v9 =	vadd.s32 v4, v9  }
0x197: {  	[tilespmem:s17], [sflag:$0x2] =	stream.indirect_vreg.gather [hbm4b:s8+s3], $0x80, v10, vm0, $0xb8;
	[tilespmem:$0x1F500] =	vst v63  }
0x198: {  	s18 =	simm.s32 $0x1C100  }
0x199: {  	[tilespmem:s18], [sflag:$0x2] =	stream.indirect_vreg.gather [hbm4b:s9+s3], $0x80, v10, vm0, $0xb8;
	[tilespmem:$0x1F500] =	vst v63  }
0x19a: {  	s19 =	simm.s32 $0x1C900  }
0x19b: {  	[tilespmem:s19], [sflag:$0x2] =	stream.indirect_vreg.gather [hbm4b:s1+s3], $0x80, v9, vm0, $0xb8;
	[tilespmem:$0x1F500] =	vst v63  }
0x19c: {  	s20 =	simm.s32 $0x1D100  }
0x19d: {  	[tilespmem:s20], [sflag:$0x2] =	stream.indirect_vreg.gather [hbm4b:s8+s3], $0x80, v9, vm0, $0xb8;
	[tilespmem:$0x1F500] =	vst v63  }
0x19e: {  	s21 =	simm.s32 $0x1D900  }
0x19f: {  	[tilespmem:s21], [sflag:$0x2] =	stream.indirect_vreg.gather [hbm4b:s9+s3], $0x80, v9, vm0, $0xb8;
	[tilespmem:$0x1F500] =	vst v63  }
0x1a0: {  	_ =	swait.ge [sflag:s28], $0x6000  }
0x1a1: {  	[sflag:s28] =	ssyncset.done $0x0  }
0x1a2: {  	s25 =	simm.s32 $0x12100;
	s21 =	rddreg [dreg:$0xd];
	[sflag:s28] =	ssyncadd.s32 $0xFFFFA000  }
0x1a3: {  	[hbm4b:s21+s3] =	stream.linear.scatter [tilespmem:s25], [sflag:$0x3], $0x6000, $0x38;
	[tilespmem:$0x1F500] =	vst v63  }
0x1a4: {  	_ =	swait.ge [sflag:s30], $0x6000  }
0x1a5: {  	[sflag:s30] =	ssyncset.done $0x0  }
0x1a6: {  	s11 =	simm.s32 $0x18100;
	s21 =	rddreg [dreg:$0xe];
	[sflag:s30] =	ssyncadd.s32 $0xFFFFA000  }
0x1a7: {  	[hbm4b:s21+s3] =	stream.linear.scatter [tilespmem:s11], [sflag:$0x4], $0x6000, $0x38;
	[tilespmem:$0x1F500] =	vst v63  }
0x1a8: {  	_ =	swait.ge [sflag:s29], $0x6000  }
0x1a9: {  	[sflag:s29] =	ssyncset.done $0x0  }
0x1aa: {  	[sflag:s29] =	ssyncadd.s32 $0xFFFFA000  }
0x1ab: {  	_ =	swait.ge [sflag:s31], $0x6000  }
0x1ac: {  	[sflag:s31] =	ssyncset.done $0x0  }
0x1ad: {  	s21 =	rddreg [dreg:$0xf];
	[sflag:s31] =	ssyncadd.s32 $0xFFFFA000  }
0x1ae: {  	[spmem:s21] =	stream.linear.scatter [tilespmem:s23], [sflag:$0x5], $0x800, $0x38;
	[tilespmem:$0x1F500] =	vst v63  }
0x1af: {  	_ =	swait.ge [sflag:s24], $0x800  }
0x1b0: {  	[sflag:s24] =	ssyncset.done $0x0  }
0x1b1: {  	s21 =	rddreg [dreg:$0x11];
	[sflag:s24] =	ssyncadd.s32 $0xFFFFF800  }
0x1b2: {  	[spmem:s21] =	stream.linear.scatter [tilespmem:s26], [sflag:$0x5], $0x800, $0x38;
	[tilespmem:$0x1F500] =	vst v63  }
0x1b3: {  	_ =	swait.ge [sflag:s24], $0x800  }
0x1b4: {  	[sflag:s24] =	ssyncset.done $0x0  }
0x1b5: {  	[sflag:s24] =	ssyncadd.s32 $0xFFFFF800  }
0x1b6: {  	[bflag:$0x0] =	sbarrier.arrive $0xFFFF  }
0x1b7: {  	s21 =	rddreg [dreg:$0x4]  }
0x1b8: {  	[tilespmem:s0], [sflag:$0x5] =	stream.linear.gather [spmem:s21], $0x8000, $0x38;
	[tilespmem:$0x1F500] =	vst v63  }
0x1b9: {  	_ =	swait.ge [sflag:s24], $0x8000  }
0x1ba: {  	[sflag:s24] =	ssyncset.done $0x0  }
0x1bb: {  	[sflag:s24] =	ssyncadd.s32 $0xFFFF8000  }
0x1bc: {  	s21 =	simm.s32 $0xA000;
	s5 =	rddreg [dreg:$0x5]  }
0x1bd: {  	[tilespmem:s21], [sflag:$0x5] =	stream.linear.gather [spmem:s5], $0x8000, $0x38;
	[tilespmem:$0x1F500] =	vst v63  }
0x1be: {  	_ =	swait.ge [sflag:s24], $0x8000  }
0x1bf: {  	[sflag:s24] =	ssyncset.done $0x0  }
0x1c0: {  	[sflag:s24] =	ssyncadd.s32 $0xFFFF8000  }
0x1c1: {  	v9 =	vld [tilespmem:s7+$0x0];
	_ =	sdelay $0x4  }
0x1c2: {  	v9 =	vadd.s32 $0x1, v9;
	_ =	sdelay $0x4  }
0x1c3: {  	v9 =	vld.idx.msk [tilespmem:v9+s21+$0x0], $0xffff;
	_ =	sdelay $0x4  }
0x1c4: {  	v9 =	vcvt.s32.f32 v9;
	_ =	sdelay $0x1  }
0x1c5: {  	[tilespmem:$0x1E480] =	vst v9  }
0x1c6: {  	v9 =	vld [tilespmem:s7+$0x10];
	_ =	sdelay $0x4  }
0x1c7: {  	v9 =	vadd.s32 $0x1, v9;
	_ =	sdelay $0x4  }
0x1c8: {  	v9 =	vld.idx.msk [tilespmem:v9+s21+$0x0], $0xffff;
	_ =	sdelay $0x4  }
0x1c9: {  	v9 =	vcvt.s32.f32 v9;
	_ =	sdelay $0x1  }
0x1ca: {  	[tilespmem:$0x1E490] =	vst v9  }
0x1cb: {  	v9 =	vld [tilespmem:s7+$0x20];
	_ =	sdelay $0x4  }
0x1cc: {  	v9 =	vadd.s32 $0x1, v9;
	_ =	sdelay $0x4  }
0x1cd: {  	v9 =	vld.idx.msk [tilespmem:v9+s21+$0x0], $0xffff;
	_ =	sdelay $0x4  }
0x1ce: {  	v9 =	vcvt.s32.f32 v9;
	_ =	sdelay $0x1  }
0x1cf: {  	[tilespmem:$0x1E4A0] =	vst v9  }
0x1d0: {  	v9 =	vld [tilespmem:s7+$0x30];
	_ =	sdelay $0x4  }
0x1d1: {  	v9 =	vadd.s32 $0x1, v9;
	_ =	sdelay $0x4  }
0x1d2: {  	v9 =	vld.idx.msk [tilespmem:v9+s21+$0x0], $0xffff;
	_ =	sdelay $0x4  }
0x1d3: {  	v9 =	vcvt.s32.f32 v9;
	_ =	sdelay $0x1  }
0x1d4: {  	[tilespmem:$0x1E4B0] =	vst v9  }
0x1d5: {  	v9 =	vld [tilespmem:s7+$0x40];
	_ =	sdelay $0x4  }
0x1d6: {  	v9 =	vadd.s32 $0x1, v9;
	_ =	sdelay $0x4  }
0x1d7: {  	v9 =	vld.idx.msk [tilespmem:v9+s21+$0x0], $0xffff;
	_ =	sdelay $0x4  }
0x1d8: {  	v9 =	vcvt.s32.f32 v9;
	_ =	sdelay $0x1  }
0x1d9: {  	[tilespmem:$0x1E4C0] =	vst v9  }
0x1da: {  	v9 =	vld [tilespmem:s7+$0x50];
	_ =	sdelay $0x4  }
0x1db: {  	v9 =	vadd.s32 $0x1, v9;
	_ =	sdelay $0x4  }
0x1dc: {  	v9 =	vld.idx.msk [tilespmem:v9+s21+$0x0], $0xffff;
	_ =	sdelay $0x4  }
0x1dd: {  	v9 =	vcvt.s32.f32 v9;
	_ =	sdelay $0x1  }
0x1de: {  	[tilespmem:$0x1E4D0] =	vst v9  }
0x1df: {  	v9 =	vld [tilespmem:s7+$0x60];
	_ =	sdelay $0x4  }
0x1e0: {  	v9 =	vadd.s32 $0x1, v9;
	_ =	sdelay $0x4  }
0x1e1: {  	v9 =	vld.idx.msk [tilespmem:v9+s21+$0x0], $0xffff;
	_ =	sdelay $0x4  }
0x1e2: {  	v9 =	vcvt.s32.f32 v9;
	_ =	sdelay $0x1  }
0x1e3: {  	[tilespmem:$0x1E4E0] =	vst v9  }
0x1e4: {  	v9 =	vld [tilespmem:s7+$0x70];
	_ =	sdelay $0x4  }
0x1e5: {  	v9 =	vadd.s32 $0x1, v9;
	_ =	sdelay $0x4  }
0x1e6: {  	v9 =	vld.idx.msk [tilespmem:v9+s21+$0x0], $0xffff;
	_ =	sdelay $0x4  }
0x1e7: {  	v9 =	vcvt.s32.f32 v9  }
0x1e8: {  	s22 =	simm.s32 $0x18900;
	s12 =	simm.s32 $0x19100  }
0x1e9: {  	s4 =	simm.s32 $0x19900;
	s5 =	rddreg [dreg:$0x12];
	s21 =	simm.s32 $0x1E480;
	[tilespmem:$0x1E4F0] =	vst v9  }
0x1ea: {  	[hbm4b:s5+s3] =	stream.linear.scatter [tilespmem:s21], [sflag:$0x5], $0x80, $0x38;
	[tilespmem:$0x1F500] =	vst v63  }
0x1eb: {  	s13 =	simm.s32 $0x1A100;
	s14 =	simm.s32 $0x1A900;
	_ =	swait.ge [sflag:s24], $0x80  }
0x1ec: {  	s15 =	simm.s32 $0x1B100;
	s16 =	simm.s32 $0x1B900;
	[sflag:s24] =	ssyncset.done $0x0  }
0x1ed: {  	s21 =	simm.s32 $0x1E100;
	s5 =	rddreg [dreg:$0x10];
	[sflag:s24] =	ssyncadd.s32 $0xFFFFFF80  }
0x1ee: {  	[tilespmem:s21], [sflag:$0x5] =	stream.linear.gather [hbm4b:s5+s3], $0x380, $0x38;
	[tilespmem:$0x1F500] =	vst v63  }
0x1ef: {  	s17 =	simm.s32 $0x1C100;
	s18 =	simm.s32 $0x1C900;
	_ =	swait.ge [sflag:s24], $0x380  }
0x1f0: {  	s19 =	simm.s32 $0x1D100;
	s20 =	simm.s32 $0x1D900;
	[sflag:s24] =	ssyncset.done $0x0  }
0x1f1: {  	s3 =	simm.s32 $0x0;
	s5 =	simm.s32 $0x40;
	[sflag:s24] =	ssyncadd.s32 $0xFFFFFC80  }
.LBB2_6:
0x1f2: {  	p0 =	sne.s32 s5, $0xDC0;
	v9 =	vld [tilespmem:s3+$0x1E100];
	_ =	sdelay $0x7  }
0x1f3: {  	v9 =	vld.idx.msk [tilespmem:v9+s0+$0x0], $0xffff;
	_ =	sdelay $0x1  }
.Ltmp2:
0x1f4: {  	(pc) =	sbr.rel @p0 .LBB2_6-.Ltmp2, $2  }
0x1f5: {  	_ =	sdelay $0x2  }
0x1f6: {  	[tilespmem:s3+$0x1E100] =	vst v9;
	s3 =	sshra.s32 s5, $0x2;
	s5 =	sadd.s32 $0x40, s5  }
0x1f7: {  	v9 =	vld [tilespmem:s3+$0x1E100];
	_ =	sdelay $0x7  }
0x1f8: {  	v9 =	vld.idx.msk [tilespmem:v9+s0+$0x0], $0xffff;
	_ =	sdelay $0x4  }
0x1f9: {  	s5 =	rddreg [dreg:$0x13];
	[tilespmem:s3+$0x1E100] =	vst v9  }
0x1fa: {  	[hbm4b:s5+s6] =	stream.linear.scatter [tilespmem:s21], [sflag:$0x5], $0x380, $0x38;
	[tilespmem:$0x1F500] =	vst v63  }
0x1fb: {  	_ =	swait.ge [sflag:s24], $0x380  }
0x1fc: {  	s2 =	sadd.s32 $0x1, s2;
	s21 =	rddreg [dreg:$0x14]  }
0x1fd: {  	p0 =	sne.s32 s2, s21  }
.Ltmp3:
0x1fe: {  	_ = 	snop;
	(pc) =	sbr.rel @p0 .LBB2_1-.Ltmp3, $3  }
0x1ff: {  	_ =	sdelay $0x1  }
0x200: {  	[sflag:s24] =	ssyncset.done $0x0  }
0x201: {  	[sflag:s24] =	ssyncadd.s32 $0xFFFFFC80  }
0x202: {  	_ =	sfence.sel $0x180000  }
0x203: {  	[bflag:$0x0] =	sbarrier.arrive $0xFFFF  }
0x204: {  	_ =	strace $0x90000047  }
0x205: {  	s0 =	stileid.u32;
	[bflag:$0x2] =	sbarrier.arrive $0xFFFF  }
0x206: {  	p0 =	sne.s32 s0, $0x0;
	s0 =	rddreg [dreg:$0x6]  }
0x207: {  	s0 =	sadd.s32 @!p0 $0x100000, s0  }
0x208: {  	[sflag:s0] =	ssyncadd.tile.s32 @!p0 $0x1;
	_ =	shalt  }
.Lfunc_end2:
_tile_overlayer_lowered:
.L_overlay_start_2:
0x209: {  	(tag) =	ssettag $0x2  }
0x20a: {  	s0 =	rddreg [dreg:$0x0];
	s2 =	stileid.u32  }
0x20b: {  	s1 =	rddreg [dreg:$0x1];
	p0 =	sne.s32 s2, $0x0  }
0x20c: {  	s3 =	rddreg [dreg:$0x2];
	[bflag:$0x3] =	sbarrier.arrive $0xFFFF;
	s2 =	simm.s32 @!p0 $0x1C05  }
0x20d: {  	[timem:s3], [sflag:s2] =	dma.local @!p0 [hbm:s0], s1  }
0x20e: {  	s0 =	simm.s32 @!p0 $0x5  }
0x20f: {  	_ =	swait.ge @!p0 [sflag:s0], s1  }
0x210: {  	s1 =	ssub.s32 @!p0 $0x0, s1;
	[sflag:s0] =	ssyncset.done @!p0 $0x0  }
0x211: {  	[sflag:s0] =	ssyncadd.s32 @!p0 s1  }
0x212: {  	[bflag:$0x3] =	sbarrier.arrive $0xFFFF  }
0x213: {  	_ =	shalt  }

// kernel: kernel.9.cloned.1.call-start
scs
__scs_entry_jumppad:
0x0: {  	(pc) =	sbr.rel $0x88, $3  }
0x1: {  	(tag) =	ssettag $0x0;
	lr =	simm.s32 $0x1  }
0x2: {  	[smem:$0x3F9D] =	sst lr;
	_ =	strace $0xD0000000  }
0x3: {  	_ = 	snop  }
0x4: {  	_ = 	snop  }
0x5: {  	_ = 	snop  }
0x6: {  	_ = 	snop  }
0x7: {  	_ = 	snop  }
__scs_overlays_trampoline_lowered:
0x8: {  	[smem:$0x3FAC] =	sst s0  }
0x9: {  	[smem:$0x3FAD] =	sst s1  }
0xa: {  	[smem:$0x3FAE] =	sst s2  }
0xb: {  	[smem:$0x3FAF] =	sst s3  }
0xc: {  	[smem:$0x3FB0] =	sst s4  }
0xd: {  	[smem:$0x3FB1] =	sst s5  }
0xe: {  	[smem:$0x3FB2] =	sst s6  }
0xf: {  	[smem:$0x3FB3] =	sst s7  }
0x10: {  	[smem:$0x3FB4] =	sst s8  }
0x11: {  	[smem:$0x3FB5] =	sst s9;
	s0 =	simm.s32 @!p0 $0x0  }
0x12: {  	s1 =	sld [smem:$0x3F9B];
	s0 =	simm.s32 @p0 $0x1  }
0x13: {  	[smem:$0x3FB6] =	sst s0;
	s0 =	simm.s32 @!p1 $0x0  }
0x14: {  	s2 =	sld [smem:$0x3F9A];
	s0 =	simm.s32 @p1 $0x1  }
0x15: {  	[smem:$0x3FB7] =	sst s0;
	s0 =	simm.s32 @!p2 $0x0  }
0x16: {  	s3 =	sld [smem:$0x3FDB];
	s0 =	simm.s32 @p2 $0x1  }
0x17: {  	s4 =	simm.s32 $0x1BF5;
	[smem:$0x3FB9] =	sst s0  }
0x18: {  	s0 =	sld [smem:$0x3F9C];
	_ =	swait.ge [sflag:s4], $0x0  }
0x19: {  	s7 =	sld [smem:$0x3F9D]  }
0x1a: {  	s8 =	sadd.s32 $0xFFFFE003, lr  }
0x1b: {  	s9 =	sadd.s32 $0xFFFFFEF7, lr;
	s5 =	simm.s32 $0xFFFFFFFF;
	p2 =	slt.u32 s8, $0xFFFFF086  }
0x1c: {  	p1 =	slt.u32 s9, $0xF7A;
	s5 =	simm.s32 @!p2 $0x0  }
0x1d: {  	s5 =	simm.s32 @p1 $0x1;
	p0 =	seq.s32 s7, s2  }
0x1e: {  	s7 =	smul.u32 @!p0 $0xF7A, s2;
	p2 =	seq.s32 @!p0 s5, $0x0  }
0x1f: {  	s9 =	smul.u32 $0xF7A, s1;
	s8 =	simm.s32 @!p0 $0x1BF5;
	p2 =	por !p2, p0  }
0x20: {  	[sflag:s8] =	ssyncset.s32 @!p0 $0xFFFFF086;
	s6 =	sadd.s32 @!p0 s3, s7;
	s7 =	simm.s32 @!p0 $0x108  }
0x21: {  	s3 =	sadd.s32 s3, s9;
	s6 =	sadd.s32 @!p0 $0x88, s6;
	s7 =	simm.s32 @p2 $0x1082  }
0x22: {  	[simem:s7], [sflag:s8] =	dma.local @!p0 [hbm:s6], $0xF7A  }
0x23: {  	s9 =	sor.u32 $0xD0000000, s2;
	s6 =	simm.s32 $0x108;
	_ =	swait.ge @!p0 [sflag:s8], $0x0  }
0x24: {  	s3 =	sadd.s32 $0x88, s3;
	s6 =	simm.s32 @!p1 $0x1082;
	[sflag:s4] =	ssyncset.s32 $0xFFFFF086  }
0x25: {  	[simem:s6], [sflag:s4] =	dma.local [hbm:s3], $0xF7A  }
0x26: {  	[smem:$0x3F9D] =	sst s1;
	(tag) =	ssettag s2;
	_ =	strace s9  }
0x27: {  	s1 =	sld [smem:$0x3FAD]  }
0x28: {  	s2 =	sld [smem:$0x3FAE]  }
0x29: {  	s4 =	sld [smem:$0x3FB0]  }
0x2a: {  	p0 =	seq.s32 s5, $0x0;
	s5 =	sld [smem:$0x3FB1]  }
0x2b: {  	s6 =	sld [smem:$0x3FB2]  }
0x2c: {  	s7 =	sld [smem:$0x3FB3]  }
0x2d: {  	s3 =	simm.s32 $0x108;
	s8 =	sld [smem:$0x3FB4]  }
0x2e: {  	s3 =	simm.s32 @!p0 $0x1082;
	s9 =	sld [smem:$0x3FB5]  }
0x2f: {  	lr =	sadd.s32 s0, s3;
	s0 =	sld [smem:$0x3FAC]  }
0x30: {  	s3 =	sld [smem:$0x3FAF]  }
0x31: {  	[smem:$0x3FB8] =	sst s10  }
0x32: {  	s10 =	sld [smem:$0x3FB6];
	_ =	sdelay $0x3  }
0x33: {  	p0 =	seq.s32 s10, $0x1;
	s10 =	sld [smem:$0x3FB8];
	_ =	sdelay $0x3  }
0x34: {  	[smem:$0x3FB8] =	sst s10  }
0x35: {  	s10 =	sld [smem:$0x3FB7];
	_ =	sdelay $0x3  }
0x36: {  	p1 =	seq.s32 s10, $0x1;
	s10 =	sld [smem:$0x3FB8];
	_ =	sdelay $0x3  }
0x37: {  	[smem:$0x3FB8] =	sst s10  }
0x38: {  	s10 =	sld [smem:$0x3FB9]  }
0x39: {  	_ = 	snop;
	(pc) =	sbr.ind lr, $3  }
0x3a: {  	_ = 	snop  }
0x3b: {  	_ = 	snop  }
0x3c: {  	p2 =	seq.s32 s10, $0x1;
	s10 =	sld [smem:$0x3FB8]  }
0x3d: {  	_ =	shalt  }
0x3e: {  	_ =	shalt  }
0x3f: {  	_ =	shalt  }
0x40: {  	_ =	shalt  }
0x41: {  	_ =	shalt  }
0x42: {  	_ =	shalt  }
0x43: {  	_ =	shalt  }
0x44: {  	_ =	shalt  }
0x45: {  	_ =	shalt  }
0x46: {  	_ =	shalt  }
0x47: {  	_ =	shalt  }
0x48: {  	_ =	shalt  }
0x49: {  	_ =	shalt  }
0x4a: {  	_ =	shalt  }
0x4b: {  	_ =	shalt  }
0x4c: {  	_ =	shalt  }
0x4d: {  	_ =	shalt  }
0x4e: {  	_ =	shalt  }
0x4f: {  	_ =	shalt  }
0x50: {  	_ =	shalt  }
0x51: {  	_ =	shalt  }
0x52: {  	_ =	shalt  }
0x53: {  	_ =	shalt  }
0x54: {  	_ =	shalt  }
0x55: {  	_ =	shalt  }
0x56: {  	_ =	shalt  }
0x57: {  	_ =	shalt  }
0x58: {  	_ =	shalt  }
0x59: {  	_ =	shalt  }
0x5a: {  	_ =	shalt  }
0x5b: {  	_ =	shalt  }
0x5c: {  	_ =	shalt  }
0x5d: {  	_ =	shalt  }
0x5e: {  	_ =	shalt  }
0x5f: {  	_ =	shalt  }
0x60: {  	_ =	shalt  }
0x61: {  	_ =	shalt  }
0x62: {  	_ =	shalt  }
0x63: {  	_ =	shalt  }
0x64: {  	_ =	shalt  }
0x65: {  	_ =	shalt  }
0x66: {  	_ =	shalt  }
0x67: {  	_ =	shalt  }
0x68: {  	_ =	shalt  }
0x69: {  	_ =	shalt  }
0x6a: {  	_ =	shalt  }
0x6b: {  	_ =	shalt  }
0x6c: {  	_ =	shalt  }
0x6d: {  	_ =	shalt  }
0x6e: {  	_ =	shalt  }
0x6f: {  	_ =	shalt  }
0x70: {  	_ =	shalt  }
0x71: {  	_ =	shalt  }
0x72: {  	_ =	shalt  }
0x73: {  	_ =	shalt  }
0x74: {  	_ =	shalt  }
0x75: {  	_ =	shalt  }
0x76: {  	_ =	shalt  }
0x77: {  	_ =	shalt  }
0x78: {  	_ =	shalt  }
0x79: {  	_ =	shalt  }
0x7a: {  	_ =	shalt  }
0x7b: {  	_ =	shalt  }
0x7c: {  	_ =	shalt  }
0x7d: {  	_ =	shalt  }
0x7e: {  	_ =	shalt  }
0x7f: {  	_ =	shalt  }
0x80: {  	_ =	shalt  }
0x81: {  	_ =	shalt  }
0x82: {  	_ =	shalt  }
0x83: {  	_ =	shalt  }
0x84: {  	_ =	shalt  }
0x85: {  	_ =	shalt  }
0x86: {  	_ =	shalt  }
0x87: {  	_ =	shalt  }
.Lfunc_end0:
.L_simem_size_0:
called_computation.1_lowered:
.L_overlay_start_0:
0x88: {  	s2 =	sld [smem:$0x3FD9]  }
0x89: {  	s3 =	sld [smem:$0x3FFE];
	_ =	sdelay $0x1  }
0x8a: {  	s1 =	srdreg.scid  }
0x8b: {  	s0 =	sand.u32 $0x1, s1  }
0x8c: {  	s18 =	sshll.u32 s0, $0xA;
	s2 =	sadd.s32 s3, s2  }
0x8d: {  	s2 =	sadd.s32 s2, s18  }
0x8e: {  	[smem:$0x3FC4] =	sst s2  }
0x8f: {  	_ = 	snop  }
0x90: {  	s19 =	sld [smem:$0x3FC9]  }
0x91: {  	s4 =	sld [smem:$0x3FC8]  }
0x92: {  	s5 =	sld [smem:$0x3FD0];
	(tm) =	ssettm $0x1  }
0x93: {  	s20 =	sld [smem:$0x3FFB];
	_ =	sdelay $0x3  }
0x94: {  	_ =	strace s20  }
0x95: {  	s2 =	sld [smem:$0x3FFC];
	_ =	sdelay $0x3  }
0x96: {  	_ =	strace s2  }
0x97: {  	s2 =	sld [smem:$0x3FFD];
	_ =	sdelay $0x3  }
0x98: {  	_ =	strace s2  }
0x99: {  	_ =	strace $0x8FFFFFFF  }
0x9a: {  	s21 =	sld [smem:$0x3FDB];
	_ =	sdelay $0x1  }
0x9b: {  	s6 =	simm.s32 $_scs_section_size  }
0x9c: {  	s7 =	simm.s32 $_size__tile_overlayer_lowered;
	s8 =	simm.s32 $_tile_overlayer_lowered  }
0x9d: {  	s9 =	simm.s32 $0x1BFF;
	s22 =	sshll.u32 s8, $0x1;
	s6 =	sadd.s32 s6, s21  }
0x9e: {  	s23 =	simm.s32 $0x0;
	s7 =	sshll.u32 s7, $0x1;
	s8 =	sadd.s32 s22, s6  }
0x9f: {  	[timem:s23], [sflag:s9] =	dma.local [hbm:s8], s7  }
0xa0: {  	_ =	swait.ge [sflag:s9], s7  }
0xa1: {  	s7 =	ssub.s32 $0x0, s7;
	[sflag:s9] =	ssyncset.done $0x0  }
0xa2: {  	[sflag:s9] =	ssyncadd.s32 s7;
	_ =	sdelay $0x1  }
0xa3: {  	s24 =	simm.s32 $0x1B8B  }
0xa4: {  	_ =	swait.ge [sflag:s24], $0x1  }
0xa5: {  	[sflag:s24] =	ssyncset.done $0x0  }
0xa6: {  	[sflag:s24] =	ssyncadd.s32 $0xFFFFFFFF  }
0xa7: {  	s7 =	sld [smem:$0x0]  }
0xa8: {  	s8 =	sand.u32 $0xFFFFFFFE, s1  }
0xa9: {  	p0 =	sne.s32 s1, s8  }
0xaa: {  	s8 =	sshll.u32 @p0 s8, $0xE  }
0xab: {  	s8 =	sadd.s32 @p0 $0x11B8D, s8;
	s9 =	sshll.u32 @p0 s7, $0x11  }
0xac: {  	s8 =	sor.u32 @p0 s9, s8  }
0xad: {  	[sflag:s8] =	ssyncadd.remote.s32 @p0 $0x1;
	_ =	sdelay $0x1  }
0xae: {  	s8 =	simm.s32 @p0 $0x1B8D  }
0xaf: {  	_ =	swait.eq @p0 [sflag:s8], $0x1  }
0xb0: {  	[sflag:s8] =	ssyncadd.s32 @p0 $0xFFFFFFFF  }
0xb1: {  	s9 =	sshll.u32 @!p0 s1, $0xE  }
0xb2: {  	s9 =	sor.u32 @!p0 $0x4000, s9;
	s8 =	simm.s32 @!p0 $0x1B8D  }
0xb3: {  	s7 =	sshll.u32 @!p0 s7, $0x11;
	s9 =	sadd.s32 @!p0 $0x11B8D, s9;
	_ =	swait.eq @!p0 [sflag:s8], $0x1  }
0xb4: {  	s7 =	sor.u32 @!p0 s7, s9;
	[sflag:s8] =	ssyncadd.s32 @!p0 $0xFFFFFFFF  }
0xb5: {  	s25 =	simm.s32 $0x1B8E;
	[sflag:s7] =	ssyncadd.remote.s32 @!p0 $0x1  }
0xb6: {  	s26 =	simm.s32 $execute0_lowered;
	[smem:$0x3FD2] =	sst s25  }
0xb7: {  	s7 =	sshll.u32 s26, $0x1;
	_ =	strace $0x80000049;
	[dreg:$0x1] =	wrdreg $0xFFFFFFFF  }
0xb8: {  	s28 =	simm.s32 $_size_execute0_lowered;
	s6 =	sadd.s32 s6, s7;
	[dreg:$0x0] =	wrdreg $0x0  }
0xb9: {  	s7 =	sshll.u32 s28, $0x1;
	[dreg:$0x2] =	wrdreg s6  }
0xba: {  	[dreg:$0x3] =	wrdreg s7  }
0xbb: {  	[dreg:$0x4] =	wrdreg $0xC0  }
0xbc: {  	_ =	task [dreg:s23], $0x5FFFF  }
0xbd: {  	[dreg:$0x1] =	wrdreg $0xFFFFFFFF  }
0xbe: {  	[dreg:$0x0] =	wrdreg $0x60  }
0xbf: {  	[dreg:$0x2] =	wrdreg s19  }
0xc0: {  	[dreg:$0x3] =	wrdreg s4  }
0xc1: {  	[dreg:$0x4] =	wrdreg s5  }
0xc2: {  	[dreg:$0x5] =	wrdreg $0xA  }
0xc3: {  	_ =	task.clear_ibuf [dreg:s23], $0x6FFFF;
	_ =	strace $0x90000049  }
0xc4: {  	s29 =	simm.s32 $0xA;
	_ =	strace $0x8000004B  }
0xc5: {  	_ =	swait.ge [sflag:s29], $0x1  }
0xc6: {  	[sflag:s29] =	ssyncadd.s32 $0xFFFFFFFF  }
0xc7: {  	_ =	strace $0x9000004B  }
0xc8: {  	_ =	sfence  }
0xc9: {  	s30 =	sld [smem:$0x0];
	_ =	sdelay $0x2  }
0xca: {  	s31 =	sshll.u32 s1, $0xD;
	s1 =	sshrl.u32 s1, $0x2  }
0xcb: {  	s4 =	sand.u32 $0x4000, s31;
	s1 =	sadd.s32 s1, s30  }
0xcc: {  	s0 =	sor.u32 s4, s0;
	s1 =	sshll.u32 s1, $0x11  }
0xcd: {  	s0 =	sor.u32 s1, s0  }
0xce: {  	s0 =	sadd.s32 $0x8F2B, s0  }
0xcf: {  	[sflag:s0] =	ssyncadd.remote.s32 $0x1  }
0xd0: {  	_ =	sfence.sel $0xFFFF  }
0xd1: {  	[dreg:$0x0] =	wrdreg $0xFFFFFFFF;
	(pc) =	sbr.abs _section_cstart, $3  }
0xd2: {  	[dreg:$0x1] =	wrdreg $0xFFFFFFFF  }
0xd3: {  	_ =	task.clear_ibuf [dreg:s23], $0x2FFFF;
	_ =	strace $0x9FFFFFFF  }
0xd4: {  	(tm) =	ssettm $0x7FFFFFFF  }
0xd5: {  	_ =	shalt  }
tec
execute0_lowered:
.L_overlay_start_1:
0x0: {  	(tag) =	ssettag $0x1  }
0x1: {  	s2 =	rddreg [dreg:$0x0]  }
0x2: {  	s0 =	rddreg [dreg:$0x1]  }
0x3: {  	s1 =	rddreg [dreg:$0x2];
	s3 =	srdreg.scid  }
0x4: {  	s6 =	stileid.u32;
	s16 =	simm.s32 $0x12800;
	s17 =	simm.s32 $0x13000  }
0x5: {  	s18 =	simm.s32 $0x13800;
	s4 =	sand.u32 $0x1, s3;
	s3 =	simm.s32 $0x0  }
0x6: {  	s19 =	simm.s32 $0x14000;
	s20 =	simm.s32 $0x14800;
	[smem:$0x7FF] =	sst s3  }
0x7: {  	s21 =	simm.s32 $0x15000;
	_ =	strace $0x8000004A;
	[dreg:$0x8] =	wrdreg s16  }
0x8: {  	s22 =	simm.s32 $0x15800;
	s23 =	simm.s32 $0x16000;
	[dreg:$0x9] =	wrdreg s17  }
0x9: {  	s24 =	simm.s32 $0x16800;
	s28 =	simm.s32 $0x5;
	[dreg:$0xa] =	wrdreg s18  }
0xa: {  	s29 =	simm.s32 $0x6;
	s30 =	simm.s32 $0x7;
	[dreg:$0xb] =	wrdreg s19  }
0xb: {  	s31 =	simm.s32 $0x8;
	s5 =	smul.u32 $0x700, s6;
	[dreg:$0xc] =	wrdreg s20  }
0xc: {  	s6 =	sshll.u32 s6, $0x1;
	s7 =	smul.u32 $0x380, s4;
	[dreg:$0xd] =	wrdreg s21  }
0xd: {  	s6 =	sor.u32 s4, s6;
	s4 =	ssub.s32 $0x2, s4;
	[dreg:$0xe] =	wrdreg s22  }
0xe: {  	s6 =	smul.u32 $0x380, s6;
	s25 =	sshrl.u32 s4, $0x1;
	[dreg:$0xf] =	wrdreg s23  }
0xf: {  	s21 =	simm.s32 $0x6000;
	[dreg:$0x10] =	wrdreg s24;
	s16 =	simm.s32 $0xF800  }
0x10: {  	s17 =	simm.s32 $0x10000;
	s18 =	simm.s32 $0x10800;
	s19 =	simm.s32 $0x11000  }
0x11: {  	s20 =	simm.s32 $0x11800;
	s22 =	simm.s32 $0x12000;
	s23 =	simm.s32 $0x1  }
0x12: {  	s24 =	simm.s32 $0x2;
	s5 =	sadd.s32 s7, s5;
	s7 =	ssub.s32 s4, s25  }
0x13: {  	s25 =	simm.s32 $0x17000;
	s8 =	sor.u32 $0x60, s5;
	s26 =	sshrl.u32 s6, $0x3  }
0x14: {  	s11 =	sshrl.u32 s5, $0x3;
	s9 =	sor.u32 $0x20, s5;
	s5 =	sor.u32 $0x40, s5  }
0x15: {  	s7 =	smax.u32 s7, $0x1;
	[dreg:$0x11] =	wrdreg s25;
	s25 =	simm.s32 $0x3  }
0x16: {  	s10 =	sshrl.u32 s8, $0x3;
	s8 =	smul.u32 $0x300, s11;
	s9 =	sshrl.u32 s9, $0x3  }
0x17: {  	s5 =	sshrl.u32 s5, $0x3;
	s4 =	sadd.s32 s0, s26;
	s6 =	smul.u32 $0x300, s10  }
0x18: {  	s26 =	simm.s32 $0x17800;
	s0 =	simm.s32 $0x0;
	s9 =	smul.u32 $0x300, s9  }
0x19: {  	s13 =	smul.u32 $0x300, s5;
	s5 =	sadd.s32 $0x100, s2;
	[dreg:$0x12] =	wrdreg s26  }
0x1a: {  	s26 =	simm.s32 $0x4;
	s12 =	sadd.s32 s8, s1;
	s8 =	simm.s32 $0xC000  }
0x1b: {  	s6 =	sadd.s32 s6, s1;
	[dreg:$0x5] =	wrdreg s12;
	s14 =	sadd.s32 s9, s1  }
0x1c: {  	v2 =	vlaneseq.u32;
	s15 =	sadd.s32 s13, s1;
	s9 =	simm.s32 $0x9;
	[dreg:$0x4] =	wrdreg s6  }
0x1d: {  	vm0 =	vmmov $0xffff;
	v1 =	vshrl.u32 v2, $0x3;
	s13 =	simm.s32 $0xE000;
	[dreg:$0x6] =	wrdreg s14;
	s6 =	sadd.s32 $0x200, s2  }
0x1e: {  	v0 =	vand.u32 $0x7, v2;
	v2 =	vor.u32 $0x8, v2;
	v1 =	vmul.u32 $0x8, v1;
	[dreg:$0x7] =	wrdreg s15;
	s14 =	simm.s32 $0xE800;
	s15 =	simm.s32 $0xF000  }
.LBB2_1:
0x1f: {  	s1 =	simm.s32 $0x18000  }
0x20: {  	[tilespmem:s1], [sflag:$0x9] =	stream.linear.gather [hbm4b:s4+s3], $0x380, $0x38;
	[tilespmem:$0x18580] =	vst v63  }
0x21: {  	_ =	swait.ge [sflag:s9], $0x380  }
0x22: {  	[sflag:s9] =	ssyncset.done $0x0  }
0x23: {  	[sflag:s9] =	ssyncadd.s32 $0xFFFFFC80  }
0x24: {  	v3 =	vld [tilespmem:$0x18000];
	_ =	sdelay $0x4  }
0x25: {  	v4 =	vshrl.u32 v3, $0x3  }
0x26: {  	v4 =	vmul.u32 $0x30, v4  }
0x27: {  	v5 =	vand.u32 $0x7, v3  }
0x28: {  	v4 =	vor.u32 v5, v4  }
0x29: {  	v5 =	vperm.xlane v4, v0  }
0x2a: {  	v6 =	vld [tilespmem:$0x18010]  }
0x2b: {  	v5 =	vadd.s32 v1, v5;
	_ =	sdelay $0x2  }
0x2c: {  	[tilespmem:$0x18380] =	vst v3  }
0x2d: {  	[tilespmem:$0x18390] =	vst v6;
	v3 =	vperm.xlane v4, v2  }
0x2e: {  	[tilespmem:s3], [sflag:$0x1] =	stream.indirect_vreg.gather [hbm4b:s2+s3], $0x80, v5, vm0, $0xb8;
	[tilespmem:$0x18580] =	vst v63  }
0x2f: {  	s12 =	simm.s32 $0x800;
	v3 =	vadd.s32 v1, v3  }
0x30: {  	[tilespmem:s12], [sflag:$0x1] =	stream.indirect_vreg.gather [hbm4b:s5+s3], $0x80, v5, vm0, $0xb8;
	[tilespmem:$0x18580] =	vst v63  }
0x31: {  	s10 =	simm.s32 $0x1000  }
0x32: {  	[tilespmem:s10], [sflag:$0x1] =	stream.indirect_vreg.gather [hbm4b:s6+s3], $0x80, v5, vm0, $0xb8;
	[tilespmem:$0x18580] =	vst v63  }
0x33: {  	s11 =	simm.s32 $0x1800  }
0x34: {  	[tilespmem:s11], [sflag:$0x1] =	stream.indirect_vreg.gather [hbm4b:s2+s3], $0x80, v3, vm0, $0xb8;
	[tilespmem:$0x18580] =	vst v63  }
0x35: {  	s12 =	simm.s32 $0x2000  }
0x36: {  	[tilespmem:s12], [sflag:$0x1] =	stream.indirect_vreg.gather [hbm4b:s5+s3], $0x80, v3, vm0, $0xb8;
	[tilespmem:$0x18580] =	vst v63  }
0x37: {  	s10 =	simm.s32 $0x2800  }
0x38: {  	[tilespmem:s10], [sflag:$0x1] =	stream.indirect_vreg.gather [hbm4b:s6+s3], $0x80, v3, vm0, $0xb8;
	[tilespmem:$0x18580] =	vst v63  }
0x39: {  	v3 =	vld [tilespmem:$0x18390];
	_ =	sdelay $0x4  }
0x3a: {  	v55 =	vshrl.u32 v3, $0x3  }
0x3b: {  	v4 =	vmul.u32 $0x30, v55  }
0x3c: {  	v3 =	vand.u32 $0x7, v3  }
0x3d: {  	v3 =	vor.u32 v3, v4  }
0x3e: {  	v4 =	vperm.xlane v3, v0;
	_ =	sdelay $0x1  }
0x3f: {  	v4 =	vadd.s32 v1, v4;
	_ =	sdelay $0x3  }
0x40: {  	s11 =	simm.s32 $0x3000;
	v3 =	vperm.xlane v3, v2  }
0x41: {  	[tilespmem:s11], [sflag:$0x1] =	stream.indirect_vreg.gather [hbm4b:s2+s3], $0x80, v4, vm0, $0xb8;
	[tilespmem:$0x18580] =	vst v63  }
0x42: {  	s12 =	simm.s32 $0x3800;
	v3 =	vadd.s32 v1, v3  }
0x43: {  	[tilespmem:s12], [sflag:$0x1] =	stream.indirect_vreg.gather [hbm4b:s5+s3], $0x80, v4, vm0, $0xb8;
	[tilespmem:$0x18580] =	vst v63  }
0x44: {  	s10 =	simm.s32 $0x4000  }
0x45: {  	[tilespmem:s10], [sflag:$0x1] =	stream.indirect_vreg.gather [hbm4b:s6+s3], $0x80, v4, vm0, $0xb8;
	[tilespmem:$0x18580] =	vst v63  }
0x46: {  	s11 =	simm.s32 $0x4800  }
0x47: {  	[tilespmem:s11], [sflag:$0x1] =	stream.indirect_vreg.gather [hbm4b:s2+s3], $0x80, v3, vm0, $0xb8;
	[tilespmem:$0x18580] =	vst v63  }
0x48: {  	s12 =	simm.s32 $0x5000  }
0x49: {  	[tilespmem:s12], [sflag:$0x1] =	stream.indirect_vreg.gather [hbm4b:s5+s3], $0x80, v3, vm0, $0xb8;
	[tilespmem:$0x18580] =	vst v63  }
0x4a: {  	s10 =	simm.s32 $0x5800  }
0x4b: {  	[tilespmem:s10], [sflag:$0x1] =	stream.indirect_vreg.gather [hbm4b:s6+s3], $0x80, v3, vm0, $0xb8;
	[tilespmem:$0x18580] =	vst v63  }
0x4c: {  	v3 =	vld [tilespmem:$0x18020];
	_ =	sdelay $0x4  }
0x4d: {  	v56 =	vshrl.u32 v3, $0x3  }
0x4e: {  	v4 =	vmul.u32 $0x30, v56  }
0x4f: {  	v57 =	vand.u32 $0x7, v3  }
0x50: {  	v4 =	vor.u32 v57, v4  }
0x51: {  	v5 =	vperm.xlane v4, v0  }
0x52: {  	v58 =	vld [tilespmem:$0x18030]  }
0x53: {  	v5 =	vadd.s32 v1, v5;
	_ =	sdelay $0x2  }
0x54: {  	[tilespmem:$0x18400] =	vst v3  }
0x55: {  	[tilespmem:$0x18410] =	vst v58;
	v3 =	vperm.xlane v4, v2  }
0x56: {  	[tilespmem:s21], [sflag:$0x2] =	stream.indirect_vreg.gather [hbm4b:s2+s3], $0x80, v5, vm0, $0xb8;
	[tilespmem:$0x18580] =	vst v63  }
0x57: {  	s11 =	simm.s32 $0x6800;
	v3 =	vadd.s32 v1, v3  }
0x58: {  	[tilespmem:s11], [sflag:$0x2] =	stream.indirect_vreg.gather [hbm4b:s5+s3], $0x80, v5, vm0, $0xb8;
	[tilespmem:$0x18580] =	vst v63  }
0x59: {  	s12 =	simm.s32 $0x7000  }
0x5a: {  	[tilespmem:s12], [sflag:$0x2] =	stream.indirect_vreg.gather [hbm4b:s6+s3], $0x80, v5, vm0, $0xb8;
	[tilespmem:$0x18580] =	vst v63  }
0x5b: {  	s10 =	simm.s32 $0x7800  }
0x5c: {  	[tilespmem:s10], [sflag:$0x2] =	stream.indirect_vreg.gather [hbm4b:s2+s3], $0x80, v3, vm0, $0xb8;
	[tilespmem:$0x18580] =	vst v63  }
0x5d: {  	s11 =	simm.s32 $0x8000  }
0x5e: {  	[tilespmem:s11], [sflag:$0x2] =	stream.indirect_vreg.gather [hbm4b:s5+s3], $0x80, v3, vm0, $0xb8;
	[tilespmem:$0x18580] =	vst v63  }
0x5f: {  	s12 =	simm.s32 $0x8800  }
0x60: {  	[tilespmem:s12], [sflag:$0x2] =	stream.indirect_vreg.gather [hbm4b:s6+s3], $0x80, v3, vm0, $0xb8;
	[tilespmem:$0x18580] =	vst v63  }
0x61: {  	v3 =	vld [tilespmem:$0x18410];
	_ =	sdelay $0x4  }
0x62: {  	v59 =	vshrl.u32 v3, $0x3  }
0x63: {  	v4 =	vmul.u32 $0x30, v59  }
0x64: {  	v3 =	vand.u32 $0x7, v3  }
0x65: {  	v3 =	vor.u32 v3, v4  }
0x66: {  	v4 =	vperm.xlane v3, v0;
	_ =	sdelay $0x1  }
0x67: {  	v4 =	vadd.s32 v1, v4;
	_ =	sdelay $0x3  }
0x68: {  	s10 =	simm.s32 $0x9000;
	v3 =	vperm.xlane v3, v2  }
0x69: {  	[tilespmem:s10], [sflag:$0x2] =	stream.indirect_vreg.gather [hbm4b:s2+s3], $0x80, v4, vm0, $0xb8;
	[tilespmem:$0x18580] =	vst v63  }
0x6a: {  	s11 =	simm.s32 $0x9800;
	v3 =	vadd.s32 v1, v3  }
0x6b: {  	[tilespmem:s11], [sflag:$0x2] =	stream.indirect_vreg.gather [hbm4b:s5+s3], $0x80, v4, vm0, $0xb8;
	[tilespmem:$0x18580] =	vst v63  }
0x6c: {  	s12 =	simm.s32 $0xA000  }
0x6d: {  	[tilespmem:s12], [sflag:$0x2] =	stream.indirect_vreg.gather [hbm4b:s6+s3], $0x80, v4, vm0, $0xb8;
	[tilespmem:$0x18580] =	vst v63  }
0x6e: {  	s10 =	simm.s32 $0xA800  }
0x6f: {  	[tilespmem:s10], [sflag:$0x2] =	stream.indirect_vreg.gather [hbm4b:s2+s3], $0x80, v3, vm0, $0xb8;
	[tilespmem:$0x18580] =	vst v63  }
0x70: {  	s11 =	simm.s32 $0xB000  }
0x71: {  	[tilespmem:s11], [sflag:$0x2] =	stream.indirect_vreg.gather [hbm4b:s5+s3], $0x80, v3, vm0, $0xb8;
	[tilespmem:$0x18580] =	vst v63  }
0x72: {  	s12 =	simm.s32 $0xB800  }
0x73: {  	[tilespmem:s12], [sflag:$0x2] =	stream.indirect_vreg.gather [hbm4b:s6+s3], $0x80, v3, vm0, $0xb8;
	[tilespmem:$0x18580] =	vst v63  }
0x74: {  	v3 =	vld [tilespmem:$0x18040];
	_ =	sdelay $0x4  }
0x75: {  	v60 =	vshrl.u32 v3, $0x3  }
0x76: {  	v4 =	vmul.u32 $0x30, v60  }
0x77: {  	v61 =	vand.u32 $0x7, v3  }
0x78: {  	v4 =	vor.u32 v61, v4  }
0x79: {  	v5 =	vperm.xlane v4, v0  }
0x7a: {  	v62 =	vld [tilespmem:$0x18050]  }
0x7b: {  	v5 =	vadd.s32 v1, v5;
	_ =	sdelay $0x2  }
0x7c: {  	[tilespmem:$0x18480] =	vst v3  }
0x7d: {  	[tilespmem:$0x18490] =	vst v62;
	v3 =	vperm.xlane v4, v2  }
0x7e: {  	[tilespmem:s8], [sflag:$0x3] =	stream.indirect_vreg.gather [hbm4b:s2+s3], $0x80, v5, vm0, $0xb8;
	[tilespmem:$0x18580] =	vst v63  }
0x7f: {  	s10 =	simm.s32 $0xC800;
	v3 =	vadd.s32 v1, v3  }
0x80: {  	[tilespmem:s10], [sflag:$0x3] =	stream.indirect_vreg.gather [hbm4b:s5+s3], $0x80, v5, vm0, $0xb8;
	[tilespmem:$0x18580] =	vst v63  }
0x81: {  	s11 =	simm.s32 $0xD000  }
0x82: {  	[tilespmem:s11], [sflag:$0x3] =	stream.indirect_vreg.gather [hbm4b:s6+s3], $0x80, v5, vm0, $0xb8;
	[tilespmem:$0x18580] =	vst v63  }
0x83: {  	s12 =	simm.s32 $0xD800  }
0x84: {  	[tilespmem:s12], [sflag:$0x3] =	stream.indirect_vreg.gather [hbm4b:s2+s3], $0x80, v3, vm0, $0xb8;
	[tilespmem:$0x18580] =	vst v63  }
0x85: {  	_ = 	snop  }
0x86: {  	[tilespmem:s13], [sflag:$0x3] =	stream.indirect_vreg.gather [hbm4b:s5+s3], $0x80, v3, vm0, $0xb8;
	[tilespmem:$0x18580] =	vst v63  }
0x87: {  	_ = 	snop  }
0x88: {  	[tilespmem:s14], [sflag:$0x3] =	stream.indirect_vreg.gather [hbm4b:s6+s3], $0x80, v3, vm0, $0xb8;
	[tilespmem:$0x18580] =	vst v63  }
0x89: {  	v3 =	vld [tilespmem:$0x18490];
	_ =	sdelay $0x4  }
0x8a: {  	v63 =	vshrl.u32 v3, $0x3  }
0x8b: {  	v4 =	vmul.u32 $0x30, v63  }
0x8c: {  	v3 =	vand.u32 $0x7, v3  }
0x8d: {  	v3 =	vor.u32 v3, v4  }
0x8e: {  	v4 =	vperm.xlane v3, v0;
	_ =	sdelay $0x1  }
0x8f: {  	v4 =	vadd.s32 v1, v4;
	_ =	sdelay $0x3  }
0x90: {  	v3 =	vperm.xlane v3, v2  }
0x91: {  	[tilespmem:s15], [sflag:$0x3] =	stream.indirect_vreg.gather [hbm4b:s2+s3], $0x80, v4, vm0, $0xb8;
	[tilespmem:$0x18580] =	vst v63  }
0x92: {  	v3 =	vadd.s32 v1, v3  }
0x93: {  	[tilespmem:s16], [sflag:$0x3] =	stream.indirect_vreg.gather [hbm4b:s5+s3], $0x80, v4, vm0, $0xb8;
	[tilespmem:$0x18580] =	vst v63  }
0x94: {  	_ = 	snop  }
0x95: {  	[tilespmem:s17], [sflag:$0x3] =	stream.indirect_vreg.gather [hbm4b:s6+s3], $0x80, v4, vm0, $0xb8;
	[tilespmem:$0x18580] =	vst v63  }
0x96: {  	_ = 	snop  }
0x97: {  	[tilespmem:s18], [sflag:$0x3] =	stream.indirect_vreg.gather [hbm4b:s2+s3], $0x80, v3, vm0, $0xb8;
	[tilespmem:$0x18580] =	vst v63  }
0x98: {  	_ = 	snop  }
0x99: {  	[tilespmem:s19], [sflag:$0x3] =	stream.indirect_vreg.gather [hbm4b:s5+s3], $0x80, v3, vm0, $0xb8;
	[tilespmem:$0x18580] =	vst v63  }
0x9a: {  	s1 =	simm.s32 $0x18070;
	s10 =	simm.s32 $0x0  }
0x9b: {  	[tilespmem:s20], [sflag:$0x3] =	stream.indirect_vreg.gather [hbm4b:s6+s3], $0x80, v3, vm0, $0xb8;
	[tilespmem:$0x18580] =	vst v63  }
.LBB2_2:
0x9c: {  	v3 =	vld [tilespmem:s1+$0xFFFFFFF0];
	_ =	sdelay $0x4  }
0x9d: {  	v4 =	vshrl.u32 v3, $0x3  }
0x9e: {  	[tilespmem:$0x18500] =	vst v3;
	v4 =	vmul.u32 $0x30, v4  }
0x9f: {  	v3 =	vand.u32 $0x7, v3;
	v5 =	vld [tilespmem:s1+$0x0]  }
0xa0: {  	v3 =	vor.u32 v3, v4  }
0xa1: {  	v4 =	vperm.xlane v3, v0;
	_ =	sdelay $0x1  }
0xa2: {  	p0 =	seq.s32 s10, $0x0;
	v4 =	vadd.s32 v1, v4  }
0xa3: {  	s11 =	simm.s32 @!p0 $0x8;
	[tilespmem:$0x18510] =	vst v5  }
0xa4: {  	_ =	swait.ge @!p0 [sflag:s11], $0x6000  }
0xa5: {  	[sflag:s11] =	ssyncset.done @!p0 $0x0  }
0xa6: {  	v3 =	vperm.xlane v3, v2;
	[sflag:s11] =	ssyncadd.s32 @!p0 $0xFFFFA000  }
0xa7: {  	[tilespmem:s22], [sflag:$0x4] =	stream.indirect_vreg.gather [hbm4b:s2+s3], $0x80, v4, vm0, $0xb8;
	[tilespmem:$0x18580] =	vst v63  }
0xa8: {  	v3 =	vadd.s32 v1, v3;
	s11 =	rddreg [dreg:$0x8]  }
0xa9: {  	[tilespmem:s11], [sflag:$0x4] =	stream.indirect_vreg.gather [hbm4b:s5+s3], $0x80, v4, vm0, $0xb8;
	[tilespmem:$0x18580] =	vst v63  }
0xaa: {  	s12 =	rddreg [dreg:$0x9]  }
0xab: {  	[tilespmem:s12], [sflag:$0x4] =	stream.indirect_vreg.gather [hbm4b:s6+s3], $0x80, v4, vm0, $0xb8;
	[tilespmem:$0x18580] =	vst v63  }
0xac: {  	s11 =	rddreg [dreg:$0xa]  }
0xad: {  	[tilespmem:s11], [sflag:$0x4] =	stream.indirect_vreg.gather [hbm4b:s2+s3], $0x80, v3, vm0, $0xb8;
	[tilespmem:$0x18580] =	vst v63  }
0xae: {  	s12 =	rddreg [dreg:$0xb]  }
0xaf: {  	[tilespmem:s12], [sflag:$0x4] =	stream.indirect_vreg.gather [hbm4b:s5+s3], $0x80, v3, vm0, $0xb8;
	[tilespmem:$0x18580] =	vst v63  }
0xb0: {  	s11 =	rddreg [dreg:$0xc]  }
0xb1: {  	[tilespmem:s11], [sflag:$0x4] =	stream.indirect_vreg.gather [hbm4b:s6+s3], $0x80, v3, vm0, $0xb8;
	[tilespmem:$0x18580] =	vst v63  }
0xb2: {  	v3 =	vld [tilespmem:$0x18510];
	_ =	sdelay $0x4  }
0xb3: {  	v63 =	vshrl.u32 v3, $0x3  }
0xb4: {  	v4 =	vmul.u32 $0x30, v63  }
0xb5: {  	v3 =	vand.u32 $0x7, v3  }
0xb6: {  	v3 =	vor.u32 v3, v4  }
0xb7: {  	v4 =	vperm.xlane v3, v0;
	_ =	sdelay $0x1  }
0xb8: {  	v4 =	vadd.s32 v1, v4;
	_ =	sdelay $0x3  }
0xb9: {  	s11 =	rddreg [dreg:$0xd];
	v3 =	vperm.xlane v3, v2  }
0xba: {  	[tilespmem:s11], [sflag:$0x4] =	stream.indirect_vreg.gather [hbm4b:s2+s3], $0x80, v4, vm0, $0xb8;
	[tilespmem:$0x18580] =	vst v63  }
0xbb: {  	s12 =	rddreg [dreg:$0xe];
	v3 =	vadd.s32 v1, v3  }
0xbc: {  	[tilespmem:s12], [sflag:$0x4] =	stream.indirect_vreg.gather [hbm4b:s5+s3], $0x80, v4, vm0, $0xb8;
	[tilespmem:$0x18580] =	vst v63  }
0xbd: {  	s11 =	rddreg [dreg:$0xf]  }
0xbe: {  	[tilespmem:s11], [sflag:$0x4] =	stream.indirect_vreg.gather [hbm4b:s6+s3], $0x80, v4, vm0, $0xb8;
	[tilespmem:$0x18580] =	vst v63  }
0xbf: {  	s12 =	rddreg [dreg:$0x10]  }
0xc0: {  	[tilespmem:s12], [sflag:$0x4] =	stream.indirect_vreg.gather [hbm4b:s2+s3], $0x80, v3, vm0, $0xb8;
	[tilespmem:$0x18580] =	vst v63  }
0xc1: {  	s11 =	rddreg [dreg:$0x11]  }
0xc2: {  	[tilespmem:s11], [sflag:$0x4] =	stream.indirect_vreg.gather [hbm4b:s5+s3], $0x80, v3, vm0, $0xb8;
	[tilespmem:$0x18580] =	vst v63  }
0xc3: {  	s12 =	rddreg [dreg:$0x12]  }
0xc4: {  	[tilespmem:s12], [sflag:$0x4] =	stream.indirect_vreg.gather [hbm4b:s6+s3], $0x80, v3, vm0, $0xb8;
	[tilespmem:$0x18580] =	vst v63  }
0xc5: {  	_ =	swait.ge [sflag:s23], $0x6000  }
0xc6: {  	s12 =	rddreg [dreg:$0x5];
	[sflag:s23] =	ssyncset.done $0x0  }
0xc7: {  	p0 =	seq.s32 s10, $0x12000;
	[sflag:s23] =	ssyncadd.s32 $0xFFFFA000;
	s11 =	sadd.s32 s10, s12  }
0xc8: {  	[hbm4b:s11+s3] =	stream.linear.scatter [tilespmem:s3], [sflag:$0x5], $0x6000, $0x38;
	[tilespmem:$0x18580] =	vst v63  }
0xc9: {  	v3 =	vld @!p0 [tilespmem:s1+$0x10];
	_ =	sdelay $0x4  }
0xca: {  	v4 =	vshrl.u32 @!p0 v3, $0x3  }
0xcb: {  	[tilespmem:$0x18380] =	vst @!p0 v3;
	v4 =	vmul.u32 @!p0 $0x30, v4  }
0xcc: {  	v6 =	vlaneseq.u32 @!p0;
	v3 =	vand.u32 @!p0 $0x7, v3;
	v5 =	vld @!p0 [tilespmem:s1+$0x20]  }
0xcd: {  	v7 =	vor.u32 @!p0 v3, v4;
	v4 =	vand.u32 @!p0 $0x7, v6;
	v3 =	vshrl.u32 @!p0 v6, $0x3  }
0xce: {  	v8 =	vperm.xlane @!p0 v7, v4;
	v3 =	vmul.u32 @!p0 $0x8, v3;
	_ =	sdelay $0x1  }
0xcf: {  	v8 =	vadd.s32 @!p0 v3, v8  }
0xd0: {  	s11 =	simm.s32 @!p0 $0x5;
	[tilespmem:$0x18390] =	vst @!p0 v5  }
0xd1: {  	_ =	swait.ge @!p0 [sflag:s11], $0x6000  }
0xd2: {  	v5 =	vor.u32 @!p0 $0x8, v6;
	[sflag:s11] =	ssyncset.done @!p0 $0x0  }
0xd3: {  	vm1 =	vmmov @!p0 $0xffff;
	v6 =	vperm.xlane @!p0 v7, v5;
	[sflag:s11] =	ssyncadd.s32 @!p0 $0xFFFFA000;
	s11 =	simm.s32 @!p0 $0x0  }
0xd4: {  	[tilespmem:s11], [sflag:$0x1] =	stream.indirect_vreg.gather @!p0 [hbm4b:s2+s11], $0x80, v8, vm1, $0xb8;
	[tilespmem:$0x18580] =	vst v63  }
0xd5: {  	s12 =	simm.s32 @!p0 $0x800;
	v6 =	vadd.s32 @!p0 v3, v6  }
0xd6: {  	[tilespmem:s12], [sflag:$0x1] =	stream.indirect_vreg.gather @!p0 [hbm4b:s5+s11], $0x80, v8, vm1, $0xb8;
	[tilespmem:$0x18580] =	vst v63  }
0xd7: {  	s12 =	simm.s32 @!p0 $0x1000  }
0xd8: {  	[tilespmem:s12], [sflag:$0x1] =	stream.indirect_vreg.gather @!p0 [hbm4b:s6+s11], $0x80, v8, vm1, $0xb8;
	[tilespmem:$0x18580] =	vst v63  }
0xd9: {  	s12 =	simm.s32 @!p0 $0x1800  }
0xda: {  	[tilespmem:s12], [sflag:$0x1] =	stream.indirect_vreg.gather @!p0 [hbm4b:s2+s11], $0x80, v6, vm1, $0xb8;
	[tilespmem:$0x18580] =	vst v63  }
0xdb: {  	s12 =	simm.s32 @!p0 $0x2000  }
0xdc: {  	[tilespmem:s12], [sflag:$0x1] =	stream.indirect_vreg.gather @!p0 [hbm4b:s5+s11], $0x80, v6, vm1, $0xb8;
	[tilespmem:$0x18580] =	vst v63  }
0xdd: {  	s12 =	simm.s32 @!p0 $0x2800  }
0xde: {  	[tilespmem:s12], [sflag:$0x1] =	stream.indirect_vreg.gather @!p0 [hbm4b:s6+s11], $0x80, v6, vm1, $0xb8;
	[tilespmem:$0x18580] =	vst v63  }
0xdf: {  	v6 =	vld @!p0 [tilespmem:$0x18390];
	_ =	sdelay $0x4  }
0xe0: {  	v7 =	vshrl.u32 @!p0 v6, $0x3  }
0xe1: {  	v7 =	vmul.u32 @!p0 $0x30, v7  }
0xe2: {  	v6 =	vand.u32 @!p0 $0x7, v6  }
0xe3: {  	v6 =	vor.u32 @!p0 v6, v7  }
0xe4: {  	v7 =	vperm.xlane @!p0 v6, v4;
	_ =	sdelay $0x1  }
0xe5: {  	v7 =	vadd.s32 @!p0 v3, v7;
	_ =	sdelay $0x3  }
0xe6: {  	s12 =	simm.s32 @!p0 $0x3000;
	v6 =	vperm.xlane @!p0 v6, v5  }
0xe7: {  	[tilespmem:s12], [sflag:$0x1] =	stream.indirect_vreg.gather @!p0 [hbm4b:s2+s11], $0x80, v7, vm1, $0xb8;
	[tilespmem:$0x18580] =	vst v63  }
0xe8: {  	v6 =	vadd.s32 @!p0 v3, v6;
	s12 =	simm.s32 @!p0 $0x3800  }
0xe9: {  	[tilespmem:s12], [sflag:$0x1] =	stream.indirect_vreg.gather @!p0 [hbm4b:s5+s11], $0x80, v7, vm1, $0xb8;
	[tilespmem:$0x18580] =	vst v63  }
0xea: {  	s12 =	simm.s32 @!p0 $0x4000  }
0xeb: {  	[tilespmem:s12], [sflag:$0x1] =	stream.indirect_vreg.gather @!p0 [hbm4b:s6+s11], $0x80, v7, vm1, $0xb8;
	[tilespmem:$0x18580] =	vst v63  }
0xec: {  	s12 =	simm.s32 @!p0 $0x4800  }
0xed: {  	[tilespmem:s12], [sflag:$0x1] =	stream.indirect_vreg.gather @!p0 [hbm4b:s2+s11], $0x80, v6, vm1, $0xb8;
	[tilespmem:$0x18580] =	vst v63  }
0xee: {  	s12 =	simm.s32 @!p0 $0x5000  }
0xef: {  	[tilespmem:s12], [sflag:$0x1] =	stream.indirect_vreg.gather @!p0 [hbm4b:s5+s11], $0x80, v6, vm1, $0xb8;
	[tilespmem:$0x18580] =	vst v63  }
0xf0: {  	s12 =	simm.s32 @!p0 $0x5800  }
0xf1: {  	[tilespmem:s12], [sflag:$0x1] =	stream.indirect_vreg.gather @!p0 [hbm4b:s6+s11], $0x80, v6, vm1, $0xb8;
	[tilespmem:$0x18580] =	vst v63  }
0xf2: {  	_ =	swait.ge [sflag:s24], $0x6000  }
0xf3: {  	s12 =	rddreg [dreg:$0x6];
	[sflag:s24] =	ssyncset.done $0x0  }
0xf4: {  	[sflag:s24] =	ssyncadd.s32 $0xFFFFA000;
	s12 =	sadd.s32 s10, s12  }
0xf5: {  	[hbm4b:s12+s3] =	stream.linear.scatter [tilespmem:s21], [sflag:$0x6], $0x6000, $0x38;
	[tilespmem:$0x18580] =	vst v63  }
0xf6: {  	v6 =	vld @!p0 [tilespmem:s1+$0x30];
	_ =	sdelay $0x4  }
0xf7: {  	v7 =	vshrl.u32 @!p0 v6, $0x3  }
0xf8: {  	[tilespmem:$0x18400] =	vst @!p0 v6;
	v7 =	vmul.u32 @!p0 $0x30, v7  }
0xf9: {  	v6 =	vand.u32 @!p0 $0x7, v6;
	v8 =	vld @!p0 [tilespmem:s1+$0x40]  }
0xfa: {  	v6 =	vor.u32 @!p0 v6, v7  }
0xfb: {  	v7 =	vperm.xlane @!p0 v6, v4;
	_ =	sdelay $0x1  }
0xfc: {  	v7 =	vadd.s32 @!p0 v3, v7  }
0xfd: {  	s12 =	simm.s32 @!p0 $0x6;
	[tilespmem:$0x18410] =	vst @!p0 v8  }
0xfe: {  	_ =	swait.ge @!p0 [sflag:s12], $0x6000  }
0xff: {  	[sflag:s12] =	ssyncset.done @!p0 $0x0  }
0x100: {  	v6 =	vperm.xlane @!p0 v6, v5;
	[sflag:s12] =	ssyncadd.s32 @!p0 $0xFFFFA000;
	s12 =	simm.s32 @!p0 $0x6000  }
0x101: {  	[tilespmem:s12], [sflag:$0x2] =	stream.indirect_vreg.gather @!p0 [hbm4b:s2+s11], $0x80, v7, vm1, $0xb8;
	[tilespmem:$0x18580] =	vst v63  }
0x102: {  	v6 =	vadd.s32 @!p0 v3, v6;
	s12 =	simm.s32 @!p0 $0x6800  }
0x103: {  	[tilespmem:s12], [sflag:$0x2] =	stream.indirect_vreg.gather @!p0 [hbm4b:s5+s11], $0x80, v7, vm1, $0xb8;
	[tilespmem:$0x18580] =	vst v63  }
0x104: {  	s12 =	simm.s32 @!p0 $0x7000  }
0x105: {  	[tilespmem:s12], [sflag:$0x2] =	stream.indirect_vreg.gather @!p0 [hbm4b:s6+s11], $0x80, v7, vm1, $0xb8;
	[tilespmem:$0x18580] =	vst v63  }
0x106: {  	s12 =	simm.s32 @!p0 $0x7800  }
0x107: {  	[tilespmem:s12], [sflag:$0x2] =	stream.indirect_vreg.gather @!p0 [hbm4b:s2+s11], $0x80, v6, vm1, $0xb8;
	[tilespmem:$0x18580] =	vst v63  }
0x108: {  	s12 =	simm.s32 @!p0 $0x8000  }
0x109: {  	[tilespmem:s12], [sflag:$0x2] =	stream.indirect_vreg.gather @!p0 [hbm4b:s5+s11], $0x80, v6, vm1, $0xb8;
	[tilespmem:$0x18580] =	vst v63  }
0x10a: {  	s12 =	simm.s32 @!p0 $0x8800  }
0x10b: {  	[tilespmem:s12], [sflag:$0x2] =	stream.indirect_vreg.gather @!p0 [hbm4b:s6+s11], $0x80, v6, vm1, $0xb8;
	[tilespmem:$0x18580] =	vst v63  }
0x10c: {  	v6 =	vld @!p0 [tilespmem:$0x18410];
	_ =	sdelay $0x4  }
0x10d: {  	v7 =	vshrl.u32 @!p0 v6, $0x3  }
0x10e: {  	v7 =	vmul.u32 @!p0 $0x30, v7  }
0x10f: {  	v6 =	vand.u32 @!p0 $0x7, v6  }
0x110: {  	v6 =	vor.u32 @!p0 v6, v7  }
0x111: {  	v7 =	vperm.xlane @!p0 v6, v4;
	_ =	sdelay $0x1  }
0x112: {  	v7 =	vadd.s32 @!p0 v3, v7;
	_ =	sdelay $0x3  }
0x113: {  	s12 =	simm.s32 @!p0 $0x9000;
	v6 =	vperm.xlane @!p0 v6, v5  }
0x114: {  	[tilespmem:s12], [sflag:$0x2] =	stream.indirect_vreg.gather @!p0 [hbm4b:s2+s11], $0x80, v7, vm1, $0xb8;
	[tilespmem:$0x18580] =	vst v63  }
0x115: {  	v6 =	vadd.s32 @!p0 v3, v6;
	s12 =	simm.s32 @!p0 $0x9800  }
0x116: {  	[tilespmem:s12], [sflag:$0x2] =	stream.indirect_vreg.gather @!p0 [hbm4b:s5+s11], $0x80, v7, vm1, $0xb8;
	[tilespmem:$0x18580] =	vst v63  }
0x117: {  	s12 =	simm.s32 @!p0 $0xA000  }
0x118: {  	[tilespmem:s12], [sflag:$0x2] =	stream.indirect_vreg.gather @!p0 [hbm4b:s6+s11], $0x80, v7, vm1, $0xb8;
	[tilespmem:$0x18580] =	vst v63  }
0x119: {  	s12 =	simm.s32 @!p0 $0xA800  }
0x11a: {  	[tilespmem:s12], [sflag:$0x2] =	stream.indirect_vreg.gather @!p0 [hbm4b:s2+s11], $0x80, v6, vm1, $0xb8;
	[tilespmem:$0x18580] =	vst v63  }
0x11b: {  	s12 =	simm.s32 @!p0 $0xB000  }
0x11c: {  	[tilespmem:s12], [sflag:$0x2] =	stream.indirect_vreg.gather @!p0 [hbm4b:s5+s11], $0x80, v6, vm1, $0xb8;
	[tilespmem:$0x18580] =	vst v63  }
0x11d: {  	s12 =	simm.s32 @!p0 $0xB800  }
0x11e: {  	[tilespmem:s12], [sflag:$0x2] =	stream.indirect_vreg.gather @!p0 [hbm4b:s6+s11], $0x80, v6, vm1, $0xb8;
	[tilespmem:$0x18580] =	vst v63  }
0x11f: {  	_ =	swait.ge [sflag:s25], $0x6000  }
0x120: {  	s12 =	rddreg [dreg:$0x7];
	[sflag:s25] =	ssyncset.done $0x0  }
0x121: {  	[sflag:s25] =	ssyncadd.s32 $0xFFFFA000;
	s12 =	sadd.s32 s10, s12  }
0x122: {  	[hbm4b:s12+s3] =	stream.linear.scatter [tilespmem:s8], [sflag:$0x7], $0x6000, $0x38;
	[tilespmem:$0x18580] =	vst v63  }
0x123: {  	v6 =	vld @!p0 [tilespmem:s1+$0x50];
	_ =	sdelay $0x4  }
0x124: {  	v7 =	vshrl.u32 @!p0 v6, $0x3  }
0x125: {  	[tilespmem:$0x18480] =	vst @!p0 v6;
	v7 =	vmul.u32 @!p0 $0x30, v7  }
0x126: {  	v6 =	vand.u32 @!p0 $0x7, v6;
	v8 =	vld @!p0 [tilespmem:s1+$0x60]  }
0x127: {  	v6 =	vor.u32 @!p0 v6, v7  }
0x128: {  	v7 =	vperm.xlane @!p0 v6, v4;
	_ =	sdelay $0x1  }
0x129: {  	v7 =	vadd.s32 @!p0 v3, v7  }
0x12a: {  	s12 =	simm.s32 @!p0 $0x7;
	[tilespmem:$0x18490] =	vst @!p0 v8  }
0x12b: {  	_ =	swait.ge @!p0 [sflag:s12], $0x6000  }
0x12c: {  	[sflag:s12] =	ssyncset.done @!p0 $0x0  }
0x12d: {  	v6 =	vperm.xlane @!p0 v6, v5;
	[sflag:s12] =	ssyncadd.s32 @!p0 $0xFFFFA000;
	s12 =	simm.s32 @!p0 $0xC000  }
0x12e: {  	[tilespmem:s12], [sflag:$0x3] =	stream.indirect_vreg.gather @!p0 [hbm4b:s2+s11], $0x80, v7, vm1, $0xb8;
	[tilespmem:$0x18580] =	vst v63  }
0x12f: {  	v6 =	vadd.s32 @!p0 v3, v6;
	s12 =	simm.s32 @!p0 $0xC800  }
0x130: {  	[tilespmem:s12], [sflag:$0x3] =	stream.indirect_vreg.gather @!p0 [hbm4b:s5+s11], $0x80, v7, vm1, $0xb8;
	[tilespmem:$0x18580] =	vst v63  }
0x131: {  	s12 =	simm.s32 @!p0 $0xD000  }
0x132: {  	[tilespmem:s12], [sflag:$0x3] =	stream.indirect_vreg.gather @!p0 [hbm4b:s6+s11], $0x80, v7, vm1, $0xb8;
	[tilespmem:$0x18580] =	vst v63  }
0x133: {  	s12 =	simm.s32 @!p0 $0xD800  }
0x134: {  	[tilespmem:s12], [sflag:$0x3] =	stream.indirect_vreg.gather @!p0 [hbm4b:s2+s11], $0x80, v6, vm1, $0xb8;
	[tilespmem:$0x18580] =	vst v63  }
0x135: {  	s12 =	simm.s32 @!p0 $0xE000  }
0x136: {  	[tilespmem:s12], [sflag:$0x3] =	stream.indirect_vreg.gather @!p0 [hbm4b:s5+s11], $0x80, v6, vm1, $0xb8;
	[tilespmem:$0x18580] =	vst v63  }
0x137: {  	s12 =	simm.s32 @!p0 $0xE800  }
0x138: {  	[tilespmem:s12], [sflag:$0x3] =	stream.indirect_vreg.gather @!p0 [hbm4b:s6+s11], $0x80, v6, vm1, $0xb8;
	[tilespmem:$0x18580] =	vst v63  }
0x139: {  	v6 =	vld @!p0 [tilespmem:$0x18490];
	_ =	sdelay $0x4  }
0x13a: {  	v7 =	vshrl.u32 @!p0 v6, $0x3  }
0x13b: {  	v7 =	vmul.u32 @!p0 $0x30, v7  }
0x13c: {  	v6 =	vand.u32 @!p0 $0x7, v6  }
0x13d: {  	v6 =	vor.u32 @!p0 v6, v7  }
0x13e: {  	v4 =	vperm.xlane @!p0 v6, v4;
	_ =	sdelay $0x1  }
0x13f: {  	v4 =	vadd.s32 @!p0 v3, v4;
	_ =	sdelay $0x3  }
0x140: {  	s12 =	simm.s32 @!p0 $0xF000;
	v5 =	vperm.xlane @!p0 v6, v5  }
0x141: {  	[tilespmem:s12], [sflag:$0x3] =	stream.indirect_vreg.gather @!p0 [hbm4b:s2+s11], $0x80, v4, vm1, $0xb8;
	[tilespmem:$0x18580] =	vst v63  }
0x142: {  	v3 =	vadd.s32 @!p0 v3, v5;
	s12 =	simm.s32 @!p0 $0xF800  }
0x143: {  	[tilespmem:s12], [sflag:$0x3] =	stream.indirect_vreg.gather @!p0 [hbm4b:s5+s11], $0x80, v4, vm1, $0xb8;
	[tilespmem:$0x18580] =	vst v63  }
0x144: {  	s12 =	simm.s32 @!p0 $0x10000  }
0x145: {  	[tilespmem:s12], [sflag:$0x3] =	stream.indirect_vreg.gather @!p0 [hbm4b:s6+s11], $0x80, v4, vm1, $0xb8;
	[tilespmem:$0x18580] =	vst v63  }
0x146: {  	s12 =	simm.s32 @!p0 $0x10800  }
0x147: {  	[tilespmem:s12], [sflag:$0x3] =	stream.indirect_vreg.gather @!p0 [hbm4b:s2+s11], $0x80, v3, vm1, $0xb8;
	[tilespmem:$0x18580] =	vst v63  }
0x148: {  	s12 =	simm.s32 @!p0 $0x11000  }
0x149: {  	[tilespmem:s12], [sflag:$0x3] =	stream.indirect_vreg.gather @!p0 [hbm4b:s5+s11], $0x80, v3, vm1, $0xb8;
	[tilespmem:$0x18580] =	vst v63  }
0x14a: {  	s12 =	simm.s32 @!p0 $0x11800  }
0x14b: {  	[tilespmem:s12], [sflag:$0x3] =	stream.indirect_vreg.gather @!p0 [hbm4b:s6+s11], $0x80, v3, vm1, $0xb8;
	[tilespmem:$0x18580] =	vst v63  }
0x14c: {  	_ =	swait.ge [sflag:s26], $0x6000  }
0x14d: {  	s12 =	rddreg [dreg:$0x4]  }
0x14e: {  	s11 =	sadd.s32 s10, s12;
	s10 =	sadd.s32 $0x3000, s10  }
0x14f: {  	p0 =	sne.s32 s10, $0x15000  }
.Ltmp0:
0x150: {  	_ = 	snop;
	(pc) =	sbr.rel @p0 .LBB2_2-.Ltmp0, $4  }
0x151: {  	_ = 	snop  }
0x152: {  	[sflag:s26] =	ssyncset.done $0x0  }
0x153: {  	s1 =	sadd.s32 $0x80, s1;
	[sflag:s26] =	ssyncadd.s32 $0xFFFFA000  }
0x154: {  	[hbm4b:s11+s3] =	stream.linear.scatter [tilespmem:s22], [sflag:$0x8], $0x6000, $0x38;
	[tilespmem:$0x18580] =	vst v63  }
0x155: {  	_ =	swait.ge [sflag:s28], $0x6000  }
0x156: {  	[sflag:s28] =	ssyncset.done $0x0  }
0x157: {  	[sflag:s28] =	ssyncadd.s32 $0xFFFFA000  }
0x158: {  	_ =	swait.ge [sflag:s29], $0x6000  }
0x159: {  	[sflag:s29] =	ssyncset.done $0x0  }
0x15a: {  	s0 =	sadd.s32 $0x1, s0;
	[sflag:s29] =	ssyncadd.s32 $0xFFFFA000  }
0x15b: {  	p0 =	sne.s32 s0, s7;
	_ =	swait.ge [sflag:s30], $0x6000  }
.Ltmp1:
0x15c: {  	[sflag:s30] =	ssyncset.done $0x0;
	(pc) =	sbr.rel @p0 .LBB2_1-.Ltmp1, $4  }
0x15d: {  	[sflag:s30] =	ssyncadd.s32 $0xFFFFA000  }
0x15e: {  	_ =	swait.ge [sflag:s31], $0x6000  }
0x15f: {  	[sflag:s31] =	ssyncset.done $0x0  }
0x160: {  	[sflag:s31] =	ssyncadd.s32 $0xFFFFA000  }
0x161: {  	_ =	sfence.sel $0x180000  }
0x162: {  	[bflag:$0x0] =	sbarrier.arrive $0xFFFF  }
0x163: {  	_ =	strace $0x9000004A  }
0x164: {  	s0 =	stileid.u32;
	[bflag:$0x2] =	sbarrier.arrive $0xFFFF  }
0x165: {  	p0 =	sne.s32 s0, $0x0;
	s0 =	rddreg [dreg:$0x3]  }
0x166: {  	s0 =	sadd.s32 @!p0 $0x100000, s0  }
0x167: {  	[sflag:s0] =	ssyncadd.tile.s32 @!p0 $0x1;
	_ =	shalt  }
.Lfunc_end2:
_tile_overlayer_lowered:
.L_overlay_start_2:
0x168: {  	(tag) =	ssettag $0x2  }
0x169: {  	s0 =	rddreg [dreg:$0x0];
	s2 =	stileid.u32  }
0x16a: {  	s1 =	rddreg [dreg:$0x1];
	p0 =	sne.s32 s2, $0x0  }
0x16b: {  	s3 =	rddreg [dreg:$0x2];
	[bflag:$0x3] =	sbarrier.arrive $0xFFFF;
	s2 =	simm.s32 @!p0 $0x1C09  }
0x16c: {  	[timem:s3], [sflag:s2] =	dma.local @!p0 [hbm:s0], s1  }
0x16d: {  	s0 =	simm.s32 @!p0 $0x9  }
0x16e: {  	_ =	swait.ge @!p0 [sflag:s0], s1  }
0x16f: {  	s1 =	ssub.s32 @!p0 $0x0, s1;
	[sflag:s0] =	ssyncset.done @!p0 $0x0  }
0x170: {  	[sflag:s0] =	ssyncadd.s32 @!p0 s1  }
0x171: {  	[bflag:$0x3] =	sbarrier.arrive $0xFFFF  }
0x172: {  	_ =	shalt  }

</sc_bundles>
